<compile_context>
chip_gen: v7x
topology: tpu7x:2x2x1
jax: 0.10.2.dev20260603
libtpu: 0.0.44.dev20260713+nightly
codegen_flags: <defaults>
</compile_context>

<pallas_src>
import jax
import jax.numpy as jnp
from jax import lax
from jax.experimental import pallas as pl
from jax.experimental.pallas import tpu as pltpu
from jax.experimental.pallas import tpu_sc as plsc

_MAXC = 4
_LANES = 16
_NWORKERS = 32


def _sc_sample(weights, thresh, mask):
    n_in, n_out = weights.shape
    nq = thresh.shape[1]
    rows_per_w = n_in // _NWORKERS
    n_chunk = n_out // _LANES
    n_grp = n_chunk // _LANES

    mesh = plsc.VectorSubcoreMesh(core_axis_name="c", subcore_axis_name="s")

    @jax.jit
    def run(w, t, m):
        @pl.kernel(
            mesh=mesh,
            compiler_params=pltpu.CompilerParams(needs_layout_passes=False),
            out_type=jax.ShapeDtypeStruct((n_in, nq), jnp.int32),
            scratch_types=[
                pltpu.VMEM((n_out,), jnp.float32),
                pltpu.VMEM((n_out,), jnp.float32),
                pltpu.VMEM((n_chunk,), jnp.float32),
                pltpu.VMEM((rows_per_w, nq), jnp.float32),
                pltpu.VMEM((rows_per_w, nq), jnp.int32),
                pltpu.VMEM((rows_per_w, nq), jnp.int32),
                pltpu.SemaphoreType.DMA,
                pltpu.SemaphoreType.DMA,
            ],
        )
        def k(w_hbm, t_hbm, m_hbm, out_hbm, row_a, row_b, l1_v, t_v, m_v, o_v,
              sem_a, sem_b):
            wid = lax.axis_index("s") * 2 + lax.axis_index("c")
            base = wid * rows_per_w
            pltpu.sync_copy(t_hbm.at[pl.ds(base, rows_per_w)], t_v)
            pltpu.sync_copy(m_hbm.at[pl.ds(base, rows_per_w)], m_v)

            iota = lax.iota(jnp.int32, _LANES)
            last = rows_per_w - 1
            base_idx = iota * _LANES

            def process(row_v, r):
                def chunk_sums(off):
                    i0 = base_idx + off
                    i1 = i0 + 1
                    a0 = plsc.load_gather(row_v, [i0])
                    a1 = plsc.load_gather(row_v, [i1])
                    for _ in range(_LANES // 2 - 1):
                        i0 = i0 + 2
                        i1 = i1 + 2
                        a0 = a0 + plsc.load_gather(row_v, [i0])
                        a1 = a1 + plsc.load_gather(row_v, [i1])
                    return a0 + a1

                def grp_body(h, carry):
                    g = 2 * h
                    acc0 = chunk_sums(g * (_LANES * _LANES))
                    acc1 = chunk_sums((g + 1) * (_LANES * _LANES))
                    sc0 = plsc.cumsum(acc0) + carry
                    l1_v[pl.ds(g * _LANES, _LANES)] = sc0
                    sc1 = plsc.cumsum(acc1) + sc0[_LANES - 1]
                    l1_v[pl.ds((g + 1) * _LANES, _LANES)] = sc1
                    return sc1[_LANES - 1]

                s_tot = lax.fori_loop(0, n_grp // 2, grp_body, jnp.float32(0.0))

                for q in range(nq // _LANES):
                    u = t_v[r, pl.ds(q * _LANES, _LANES)]
                    mv = m_v[r, pl.ds(q * _LANES, _LANES)]
                    tt = u * s_tot

                    pos = jnp.zeros((_LANES,), jnp.int32)
                    for step in (128, 64, 32, 16, 8, 4, 2, 1):
                        nxt = pos + step
                        v = plsc.load_gather(l1_v, [nxt - 1])
                        pos = jnp.where(v < tt, nxt, pos)

                    bidx = jnp.maximum(pos - 1, 0)
                    cdf0 = plsc.load_gather(l1_v, [bidx])
                    runv = jnp.where(pos > 0, cdf0, jnp.float32(0.0))

                    ebase = pos * _LANES
                    cnt = ebase
                    for j in range(_LANES):
                        wj = plsc.load_gather(row_v, [ebase + j])
                        runv = runv + wj
                        cnt = cnt + jnp.where(runv < tt, 1, 0)

                    rank = jnp.minimum(cnt, n_out - 1)
                    o_v[r, pl.ds(q * _LANES, _LANES)] = jnp.where(mv > 0, rank, -1)

            pltpu.async_copy(w_hbm.at[base], row_a, sem_a)

            def row_pair(i, carry):
                r0 = 2 * i
                r1 = jnp.minimum(r0 + 1, last)
                pltpu.async_copy(w_hbm.at[base + r1], row_b, sem_b)
                pltpu.make_async_copy(w_hbm.at[base], row_a, sem_a).wait()
                process(row_a, r0)
                r2 = jnp.minimum(r0 + 2, last)
                pltpu.async_copy(w_hbm.at[base + r2], row_a, sem_a)
                pltpu.make_async_copy(w_hbm.at[base], row_b, sem_b).wait()
                process(row_b, r1)
                return carry

            lax.fori_loop(0, rows_per_w // 2, row_pair, 0)
            pltpu.make_async_copy(w_hbm.at[base], row_a, sem_a).wait()
            pltpu.sync_copy(o_v, out_hbm.at[pl.ds(base, rows_per_w)])

        return k(w, t, m)

    return run(weights, thresh, mask)


def kernel(x, weights):
    bs, n_in = x.shape
    u = jax.random.uniform(jax.random.key(42), (bs, n_in, _MAXC), dtype=jnp.float32)
    thresh = u.transpose(1, 0, 2).reshape(n_in, bs * _MAXC)
    mask = (jnp.arange(_MAXC, dtype=jnp.int32)[None, None, :] < x[:, :, None])
    mask = mask.astype(jnp.int32).transpose(1, 0, 2).reshape(n_in, bs * _MAXC)
    out = _sc_sample(weights, thresh, mask)
    return out.reshape(n_in, bs, _MAXC).transpose(1, 0, 2)

# --- scband reference (transcript-rebuilt; emitter-appended) ---
"""Pipeline reference for scband-acolayer-26499948216647 (READ-ONLY COPY).

The authoritative reference and input builder live on the scoring server;
editing this copy changes nothing except your own understanding.
"""

import jax, jax.numpy as jnp
import numpy as np

MAX_COUNT = 4  # == fill_max for x; upper bound on per-(batch,input) ant count
BATCH = 8
N_IN = 2048
N_OUT = 4096


def setup_inputs(seed: int = 0) -> dict:
    key = jax.random.key(seed)
    kx = jax.random.fold_in(key, 1)
    # ant counts per (batch, input neuron), values in [0, MAX_COUNT)
    x = jax.random.randint(kx, (BATCH, N_IN), 0, MAX_COUNT, dtype=jnp.int32)
    # ACOLayer.__init__: weights filled with 1/n_outputs
    weights = jnp.full((N_IN, N_OUT), 1.0 / N_OUT, dtype=jnp.float32)
    return {"x": x, "weights": weights}


def _sample_draws(w_norm, bs, n_in):
    # torch.multinomial(w_i, count, replacement=True) == inverse-CDF categorical sampling
    cum = jnp.cumsum(w_norm, axis=1)                      # [n_in, n_out] row CDFs
    u = jax.random.uniform(jax.random.key(42), (bs, n_in, MAX_COUNT), dtype=jnp.float32)
    # per input neuron i: searchsorted(cum[i], u[:, i, :]) -> category indices
    draws = jax.vmap(lambda c, v: jnp.searchsorted(c, v), in_axes=(0, 1), out_axes=1)(cum, u)
    return jnp.clip(draws, 0, w_norm.shape[1] - 1)


def reference(x, weights):
    # ACOLayer.forward: normalize weight rows, then for every (batch, input) pair
    # with count > 0 draw `count` multinomial samples over n_outputs (with
    # replacement). The original returns ragged Python lists; here the ragged
    # result is represented as a padded int array [bs, n_in, MAX_COUNT] where
    # entries beyond the ant count are -1.
    w_norm = weights / jnp.sum(weights, axis=1, keepdims=True)
    bs, n_in = x.shape
    draws = _sample_draws(w_norm, bs, n_in)
    mask = jnp.arange(MAX_COUNT)[None, None, :] < x[:, :, None]
    padded = jnp.where(mask, draws, -1)
    return padded

if __name__ == "__main__":
    import jax
    _d = setup_inputs()
    print(jax.jit(kernel)(*tuple(_d.values())))

</pallas_src>

<mosaic_0001>
#map = affine_map<(d0, d1) -> (0, 0)>
module attributes {stable_mosaic.version = 14 : i64} {
  func.func @k(%arg0: i32, %arg1: i32, %arg2: memref<2048x4096xf32, #tpu.memory_space<hbm>>, %arg3: memref<2048x32xf32, #tpu.memory_space<hbm>>, %arg4: memref<2048x32xi32, #tpu.memory_space<hbm>>, %arg5: memref<2048x32xi32, #tpu.memory_space<hbm>>, %arg6: memref<4096xf32, #tpu.memory_space<vmem>>, %arg7: memref<4096xf32, #tpu.memory_space<vmem>>, %arg8: memref<256xf32, #tpu.memory_space<vmem>>, %arg9: memref<64x32xf32, #tpu.memory_space<vmem>>, %arg10: memref<64x32xi32, #tpu.memory_space<vmem>>, %arg11: memref<64x32xi32, #tpu.memory_space<vmem>>, %arg12: memref<!tpu.dma_semaphore, #tpu.memory_space<semaphore_mem>>, %arg13: memref<!tpu.dma_semaphore, #tpu.memory_space<semaphore_mem>>) attributes {dimension_semantics = [#tpu.dimension_semantics<core_parallel>, #tpu.dimension_semantics<subcore_parallel>], iteration_bounds = array<i64: 2, 16>, scalar_prefetch = 0 : i64, scratch_operands = 8 : i64, tpu.core_type = #tpu.core_type<sc_vector_subcore>, window_params = [{transform_indices = #map}, {transform_indices = #map}, {transform_indices = #map}, {transform_indices = #map}]} {
    %mul3A = arith.constant 2 : i32
    %mul3A_0 = arith.muli %arg1, %mul3A : i32
    %add3A = arith.addi %mul3A_0, %arg0 : i32
    %mul3A_1 = arith.constant 64 : i32
    %mul3A_2 = arith.muli %add3A, %mul3A_1 : i32
    "tpu.region"() ({
      %run_scoped3A = tpu.sem_alloc : memref<!tpu.dma_semaphore, #tpu.memory_space<semaphore_mem>>
      %dma_start3A_21 = arith.constant 0 : i32
      %dma_start3A_22 = tpu.memref_slice %arg3[%mul3A_2, %dma_start3A_21] : memref<2048x32xf32, #tpu.memory_space<hbm>> -> memref<64x32xf32, #tpu.memory_space<hbm>>
      %dma_start3A_23 = arith.constant 0 : i32
      %dma_start3A_24 = tpu.memref_slice %arg3[%mul3A_2, %dma_start3A_23] : memref<2048x32xf32, #tpu.memory_space<hbm>> -> memref<64x32xf32, #tpu.memory_space<hbm>>
      tpu.enqueue_dma source(%dma_start3A_24 : memref<64x32xf32, #tpu.memory_space<hbm>>) target(%arg9 : memref<64x32xf32, #tpu.memory_space<vmem>>) target_semaphore(%run_scoped3A : memref<!tpu.dma_semaphore, #tpu.memory_space<semaphore_mem>>)
      %dma_wait3A_25 = arith.constant 0 : i32
      %dma_wait3A_26 = tpu.memref_slice %arg3[%mul3A_2, %dma_wait3A_25] : memref<2048x32xf32, #tpu.memory_space<hbm>> -> memref<64x32xf32, #tpu.memory_space<hbm>>
      %dma_wait3A_27 = arith.constant 0 : i32
      %dma_wait3A_28 = tpu.memref_slice %arg3[%mul3A_2, %dma_wait3A_27] : memref<2048x32xf32, #tpu.memory_space<hbm>> -> memref<64x32xf32, #tpu.memory_space<hbm>>
      tpu.wait_dma2 semaphore(%run_scoped3A : memref<!tpu.dma_semaphore, #tpu.memory_space<semaphore_mem>>) src(%dma_wait3A_28 : memref<64x32xf32, #tpu.memory_space<hbm>>) dst(%arg9 : memref<64x32xf32, #tpu.memory_space<vmem>>)
      tpu.yield
    }) : () -> ()
    "tpu.region"() ({
      %run_scoped3A = tpu.sem_alloc : memref<!tpu.dma_semaphore, #tpu.memory_space<semaphore_mem>>
      %dma_start3A_21 = arith.constant 0 : i32
      %dma_start3A_22 = tpu.memref_slice %arg4[%mul3A_2, %dma_start3A_21] : memref<2048x32xi32, #tpu.memory_space<hbm>> -> memref<64x32xi32, #tpu.memory_space<hbm>>
      %dma_start3A_23 = arith.constant 0 : i32
      %dma_start3A_24 = tpu.memref_slice %arg4[%mul3A_2, %dma_start3A_23] : memref<2048x32xi32, #tpu.memory_space<hbm>> -> memref<64x32xi32, #tpu.memory_space<hbm>>
      tpu.enqueue_dma source(%dma_start3A_24 : memref<64x32xi32, #tpu.memory_space<hbm>>) target(%arg10 : memref<64x32xi32, #tpu.memory_space<vmem>>) target_semaphore(%run_scoped3A : memref<!tpu.dma_semaphore, #tpu.memory_space<semaphore_mem>>)
      %dma_wait3A_25 = arith.constant 0 : i32
      %dma_wait3A_26 = tpu.memref_slice %arg4[%mul3A_2, %dma_wait3A_25] : memref<2048x32xi32, #tpu.memory_space<hbm>> -> memref<64x32xi32, #tpu.memory_space<hbm>>
      %dma_wait3A_27 = arith.constant 0 : i32
      %dma_wait3A_28 = tpu.memref_slice %arg4[%mul3A_2, %dma_wait3A_27] : memref<2048x32xi32, #tpu.memory_space<hbm>> -> memref<64x32xi32, #tpu.memory_space<hbm>>
      tpu.wait_dma2 semaphore(%run_scoped3A : memref<!tpu.dma_semaphore, #tpu.memory_space<semaphore_mem>>) src(%dma_wait3A_28 : memref<64x32xi32, #tpu.memory_space<hbm>>) dst(%arg10 : memref<64x32xi32, #tpu.memory_space<vmem>>)
      tpu.yield
    }) : () -> ()
    %iota3A = tpu.iota {dimensions = array<i32: 0>} : vector<16xi32>
    %mul3A_3 = arith.constant 16 : i32
    %mul3A_4 = vector.broadcast %mul3A_3 : i32 to vector<16xi32>
    %mul3A_5 = arith.muli %iota3A, %mul3A_4 : vector<16xi32>
    %dma_start3A = arith.constant 0 : i32
    %dma_start3A_6 = tpu.memref_slice %arg2[%mul3A_2, %dma_start3A] : memref<2048x4096xf32, #tpu.memory_space<hbm>> -> memref<1x4096xf32, #tpu.memory_space<hbm>>
    %dma_start3A_7 = tpu.memref_squeeze %dma_start3A_6 : memref<1x4096xf32, #tpu.memory_space<hbm>> -> memref<4096xf32, #tpu.memory_space<hbm>>
    %dma_start3A_8 = arith.constant 0 : i32
    %dma_start3A_9 = tpu.memref_slice %arg2[%mul3A_2, %dma_start3A_8] : memref<2048x4096xf32, #tpu.memory_space<hbm>> -> memref<1x4096xf32, #tpu.memory_space<hbm>>
    %dma_start3A_10 = tpu.memref_squeeze %dma_start3A_9 : memref<1x4096xf32, #tpu.memory_space<hbm>> -> memref<4096xf32, #tpu.memory_space<hbm>>
    tpu.enqueue_dma source(%dma_start3A_10 : memref<4096xf32, #tpu.memory_space<hbm>>) target(%arg6 : memref<4096xf32, #tpu.memory_space<vmem>>) target_semaphore(%arg12 : memref<!tpu.dma_semaphore, #tpu.memory_space<semaphore_mem>>)
    %scan3A = arith.constant 0 : i32
    %scan3A_11 = arith.constant 0 : i32
    %scan3A_12 = arith.constant 32 : i32
    %scan3A_13 = arith.addi %scan3A_11, %scan3A_12 : i32
    %scan3A_14 = arith.constant 1 : i32
    scf.for %scan3A_21 = %scan3A_11 to %scan3A_13 step %scan3A_14  : i32 {
      %mul3A_22 = arith.constant 2 : i32
      %mul3A_23 = arith.muli %mul3A_22, %scan3A_21 : i32
      %add3A_24 = arith.constant 1 : i32
      %add3A_25 = arith.addi %mul3A_23, %add3A_24 : i32
      %min3A = arith.constant 63 : i32
      %min3A_26 = arith.minsi %add3A_25, %min3A : i32
      %add3A_27 = arith.addi %mul3A_2, %min3A_26 : i32
      %dma_start3A_28 = arith.constant 0 : i32
      %dma_start3A_29 = tpu.memref_slice %arg2[%add3A_27, %dma_start3A_28] : memref<2048x4096xf32, #tpu.memory_space<hbm>> -> memref<1x4096xf32, #tpu.memory_space<hbm>>
      %dma_start3A_30 = tpu.memref_squeeze %dma_start3A_29 : memref<1x4096xf32, #tpu.memory_space<hbm>> -> memref<4096xf32, #tpu.memory_space<hbm>>
      %dma_start3A_31 = arith.constant 0 : i32
      %dma_start3A_32 = tpu.memref_slice %arg2[%add3A_27, %dma_start3A_31] : memref<2048x4096xf32, #tpu.memory_space<hbm>> -> memref<1x4096xf32, #tpu.memory_space<hbm>>
      %dma_start3A_33 = tpu.memref_squeeze %dma_start3A_32 : memref<1x4096xf32, #tpu.memory_space<hbm>> -> memref<4096xf32, #tpu.memory_space<hbm>>
      tpu.enqueue_dma source(%dma_start3A_33 : memref<4096xf32, #tpu.memory_space<hbm>>) target(%arg7 : memref<4096xf32, #tpu.memory_space<vmem>>) target_semaphore(%arg13 : memref<!tpu.dma_semaphore, #tpu.memory_space<semaphore_mem>>)
      %dma_wait3A_34 = arith.constant 0 : i32
      %dma_wait3A_35 = tpu.memref_slice %arg2[%mul3A_2, %dma_wait3A_34] : memref<2048x4096xf32, #tpu.memory_space<hbm>> -> memref<1x4096xf32, #tpu.memory_space<hbm>>
      %dma_wait3A_36 = tpu.memref_squeeze %dma_wait3A_35 : memref<1x4096xf32, #tpu.memory_space<hbm>> -> memref<4096xf32, #tpu.memory_space<hbm>>
      %dma_wait3A_37 = arith.constant 0 : i32
      %dma_wait3A_38 = tpu.memref_slice %arg2[%mul3A_2, %dma_wait3A_37] : memref<2048x4096xf32, #tpu.memory_space<hbm>> -> memref<1x4096xf32, #tpu.memory_space<hbm>>
      %dma_wait3A_39 = tpu.memref_squeeze %dma_wait3A_38 : memref<1x4096xf32, #tpu.memory_space<hbm>> -> memref<4096xf32, #tpu.memory_space<hbm>>
      tpu.wait_dma2 semaphore(%arg12 : memref<!tpu.dma_semaphore, #tpu.memory_space<semaphore_mem>>) src(%dma_wait3A_39 : memref<4096xf32, #tpu.memory_space<hbm>>) dst(%arg6 : memref<4096xf32, #tpu.memory_space<vmem>>)
      %scan3A_40 = arith.constant 0.000000e+00 : f32
      %scan3A_41 = arith.constant 0 : i32
      %scan3A_42 = arith.constant 8 : i32
      %scan3A_43 = arith.addi %scan3A_41, %scan3A_42 : i32
      %scan3A_44 = arith.constant 1 : i32
      %scan3A_45 = scf.for %scan3A_1269 = %scan3A_41 to %scan3A_43 step %scan3A_44 iter_args(%scan3A_1270 = %scan3A_40) -> (f32)  : i32 {
        %mul3A_1271 = arith.constant 2 : i32
        %mul3A_1272 = arith.muli %mul3A_1271, %scan3A_1269 : i32
        %mul3A_1273 = arith.constant 256 : i32
        %mul3A_1274 = arith.muli %mul3A_1272, %mul3A_1273 : i32
        %add3A_1275 = vector.broadcast %mul3A_1274 : i32 to vector<16xi32>
        %add3A_1276 = arith.addi %mul3A_5, %add3A_1275 : vector<16xi32>
        %add3A_1277 = arith.constant 1 : i32
        %add3A_1278 = vector.broadcast %add3A_1277 : i32 to vector<16xi32>
        %add3A_1279 = arith.addi %add3A_1276, %add3A_1278 : vector<16xi32>
        %gather3A_1280 = tpu.vector_load_idx %arg6[%add3A_1276] : memref<4096xf32, #tpu.memory_space<vmem>>[vector<16xi32>], vector<16xf32>,
        %gather3A_1281 = tpu.vector_load_idx %arg6[%add3A_1279] : memref<4096xf32, #tpu.memory_space<vmem>>[vector<16xi32>], vector<16xf32>,
        %add3A_1282 = arith.constant 2 : i32
        %add3A_1283 = vector.broadcast %add3A_1282 : i32 to vector<16xi32>
        %add3A_1284 = arith.addi %add3A_1276, %add3A_1283 : vector<16xi32>
        %add3A_1285 = arith.constant 2 : i32
        %add3A_1286 = vector.broadcast %add3A_1285 : i32 to vector<16xi32>
        %add3A_1287 = arith.addi %add3A_1279, %add3A_1286 : vector<16xi32>
        %gather3A_1288 = tpu.vector_load_idx %arg6[%add3A_1284] : memref<4096xf32, #tpu.memory_space<vmem>>[vector<16xi32>], vector<16xf32>,
        %add3A_1289 = arith.addf %gather3A_1280, %gather3A_1288 : vector<16xf32>
        %gather3A_1290 = tpu.vector_load_idx %arg6[%add3A_1287] : memref<4096xf32, #tpu.memory_space<vmem>>[vector<16xi32>], vector<16xf32>,
        %add3A_1291 = arith.addf %gather3A_1281, %gather3A_1290 : vector<16xf32>
        %add3A_1292 = arith.constant 2 : i32
        %add3A_1293 = vector.broadcast %add3A_1292 : i32 to vector<16xi32>
        %add3A_1294 = arith.addi %add3A_1284, %add3A_1293 : vector<16xi32>
        %add3A_1295 = arith.constant 2 : i32
        %add3A_1296 = vector.broadcast %add3A_1295 : i32 to vector<16xi32>
        %add3A_1297 = arith.addi %add3A_1287, %add3A_1296 : vector<16xi32>
        %gather3A_1298 = tpu.vector_load_idx %arg6[%add3A_1294] : memref<4096xf32, #tpu.memory_space<vmem>>[vector<16xi32>], vector<16xf32>,
        %add3A_1299 = arith.addf %add3A_1289, %gather3A_1298 : vector<16xf32>
        %gather3A_1300 = tpu.vector_load_idx %arg6[%add3A_1297] : memref<4096xf32, #tpu.memory_space<vmem>>[vector<16xi32>], vector<16xf32>,
        %add3A_1301 = arith.addf %add3A_1291, %gather3A_1300 : vector<16xf32>
        %add3A_1302 = arith.constant 2 : i32
        %add3A_1303 = vector.broadcast %add3A_1302 : i32 to vector<16xi32>
        %add3A_1304 = arith.addi %add3A_1294, %add3A_1303 : vector<16xi32>
        %add3A_1305 = arith.constant 2 : i32
        %add3A_1306 = vector.broadcast %add3A_1305 : i32 to vector<16xi32>
        %add3A_1307 = arith.addi %add3A_1297, %add3A_1306 : vector<16xi32>
        %gather3A_1308 = tpu.vector_load_idx %arg6[%add3A_1304] : memref<4096xf32, #tpu.memory_space<vmem>>[vector<16xi32>], vector<16xf32>,
        %add3A_1309 = arith.addf %add3A_1299, %gather3A_1308 : vector<16xf32>
        %gather3A_1310 = tpu.vector_load_idx %arg6[%add3A_1307] : memref<4096xf32, #tpu.memory_space<vmem>>[vector<16xi32>], vector<16xf32>,
        %add3A_1311 = arith.addf %add3A_1301, %gather3A_1310 : vector<16xf32>
        %add3A_1312 = arith.constant 2 : i32
        %add3A_1313 = vector.broadcast %add3A_1312 : i32 to vector<16xi32>
        %add3A_1314 = arith.addi %add3A_1304, %add3A_1313 : vector<16xi32>
        %add3A_1315 = arith.constant 2 : i32
        %add3A_1316 = vector.broadcast %add3A_1315 : i32 to vector<16xi32>
        %add3A_1317 = arith.addi %add3A_1307, %add3A_1316 : vector<16xi32>
        %gather3A_1318 = tpu.vector_load_idx %arg6[%add3A_1314] : memref<4096xf32, #tpu.memory_space<vmem>>[vector<16xi32>], vector<16xf32>,
        %add3A_1319 = arith.addf %add3A_1309, %gather3A_1318 : vector<16xf32>
        %gather3A_1320 = tpu.vector_load_idx %arg6[%add3A_1317] : memref<4096xf32, #tpu.memory_space<vmem>>[vector<16xi32>], vector<16xf32>,
        %add3A_1321 = arith.addf %add3A_1311, %gather3A_1320 : vector<16xf32>
        %add3A_1322 = arith.constant 2 : i32
        %add3A_1323 = vector.broadcast %add3A_1322 : i32 to vector<16xi32>
        %add3A_1324 = arith.addi %add3A_1314, %add3A_1323 : vector<16xi32>
        %add3A_1325 = arith.constant 2 : i32
        %add3A_1326 = vector.broadcast %add3A_1325 : i32 to vector<16xi32>
        %add3A_1327 = arith.addi %add3A_1317, %add3A_1326 : vector<16xi32>
        %gather3A_1328 = tpu.vector_load_idx %arg6[%add3A_1324] : memref<4096xf32, #tpu.memory_space<vmem>>[vector<16xi32>], vector<16xf32>,
        %add3A_1329 = arith.addf %add3A_1319, %gather3A_1328 : vector<16xf32>
        %gather3A_1330 = tpu.vector_load_idx %arg6[%add3A_1327] : memref<4096xf32, #tpu.memory_space<vmem>>[vector<16xi32>], vector<16xf32>,
        %add3A_1331 = arith.addf %add3A_1321, %gather3A_1330 : vector<16xf32>
        %add3A_1332 = arith.constant 2 : i32
        %add3A_1333 = vector.broadcast %add3A_1332 : i32 to vector<16xi32>
        %add3A_1334 = arith.addi %add3A_1324, %add3A_1333 : vector<16xi32>
        %add3A_1335 = arith.constant 2 : i32
        %add3A_1336 = vector.broadcast %add3A_1335 : i32 to vector<16xi32>
        %add3A_1337 = arith.addi %add3A_1327, %add3A_1336 : vector<16xi32>
        %gather3A_1338 = tpu.vector_load_idx %arg6[%add3A_1334] : memref<4096xf32, #tpu.memory_space<vmem>>[vector<16xi32>], vector<16xf32>,
        %add3A_1339 = arith.addf %add3A_1329, %gather3A_1338 : vector<16xf32>
        %gather3A_1340 = tpu.vector_load_idx %arg6[%add3A_1337] : memref<4096xf32, #tpu.memory_space<vmem>>[vector<16xi32>], vector<16xf32>,
        %add3A_1341 = arith.addf %add3A_1331, %gather3A_1340 : vector<16xf32>
        %add3A_1342 = arith.constant 2 : i32
        %add3A_1343 = vector.broadcast %add3A_1342 : i32 to vector<16xi32>
        %add3A_1344 = arith.addi %add3A_1334, %add3A_1343 : vector<16xi32>
        %add3A_1345 = arith.constant 2 : i32
        %add3A_1346 = vector.broadcast %add3A_1345 : i32 to vector<16xi32>
        %add3A_1347 = arith.addi %add3A_1337, %add3A_1346 : vector<16xi32>
        %gather3A_1348 = tpu.vector_load_idx %arg6[%add3A_1344] : memref<4096xf32, #tpu.memory_space<vmem>>[vector<16xi32>], vector<16xf32>,
        %add3A_1349 = arith.addf %add3A_1339, %gather3A_1348 : vector<16xf32>
        %gather3A_1350 = tpu.vector_load_idx %arg6[%add3A_1347] : memref<4096xf32, #tpu.memory_space<vmem>>[vector<16xi32>], vector<16xf32>,
        %add3A_1351 = arith.addf %add3A_1341, %gather3A_1350 : vector<16xf32>
        %add3A_1352 = arith.addf %add3A_1349, %add3A_1351 : vector<16xf32>
        %add3A_1353 = arith.constant 1 : i32
        %add3A_1354 = arith.addi %mul3A_1272, %add3A_1353 : i32
        %mul3A_1355 = arith.constant 256 : i32
        %mul3A_1356 = arith.muli %add3A_1354, %mul3A_1355 : i32
        %add3A_1357 = vector.broadcast %mul3A_1356 : i32 to vector<16xi32>
        %add3A_1358 = arith.addi %mul3A_5, %add3A_1357 : vector<16xi32>
        %add3A_1359 = arith.constant 1 : i32
        %add3A_1360 = vector.broadcast %add3A_1359 : i32 to vector<16xi32>
        %add3A_1361 = arith.addi %add3A_1358, %add3A_1360 : vector<16xi32>
        %gather3A_1362 = tpu.vector_load_idx %arg6[%add3A_1358] : memref<4096xf32, #tpu.memory_space<vmem>>[vector<16xi32>], vector<16xf32>,
        %gather3A_1363 = tpu.vector_load_idx %arg6[%add3A_1361] : memref<4096xf32, #tpu.memory_space<vmem>>[vector<16xi32>], vector<16xf32>,
        %add3A_1364 = arith.constant 2 : i32
        %add3A_1365 = vector.broadcast %add3A_1364 : i32 to vector<16xi32>
        %add3A_1366 = arith.addi %add3A_1358, %add3A_1365 : vector<16xi32>
        %add3A_1367 = arith.constant 2 : i32
        %add3A_1368 = vector.broadcast %add3A_1367 : i32 to vector<16xi32>
        %add3A_1369 = arith.addi %add3A_1361, %add3A_1368 : vector<16xi32>
        %gather3A_1370 = tpu.vector_load_idx %arg6[%add3A_1366] : memref<4096xf32, #tpu.memory_space<vmem>>[vector<16xi32>], vector<16xf32>,
        %add3A_1371 = arith.addf %gather3A_1362, %gather3A_1370 : vector<16xf32>
        %gather3A_1372 = tpu.vector_load_idx %arg6[%add3A_1369] : memref<4096xf32, #tpu.memory_space<vmem>>[vector<16xi32>], vector<16xf32>,
        %add3A_1373 = arith.addf %gather3A_1363, %gather3A_1372 : vector<16xf32>
        %add3A_1374 = arith.constant 2 : i32
        %add3A_1375 = vector.broadcast %add3A_1374 : i32 to vector<16xi32>
        %add3A_1376 = arith.addi %add3A_1366, %add3A_1375 : vector<16xi32>
        %add3A_1377 = arith.constant 2 : i32
        %add3A_1378 = vector.broadcast %add3A_1377 : i32 to vector<16xi32>
        %add3A_1379 = arith.addi %add3A_1369, %add3A_1378 : vector<16xi32>
        %gather3A_1380 = tpu.vector_load_idx %arg6[%add3A_1376] : memref<4096xf32, #tpu.memory_space<vmem>>[vector<16xi32>], vector<16xf32>,
        %add3A_1381 = arith.addf %add3A_1371, %gather3A_1380 : vector<16xf32>
        %gather3A_1382 = tpu.vector_load_idx %arg6[%add3A_1379] : memref<4096xf32, #tpu.memory_space<vmem>>[vector<16xi32>], vector<16xf32>,
        %add3A_1383 = arith.addf %add3A_1373, %gather3A_1382 : vector<16xf32>
        %add3A_1384 = arith.constant 2 : i32
        %add3A_1385 = vector.broadcast %add3A_1384 : i32 to vector<16xi32>
        %add3A_1386 = arith.addi %add3A_1376, %add3A_1385 : vector<16xi32>
        %add3A_1387 = arith.constant 2 : i32
        %add3A_1388 = vector.broadcast %add3A_1387 : i32 to vector<16xi32>
        %add3A_1389 = arith.addi %add3A_1379, %add3A_1388 : vector<16xi32>
        %gather3A_1390 = tpu.vector_load_idx %arg6[%add3A_1386] : memref<4096xf32, #tpu.memory_space<vmem>>[vector<16xi32>], vector<16xf32>,
        %add3A_1391 = arith.addf %add3A_1381, %gather3A_1390 : vector<16xf32>
        %gather3A_1392 = tpu.vector_load_idx %arg6[%add3A_1389] : memref<4096xf32, #tpu.memory_space<vmem>>[vector<16xi32>], vector<16xf32>,
        %add3A_1393 = arith.addf %add3A_1383, %gather3A_1392 : vector<16xf32>
        %add3A_1394 = arith.constant 2 : i32
        %add3A_1395 = vector.broadcast %add3A_1394 : i32 to vector<16xi32>
        %add3A_1396 = arith.addi %add3A_1386, %add3A_1395 : vector<16xi32>
        %add3A_1397 = arith.constant 2 : i32
        %add3A_1398 = vector.broadcast %add3A_1397 : i32 to vector<16xi32>
        %add3A_1399 = arith.addi %add3A_1389, %add3A_1398 : vector<16xi32>
        %gather3A_1400 = tpu.vector_load_idx %arg6[%add3A_1396] : memref<4096xf32, #tpu.memory_space<vmem>>[vector<16xi32>], vector<16xf32>,
        %add3A_1401 = arith.addf %add3A_1391, %gather3A_1400 : vector<16xf32>
        %gather3A_1402 = tpu.vector_load_idx %arg6[%add3A_1399] : memref<4096xf32, #tpu.memory_space<vmem>>[vector<16xi32>], vector<16xf32>,
        %add3A_1403 = arith.addf %add3A_1393, %gather3A_1402 : vector<16xf32>
        %add3A_1404 = arith.constant 2 : i32
        %add3A_1405 = vector.broadcast %add3A_1404 : i32 to vector<16xi32>
        %add3A_1406 = arith.addi %add3A_1396, %add3A_1405 : vector<16xi32>
        %add3A_1407 = arith.constant 2 : i32
        %add3A_1408 = vector.broadcast %add3A_1407 : i32 to vector<16xi32>
        %add3A_1409 = arith.addi %add3A_1399, %add3A_1408 : vector<16xi32>
        %gather3A_1410 = tpu.vector_load_idx %arg6[%add3A_1406] : memref<4096xf32, #tpu.memory_space<vmem>>[vector<16xi32>], vector<16xf32>,
        %add3A_1411 = arith.addf %add3A_1401, %gather3A_1410 : vector<16xf32>
        %gather3A_1412 = tpu.vector_load_idx %arg6[%add3A_1409] : memref<4096xf32, #tpu.memory_space<vmem>>[vector<16xi32>], vector<16xf32>,
        %add3A_1413 = arith.addf %add3A_1403, %gather3A_1412 : vector<16xf32>
        %add3A_1414 = arith.constant 2 : i32
        %add3A_1415 = vector.broadcast %add3A_1414 : i32 to vector<16xi32>
        %add3A_1416 = arith.addi %add3A_1406, %add3A_1415 : vector<16xi32>
        %add3A_1417 = arith.constant 2 : i32
        %add3A_1418 = vector.broadcast %add3A_1417 : i32 to vector<16xi32>
        %add3A_1419 = arith.addi %add3A_1409, %add3A_1418 : vector<16xi32>
        %gather3A_1420 = tpu.vector_load_idx %arg6[%add3A_1416] : memref<4096xf32, #tpu.memory_space<vmem>>[vector<16xi32>], vector<16xf32>,
        %add3A_1421 = arith.addf %add3A_1411, %gather3A_1420 : vector<16xf32>
        %gather3A_1422 = tpu.vector_load_idx %arg6[%add3A_1419] : memref<4096xf32, #tpu.memory_space<vmem>>[vector<16xi32>], vector<16xf32>,
        %add3A_1423 = arith.addf %add3A_1413, %gather3A_1422 : vector<16xf32>
        %add3A_1424 = arith.constant 2 : i32
        %add3A_1425 = vector.broadcast %add3A_1424 : i32 to vector<16xi32>
        %add3A_1426 = arith.addi %add3A_1416, %add3A_1425 : vector<16xi32>
        %add3A_1427 = arith.constant 2 : i32
        %add3A_1428 = vector.broadcast %add3A_1427 : i32 to vector<16xi32>
        %add3A_1429 = arith.addi %add3A_1419, %add3A_1428 : vector<16xi32>
        %gather3A_1430 = tpu.vector_load_idx %arg6[%add3A_1426] : memref<4096xf32, #tpu.memory_space<vmem>>[vector<16xi32>], vector<16xf32>,
        %add3A_1431 = arith.addf %add3A_1421, %gather3A_1430 : vector<16xf32>
        %gather3A_1432 = tpu.vector_load_idx %arg6[%add3A_1429] : memref<4096xf32, #tpu.memory_space<vmem>>[vector<16xi32>], vector<16xf32>,
        %add3A_1433 = arith.addf %add3A_1423, %gather3A_1432 : vector<16xf32>
        %add3A_1434 = arith.addf %add3A_1431, %add3A_1433 : vector<16xf32>
        %broadcast_in_dim3A_1435 = arith.constant true
        %broadcast_in_dim3A_1436 = vector.broadcast %broadcast_in_dim3A_1435 : i1 to vector<16xi1>
        %masked_cumsum3A = tpu.scan <sum>, %add3A_1352 masked %broadcast_in_dim3A_1436 : vector<16xf32>, vector<16xi1> -> vector<16xf32>
        %add3A_1437 = vector.broadcast %scan3A_1270 : f32 to vector<16xf32>
        %add3A_1438 = arith.addf %masked_cumsum3A, %add3A_1437 : vector<16xf32>
        %mul3A_1439 = arith.constant 16 : i32
        %mul3A_1440 = arith.muli %mul3A_1272, %mul3A_1439 : i32
        %swap3A_1441 = arith.index_cast %mul3A_1440 : i32 to index
        %swap3A_1442 = tpu.vector_load %arg8[%swap3A_1441] {strides = array<i32>} : memref<256xf32, #tpu.memory_space<vmem>>, vector<16xf32>,
        tpu.vector_store %arg8[%swap3A_1441], %add3A_1438 {strides = array<i32>} : memref<256xf32, #tpu.memory_space<vmem>>, vector<16xf32>,
        %broadcast_in_dim3A_1443 = arith.constant true
        %broadcast_in_dim3A_1444 = vector.broadcast %broadcast_in_dim3A_1443 : i1 to vector<16xi1>
        %masked_cumsum3A_1445 = tpu.scan <sum>, %add3A_1434 masked %broadcast_in_dim3A_1444 : vector<16xf32>, vector<16xi1> -> vector<16xf32>
        %slice3A = vector.extract_strided_slice %add3A_1438 {offsets = [15], sizes = [1], strides = [1]} : vector<16xf32> to vector<1xf32>
        %squeeze3A = vector.extract %slice3A[0] : f32 from vector<1xf32>
        %add3A_1446 = vector.broadcast %squeeze3A : f32 to vector<16xf32>
        %add3A_1447 = arith.addf %masked_cumsum3A_1445, %add3A_1446 : vector<16xf32>
        %add3A_1448 = arith.constant 1 : i32
        %add3A_1449 = arith.addi %mul3A_1272, %add3A_1448 : i32
        %mul3A_1450 = arith.constant 16 : i32
        %mul3A_1451 = arith.muli %add3A_1449, %mul3A_1450 : i32
        %swap3A_1452 = arith.index_cast %mul3A_1451 : i32 to index
        %swap3A_1453 = tpu.vector_load %arg8[%swap3A_1452] {strides = array<i32>} : memref<256xf32, #tpu.memory_space<vmem>>, vector<16xf32>,
        tpu.vector_store %arg8[%swap3A_1452], %add3A_1447 {strides = array<i32>} : memref<256xf32, #tpu.memory_space<vmem>>, vector<16xf32>,
        %slice3A_1454 = vector.extract_strided_slice %add3A_1447 {offsets = [15], sizes = [1], strides = [1]} : vector<16xf32> to vector<1xf32>
        %squeeze3A_1455 = vector.extract %slice3A_1454[0] : f32 from vector<1xf32>
        scf.yield %squeeze3A_1455 : f32
      }
      %scan3A_46 = arith.constant 8 : i32
      %get3A = arith.index_cast %mul3A_23 : i32 to index
      %get3A_47 = arith.constant 0 : index
      %get3A_48 = tpu.vector_load %arg9[%get3A, %get3A_47] {strides = array<i32>} : memref<64x32xf32, #tpu.memory_space<vmem>>, vector<16xf32>,
      %get3A_49 = arith.index_cast %mul3A_23 : i32 to index
      %get3A_50 = arith.constant 0 : index
      %get3A_51 = tpu.vector_load %arg10[%get3A_49, %get3A_50] {strides = array<i32>} : memref<64x32xi32, #tpu.memory_space<vmem>>, vector<16xi32>,
      %mul3A_52 = vector.broadcast %scan3A_45 : f32 to vector<16xf32>
      %mul3A_53 = arith.mulf %get3A_48, %mul3A_52 : vector<16xf32>
      %broadcast_in_dim3A = arith.constant 0 : i32
      %broadcast_in_dim3A_54 = vector.broadcast %broadcast_in_dim3A : i32 to vector<16xi32>
      %add3A_55 = arith.constant 128 : i32
      %add3A_56 = vector.broadcast %add3A_55 : i32 to vector<16xi32>
      %add3A_57 = arith.addi %broadcast_in_dim3A_54, %add3A_56 : vector<16xi32>
      %sub3A = arith.constant 1 : i32
      %sub3A_58 = vector.broadcast %sub3A : i32 to vector<16xi32>
      %sub3A_59 = arith.subi %add3A_57, %sub3A_58 : vector<16xi32>
      %gather3A = tpu.vector_load_idx %arg8[%sub3A_59] : memref<256xf32, #tpu.memory_space<vmem>>[vector<16xi32>], vector<16xf32>,
      %lt3A = arith.cmpf olt, %gather3A, %mul3A_53 : vector<16xf32>
      %select_n3A = arith.select %lt3A, %add3A_57, %broadcast_in_dim3A_54 : vector<16xi1>, vector<16xi32>
      %add3A_60 = arith.constant 64 : i32
      %add3A_61 = vector.broadcast %add3A_60 : i32 to vector<16xi32>
      %add3A_62 = arith.addi %select_n3A, %add3A_61 : vector<16xi32>
      %sub3A_63 = arith.constant 1 : i32
      %sub3A_64 = vector.broadcast %sub3A_63 : i32 to vector<16xi32>
      %sub3A_65 = arith.subi %add3A_62, %sub3A_64 : vector<16xi32>
      %gather3A_66 = tpu.vector_load_idx %arg8[%sub3A_65] : memref<256xf32, #tpu.memory_space<vmem>>[vector<16xi32>], vector<16xf32>,
      %lt3A_67 = arith.cmpf olt, %gather3A_66, %mul3A_53 : vector<16xf32>
      %select_n3A_68 = arith.select %lt3A_67, %add3A_62, %select_n3A : vector<16xi1>, vector<16xi32>
      %add3A_69 = arith.constant 32 : i32
      %add3A_70 = vector.broadcast %add3A_69 : i32 to vector<16xi32>
      %add3A_71 = arith.addi %select_n3A_68, %add3A_70 : vector<16xi32>
      %sub3A_72 = arith.constant 1 : i32
      %sub3A_73 = vector.broadcast %sub3A_72 : i32 to vector<16xi32>
      %sub3A_74 = arith.subi %add3A_71, %sub3A_73 : vector<16xi32>
      %gather3A_75 = tpu.vector_load_idx %arg8[%sub3A_74] : memref<256xf32, #tpu.memory_space<vmem>>[vector<16xi32>], vector<16xf32>,
      %lt3A_76 = arith.cmpf olt, %gather3A_75, %mul3A_53 : vector<16xf32>
      %select_n3A_77 = arith.select %lt3A_76, %add3A_71, %select_n3A_68 : vector<16xi1>, vector<16xi32>
      %add3A_78 = arith.constant 16 : i32
      %add3A_79 = vector.broadcast %add3A_78 : i32 to vector<16xi32>
      %add3A_80 = arith.addi %select_n3A_77, %add3A_79 : vector<16xi32>
      %sub3A_81 = arith.constant 1 : i32
      %sub3A_82 = vector.broadcast %sub3A_81 : i32 to vector<16xi32>
      %sub3A_83 = arith.subi %add3A_80, %sub3A_82 : vector<16xi32>
      %gather3A_84 = tpu.vector_load_idx %arg8[%sub3A_83] : memref<256xf32, #tpu.memory_space<vmem>>[vector<16xi32>], vector<16xf32>,
      %lt3A_85 = arith.cmpf olt, %gather3A_84, %mul3A_53 : vector<16xf32>
      %select_n3A_86 = arith.select %lt3A_85, %add3A_80, %select_n3A_77 : vector<16xi1>, vector<16xi32>
      %add3A_87 = arith.constant 8 : i32
      %add3A_88 = vector.broadcast %add3A_87 : i32 to vector<16xi32>
      %add3A_89 = arith.addi %select_n3A_86, %add3A_88 : vector<16xi32>
      %sub3A_90 = arith.constant 1 : i32
      %sub3A_91 = vector.broadcast %sub3A_90 : i32 to vector<16xi32>
      %sub3A_92 = arith.subi %add3A_89, %sub3A_91 : vector<16xi32>
      %gather3A_93 = tpu.vector_load_idx %arg8[%sub3A_92] : memref<256xf32, #tpu.memory_space<vmem>>[vector<16xi32>], vector<16xf32>,
      %lt3A_94 = arith.cmpf olt, %gather3A_93, %mul3A_53 : vector<16xf32>
      %select_n3A_95 = arith.select %lt3A_94, %add3A_89, %select_n3A_86 : vector<16xi1>, vector<16xi32>
      %add3A_96 = arith.constant 4 : i32
      %add3A_97 = vector.broadcast %add3A_96 : i32 to vector<16xi32>
      %add3A_98 = arith.addi %select_n3A_95, %add3A_97 : vector<16xi32>
      %sub3A_99 = arith.constant 1 : i32
      %sub3A_100 = vector.broadcast %sub3A_99 : i32 to vector<16xi32>
      %sub3A_101 = arith.subi %add3A_98, %sub3A_100 : vector<16xi32>
      %gather3A_102 = tpu.vector_load_idx %arg8[%sub3A_101] : memref<256xf32, #tpu.memory_space<vmem>>[vector<16xi32>], vector<16xf32>,
      %lt3A_103 = arith.cmpf olt, %gather3A_102, %mul3A_53 : vector<16xf32>
      %select_n3A_104 = arith.select %lt3A_103, %add3A_98, %select_n3A_95 : vector<16xi1>, vector<16xi32>
      %add3A_105 = arith.constant 2 : i32
      %add3A_106 = vector.broadcast %add3A_105 : i32 to vector<16xi32>
      %add3A_107 = arith.addi %select_n3A_104, %add3A_106 : vector<16xi32>
      %sub3A_108 = arith.constant 1 : i32
      %sub3A_109 = vector.broadcast %sub3A_108 : i32 to vector<16xi32>
      %sub3A_110 = arith.subi %add3A_107, %sub3A_109 : vector<16xi32>
      %gather3A_111 = tpu.vector_load_idx %arg8[%sub3A_110] : memref<256xf32, #tpu.memory_space<vmem>>[vector<16xi32>], vector<16xf32>,
      %lt3A_112 = arith.cmpf olt, %gather3A_111, %mul3A_53 : vector<16xf32>
      %select_n3A_113 = arith.select %lt3A_112, %add3A_107, %select_n3A_104 : vector<16xi1>, vector<16xi32>
      %add3A_114 = arith.constant 1 : i32
      %add3A_115 = vector.broadcast %add3A_114 : i32 to vector<16xi32>
      %add3A_116 = arith.addi %select_n3A_113, %add3A_115 : vector<16xi32>
      %sub3A_117 = arith.constant 1 : i32
      %sub3A_118 = vector.broadcast %sub3A_117 : i32 to vector<16xi32>
      %sub3A_119 = arith.subi %add3A_116, %sub3A_118 : vector<16xi32>
      %gather3A_120 = tpu.vector_load_idx %arg8[%sub3A_119] : memref<256xf32, #tpu.memory_space<vmem>>[vector<16xi32>], vector<16xf32>,
      %lt3A_121 = arith.cmpf olt, %gather3A_120, %mul3A_53 : vector<16xf32>
      %select_n3A_122 = arith.select %lt3A_121, %add3A_116, %select_n3A_113 : vector<16xi1>, vector<16xi32>
      %sub3A_123 = arith.constant 1 : i32
      %sub3A_124 = vector.broadcast %sub3A_123 : i32 to vector<16xi32>
      %sub3A_125 = arith.subi %select_n3A_122, %sub3A_124 : vector<16xi32>
      %max3A = arith.constant 0 : i32
      %max3A_126 = vector.broadcast %max3A : i32 to vector<16xi32>
      %max3A_127 = arith.maxsi %sub3A_125, %max3A_126 : vector<16xi32>
      %gather3A_128 = tpu.vector_load_idx %arg8[%max3A_127] : memref<256xf32, #tpu.memory_space<vmem>>[vector<16xi32>], vector<16xf32>,
      %gt3A = arith.constant 0 : i32
      %gt3A_129 = vector.broadcast %gt3A : i32 to vector<16xi32>
      %gt3A_130 = arith.cmpi sgt, %select_n3A_122, %gt3A_129 : vector<16xi32>
      %jit3A = arith.constant 0.000000e+00 : f32
      %broadcast_in_dim3A_131 = vector.broadcast %jit3A : f32 to vector<16xf32>
      %select_n3A_132 = arith.select %gt3A_130, %gather3A_128, %broadcast_in_dim3A_131 : vector<16xi1>, vector<16xf32>
      %mul3A_133 = arith.constant 16 : i32
      %mul3A_134 = vector.broadcast %mul3A_133 : i32 to vector<16xi32>
      %mul3A_135 = arith.muli %select_n3A_122, %mul3A_134 : vector<16xi32>
      %add3A_136 = arith.constant 0 : i32
      %add3A_137 = vector.broadcast %add3A_136 : i32 to vector<16xi32>
      %add3A_138 = arith.addi %mul3A_135, %add3A_137 : vector<16xi32>
      %gather3A_139 = tpu.vector_load_idx %arg6[%add3A_138] : memref<4096xf32, #tpu.memory_space<vmem>>[vector<16xi32>], vector<16xf32>,
      %add3A_140 = arith.addf %select_n3A_132, %gather3A_139 : vector<16xf32>
      %lt3A_141 = arith.cmpf olt, %add3A_140, %mul3A_53 : vector<16xf32>
      %jit3A_142 = arith.constant 1 : i32
      %jit3A_143 = arith.constant 0 : i32
      %broadcast_in_dim3A_144 = vector.broadcast %jit3A_142 : i32 to vector<16xi32>
      %broadcast_in_dim3A_145 = vector.broadcast %jit3A_143 : i32 to vector<16xi32>
      %select_n3A_146 = arith.select %lt3A_141, %broadcast_in_dim3A_144, %broadcast_in_dim3A_145 : vector<16xi1>, vector<16xi32>
      %add3A_147 = arith.addi %mul3A_135, %select_n3A_146 : vector<16xi32>
      %add3A_148 = arith.constant 1 : i32
      %add3A_149 = vector.broadcast %add3A_148 : i32 to vector<16xi32>
      %add3A_150 = arith.addi %mul3A_135, %add3A_149 : vector<16xi32>
      %gather3A_151 = tpu.vector_load_idx %arg6[%add3A_150] : memref<4096xf32, #tpu.memory_space<vmem>>[vector<16xi32>], vector<16xf32>,
      %add3A_152 = arith.addf %add3A_140, %gather3A_151 : vector<16xf32>
      %lt3A_153 = arith.cmpf olt, %add3A_152, %mul3A_53 : vector<16xf32>
      %jit3A_154 = arith.constant 1 : i32
      %jit3A_155 = arith.constant 0 : i32
      %broadcast_in_dim3A_156 = vector.broadcast %jit3A_154 : i32 to vector<16xi32>
      %broadcast_in_dim3A_157 = vector.broadcast %jit3A_155 : i32 to vector<16xi32>
      %select_n3A_158 = arith.select %lt3A_153, %broadcast_in_dim3A_156, %broadcast_in_dim3A_157 : vector<16xi1>, vector<16xi32>
      %add3A_159 = arith.addi %add3A_147, %select_n3A_158 : vector<16xi32>
      %add3A_160 = arith.constant 2 : i32
      %add3A_161 = vector.broadcast %add3A_160 : i32 to vector<16xi32>
      %add3A_162 = arith.addi %mul3A_135, %add3A_161 : vector<16xi32>
      %gather3A_163 = tpu.vector_load_idx %arg6[%add3A_162] : memref<4096xf32, #tpu.memory_space<vmem>>[vector<16xi32>], vector<16xf32>,
      %add3A_164 = arith.addf %add3A_152, %gather3A_163 : vector<16xf32>
      %lt3A_165 = arith.cmpf olt, %add3A_164, %mul3A_53 : vector<16xf32>
      %jit3A_166 = arith.constant 1 : i32
      %jit3A_167 = arith.constant 0 : i32
      %broadcast_in_dim3A_168 = vector.broadcast %jit3A_166 : i32 to vector<16xi32>
      %broadcast_in_dim3A_169 = vector.broadcast %jit3A_167 : i32 to vector<16xi32>
      %select_n3A_170 = arith.select %lt3A_165, %broadcast_in_dim3A_168, %broadcast_in_dim3A_169 : vector<16xi1>, vector<16xi32>
      %add3A_171 = arith.addi %add3A_159, %select_n3A_170 : vector<16xi32>
      %add3A_172 = arith.constant 3 : i32
      %add3A_173 = vector.broadcast %add3A_172 : i32 to vector<16xi32>
      %add3A_174 = arith.addi %mul3A_135, %add3A_173 : vector<16xi32>
      %gather3A_175 = tpu.vector_load_idx %arg6[%add3A_174] : memref<4096xf32, #tpu.memory_space<vmem>>[vector<16xi32>], vector<16xf32>,
      %add3A_176 = arith.addf %add3A_164, %gather3A_175 : vector<16xf32>
      %lt3A_177 = arith.cmpf olt, %add3A_176, %mul3A_53 : vector<16xf32>
      %jit3A_178 = arith.constant 1 : i32
      %jit3A_179 = arith.constant 0 : i32
      %broadcast_in_dim3A_180 = vector.broadcast %jit3A_178 : i32 to vector<16xi32>
      %broadcast_in_dim3A_181 = vector.broadcast %jit3A_179 : i32 to vector<16xi32>
      %select_n3A_182 = arith.select %lt3A_177, %broadcast_in_dim3A_180, %broadcast_in_dim3A_181 : vector<16xi1>, vector<16xi32>
      %add3A_183 = arith.addi %add3A_171, %select_n3A_182 : vector<16xi32>
      %add3A_184 = arith.constant 4 : i32
      %add3A_185 = vector.broadcast %add3A_184 : i32 to vector<16xi32>
      %add3A_186 = arith.addi %mul3A_135, %add3A_185 : vector<16xi32>
      %gather3A_187 = tpu.vector_load_idx %arg6[%add3A_186] : memref<4096xf32, #tpu.memory_space<vmem>>[vector<16xi32>], vector<16xf32>,
      %add3A_188 = arith.addf %add3A_176, %gather3A_187 : vector<16xf32>
      %lt3A_189 = arith.cmpf olt, %add3A_188, %mul3A_53 : vector<16xf32>
      %jit3A_190 = arith.constant 1 : i32
      %jit3A_191 = arith.constant 0 : i32
      %broadcast_in_dim3A_192 = vector.broadcast %jit3A_190 : i32 to vector<16xi32>
      %broadcast_in_dim3A_193 = vector.broadcast %jit3A_191 : i32 to vector<16xi32>
      %select_n3A_194 = arith.select %lt3A_189, %broadcast_in_dim3A_192, %broadcast_in_dim3A_193 : vector<16xi1>, vector<16xi32>
      %add3A_195 = arith.addi %add3A_183, %select_n3A_194 : vector<16xi32>
      %add3A_196 = arith.constant 5 : i32
      %add3A_197 = vector.broadcast %add3A_196 : i32 to vector<16xi32>
      %add3A_198 = arith.addi %mul3A_135, %add3A_197 : vector<16xi32>
      %gather3A_199 = tpu.vector_load_idx %arg6[%add3A_198] : memref<4096xf32, #tpu.memory_space<vmem>>[vector<16xi32>], vector<16xf32>,
      %add3A_200 = arith.addf %add3A_188, %gather3A_199 : vector<16xf32>
      %lt3A_201 = arith.cmpf olt, %add3A_200, %mul3A_53 : vector<16xf32>
      %jit3A_202 = arith.constant 1 : i32
      %jit3A_203 = arith.constant 0 : i32
      %broadcast_in_dim3A_204 = vector.broadcast %jit3A_202 : i32 to vector<16xi32>
      %broadcast_in_dim3A_205 = vector.broadcast %jit3A_203 : i32 to vector<16xi32>
      %select_n3A_206 = arith.select %lt3A_201, %broadcast_in_dim3A_204, %broadcast_in_dim3A_205 : vector<16xi1>, vector<16xi32>
      %add3A_207 = arith.addi %add3A_195, %select_n3A_206 : vector<16xi32>
      %add3A_208 = arith.constant 6 : i32
      %add3A_209 = vector.broadcast %add3A_208 : i32 to vector<16xi32>
      %add3A_210 = arith.addi %mul3A_135, %add3A_209 : vector<16xi32>
      %gather3A_211 = tpu.vector_load_idx %arg6[%add3A_210] : memref<4096xf32, #tpu.memory_space<vmem>>[vector<16xi32>], vector<16xf32>,
      %add3A_212 = arith.addf %add3A_200, %gather3A_211 : vector<16xf32>
      %lt3A_213 = arith.cmpf olt, %add3A_212, %mul3A_53 : vector<16xf32>
      %jit3A_214 = arith.constant 1 : i32
      %jit3A_215 = arith.constant 0 : i32
      %broadcast_in_dim3A_216 = vector.broadcast %jit3A_214 : i32 to vector<16xi32>
      %broadcast_in_dim3A_217 = vector.broadcast %jit3A_215 : i32 to vector<16xi32>
      %select_n3A_218 = arith.select %lt3A_213, %broadcast_in_dim3A_216, %broadcast_in_dim3A_217 : vector<16xi1>, vector<16xi32>
      %add3A_219 = arith.addi %add3A_207, %select_n3A_218 : vector<16xi32>
      %add3A_220 = arith.constant 7 : i32
      %add3A_221 = vector.broadcast %add3A_220 : i32 to vector<16xi32>
      %add3A_222 = arith.addi %mul3A_135, %add3A_221 : vector<16xi32>
      %gather3A_223 = tpu.vector_load_idx %arg6[%add3A_222] : memref<4096xf32, #tpu.memory_space<vmem>>[vector<16xi32>], vector<16xf32>,
      %add3A_224 = arith.addf %add3A_212, %gather3A_223 : vector<16xf32>
      %lt3A_225 = arith.cmpf olt, %add3A_224, %mul3A_53 : vector<16xf32>
      %jit3A_226 = arith.constant 1 : i32
      %jit3A_227 = arith.constant 0 : i32
      %broadcast_in_dim3A_228 = vector.broadcast %jit3A_226 : i32 to vector<16xi32>
      %broadcast_in_dim3A_229 = vector.broadcast %jit3A_227 : i32 to vector<16xi32>
      %select_n3A_230 = arith.select %lt3A_225, %broadcast_in_dim3A_228, %broadcast_in_dim3A_229 : vector<16xi1>, vector<16xi32>
      %add3A_231 = arith.addi %add3A_219, %select_n3A_230 : vector<16xi32>
      %add3A_232 = arith.constant 8 : i32
      %add3A_233 = vector.broadcast %add3A_232 : i32 to vector<16xi32>
      %add3A_234 = arith.addi %mul3A_135, %add3A_233 : vector<16xi32>
      %gather3A_235 = tpu.vector_load_idx %arg6[%add3A_234] : memref<4096xf32, #tpu.memory_space<vmem>>[vector<16xi32>], vector<16xf32>,
      %add3A_236 = arith.addf %add3A_224, %gather3A_235 : vector<16xf32>
      %lt3A_237 = arith.cmpf olt, %add3A_236, %mul3A_53 : vector<16xf32>
      %jit3A_238 = arith.constant 1 : i32
      %jit3A_239 = arith.constant 0 : i32
      %broadcast_in_dim3A_240 = vector.broadcast %jit3A_238 : i32 to vector<16xi32>
      %broadcast_in_dim3A_241 = vector.broadcast %jit3A_239 : i32 to vector<16xi32>
      %select_n3A_242 = arith.select %lt3A_237, %broadcast_in_dim3A_240, %broadcast_in_dim3A_241 : vector<16xi1>, vector<16xi32>
      %add3A_243 = arith.addi %add3A_231, %select_n3A_242 : vector<16xi32>
      %add3A_244 = arith.constant 9 : i32
      %add3A_245 = vector.broadcast %add3A_244 : i32 to vector<16xi32>
      %add3A_246 = arith.addi %mul3A_135, %add3A_245 : vector<16xi32>
      %gather3A_247 = tpu.vector_load_idx %arg6[%add3A_246] : memref<4096xf32, #tpu.memory_space<vmem>>[vector<16xi32>], vector<16xf32>,
      %add3A_248 = arith.addf %add3A_236, %gather3A_247 : vector<16xf32>
      %lt3A_249 = arith.cmpf olt, %add3A_248, %mul3A_53 : vector<16xf32>
      %jit3A_250 = arith.constant 1 : i32
      %jit3A_251 = arith.constant 0 : i32
      %broadcast_in_dim3A_252 = vector.broadcast %jit3A_250 : i32 to vector<16xi32>
      %broadcast_in_dim3A_253 = vector.broadcast %jit3A_251 : i32 to vector<16xi32>
      %select_n3A_254 = arith.select %lt3A_249, %broadcast_in_dim3A_252, %broadcast_in_dim3A_253 : vector<16xi1>, vector<16xi32>
      %add3A_255 = arith.addi %add3A_243, %select_n3A_254 : vector<16xi32>
      %add3A_256 = arith.constant 10 : i32
      %add3A_257 = vector.broadcast %add3A_256 : i32 to vector<16xi32>
      %add3A_258 = arith.addi %mul3A_135, %add3A_257 : vector<16xi32>
      %gather3A_259 = tpu.vector_load_idx %arg6[%add3A_258] : memref<4096xf32, #tpu.memory_space<vmem>>[vector<16xi32>], vector<16xf32>,
      %add3A_260 = arith.addf %add3A_248, %gather3A_259 : vector<16xf32>
      %lt3A_261 = arith.cmpf olt, %add3A_260, %mul3A_53 : vector<16xf32>
      %jit3A_262 = arith.constant 1 : i32
      %jit3A_263 = arith.constant 0 : i32
      %broadcast_in_dim3A_264 = vector.broadcast %jit3A_262 : i32 to vector<16xi32>
      %broadcast_in_dim3A_265 = vector.broadcast %jit3A_263 : i32 to vector<16xi32>
      %select_n3A_266 = arith.select %lt3A_261, %broadcast_in_dim3A_264, %broadcast_in_dim3A_265 : vector<16xi1>, vector<16xi32>
      %add3A_267 = arith.addi %add3A_255, %select_n3A_266 : vector<16xi32>
      %add3A_268 = arith.constant 11 : i32
      %add3A_269 = vector.broadcast %add3A_268 : i32 to vector<16xi32>
      %add3A_270 = arith.addi %mul3A_135, %add3A_269 : vector<16xi32>
      %gather3A_271 = tpu.vector_load_idx %arg6[%add3A_270] : memref<4096xf32, #tpu.memory_space<vmem>>[vector<16xi32>], vector<16xf32>,
      %add3A_272 = arith.addf %add3A_260, %gather3A_271 : vector<16xf32>
      %lt3A_273 = arith.cmpf olt, %add3A_272, %mul3A_53 : vector<16xf32>
      %jit3A_274 = arith.constant 1 : i32
      %jit3A_275 = arith.constant 0 : i32
      %broadcast_in_dim3A_276 = vector.broadcast %jit3A_274 : i32 to vector<16xi32>
      %broadcast_in_dim3A_277 = vector.broadcast %jit3A_275 : i32 to vector<16xi32>
      %select_n3A_278 = arith.select %lt3A_273, %broadcast_in_dim3A_276, %broadcast_in_dim3A_277 : vector<16xi1>, vector<16xi32>
      %add3A_279 = arith.addi %add3A_267, %select_n3A_278 : vector<16xi32>
      %add3A_280 = arith.constant 12 : i32
      %add3A_281 = vector.broadcast %add3A_280 : i32 to vector<16xi32>
      %add3A_282 = arith.addi %mul3A_135, %add3A_281 : vector<16xi32>
      %gather3A_283 = tpu.vector_load_idx %arg6[%add3A_282] : memref<4096xf32, #tpu.memory_space<vmem>>[vector<16xi32>], vector<16xf32>,
      %add3A_284 = arith.addf %add3A_272, %gather3A_283 : vector<16xf32>
      %lt3A_285 = arith.cmpf olt, %add3A_284, %mul3A_53 : vector<16xf32>
      %jit3A_286 = arith.constant 1 : i32
      %jit3A_287 = arith.constant 0 : i32
      %broadcast_in_dim3A_288 = vector.broadcast %jit3A_286 : i32 to vector<16xi32>
      %broadcast_in_dim3A_289 = vector.broadcast %jit3A_287 : i32 to vector<16xi32>
      %select_n3A_290 = arith.select %lt3A_285, %broadcast_in_dim3A_288, %broadcast_in_dim3A_289 : vector<16xi1>, vector<16xi32>
      %add3A_291 = arith.addi %add3A_279, %select_n3A_290 : vector<16xi32>
      %add3A_292 = arith.constant 13 : i32
      %add3A_293 = vector.broadcast %add3A_292 : i32 to vector<16xi32>
      %add3A_294 = arith.addi %mul3A_135, %add3A_293 : vector<16xi32>
      %gather3A_295 = tpu.vector_load_idx %arg6[%add3A_294] : memref<4096xf32, #tpu.memory_space<vmem>>[vector<16xi32>], vector<16xf32>,
      %add3A_296 = arith.addf %add3A_284, %gather3A_295 : vector<16xf32>
      %lt3A_297 = arith.cmpf olt, %add3A_296, %mul3A_53 : vector<16xf32>
      %jit3A_298 = arith.constant 1 : i32
      %jit3A_299 = arith.constant 0 : i32
      %broadcast_in_dim3A_300 = vector.broadcast %jit3A_298 : i32 to vector<16xi32>
      %broadcast_in_dim3A_301 = vector.broadcast %jit3A_299 : i32 to vector<16xi32>
      %select_n3A_302 = arith.select %lt3A_297, %broadcast_in_dim3A_300, %broadcast_in_dim3A_301 : vector<16xi1>, vector<16xi32>
      %add3A_303 = arith.addi %add3A_291, %select_n3A_302 : vector<16xi32>
      %add3A_304 = arith.constant 14 : i32
      %add3A_305 = vector.broadcast %add3A_304 : i32 to vector<16xi32>
      %add3A_306 = arith.addi %mul3A_135, %add3A_305 : vector<16xi32>
      %gather3A_307 = tpu.vector_load_idx %arg6[%add3A_306] : memref<4096xf32, #tpu.memory_space<vmem>>[vector<16xi32>], vector<16xf32>,
      %add3A_308 = arith.addf %add3A_296, %gather3A_307 : vector<16xf32>
      %lt3A_309 = arith.cmpf olt, %add3A_308, %mul3A_53 : vector<16xf32>
      %jit3A_310 = arith.constant 1 : i32
      %jit3A_311 = arith.constant 0 : i32
      %broadcast_in_dim3A_312 = vector.broadcast %jit3A_310 : i32 to vector<16xi32>
      %broadcast_in_dim3A_313 = vector.broadcast %jit3A_311 : i32 to vector<16xi32>
      %select_n3A_314 = arith.select %lt3A_309, %broadcast_in_dim3A_312, %broadcast_in_dim3A_313 : vector<16xi1>, vector<16xi32>
      %add3A_315 = arith.addi %add3A_303, %select_n3A_314 : vector<16xi32>
      %add3A_316 = arith.constant 15 : i32
      %add3A_317 = vector.broadcast %add3A_316 : i32 to vector<16xi32>
      %add3A_318 = arith.addi %mul3A_135, %add3A_317 : vector<16xi32>
      %gather3A_319 = tpu.vector_load_idx %arg6[%add3A_318] : memref<4096xf32, #tpu.memory_space<vmem>>[vector<16xi32>], vector<16xf32>,
      %add3A_320 = arith.addf %add3A_308, %gather3A_319 : vector<16xf32>
      %lt3A_321 = arith.cmpf olt, %add3A_320, %mul3A_53 : vector<16xf32>
      %jit3A_322 = arith.constant 1 : i32
      %jit3A_323 = arith.constant 0 : i32
      %broadcast_in_dim3A_324 = vector.broadcast %jit3A_322 : i32 to vector<16xi32>
      %broadcast_in_dim3A_325 = vector.broadcast %jit3A_323 : i32 to vector<16xi32>
      %select_n3A_326 = arith.select %lt3A_321, %broadcast_in_dim3A_324, %broadcast_in_dim3A_325 : vector<16xi1>, vector<16xi32>
      %add3A_327 = arith.addi %add3A_315, %select_n3A_326 : vector<16xi32>
      %min3A_328 = arith.constant 4095 : i32
      %min3A_329 = vector.broadcast %min3A_328 : i32 to vector<16xi32>
      %min3A_330 = arith.minsi %add3A_327, %min3A_329 : vector<16xi32>
      %gt3A_331 = arith.constant 0 : i32
      %gt3A_332 = vector.broadcast %gt3A_331 : i32 to vector<16xi32>
      %gt3A_333 = arith.cmpi sgt, %get3A_51, %gt3A_332 : vector<16xi32>
      %jit3A_334 = arith.constant -1 : i32
      %broadcast_in_dim3A_335 = vector.broadcast %jit3A_334 : i32 to vector<16xi32>
      %select_n3A_336 = arith.select %gt3A_333, %min3A_330, %broadcast_in_dim3A_335 : vector<16xi1>, vector<16xi32>
      %swap3A = arith.index_cast %mul3A_23 : i32 to index
      %swap3A_337 = arith.constant 0 : index
      %swap3A_338 = tpu.vector_load %arg11[%swap3A, %swap3A_337] {strides = array<i32>} : memref<64x32xi32, #tpu.memory_space<vmem>>, vector<16xi32>,
      tpu.vector_store %arg11[%swap3A, %swap3A_337], %select_n3A_336 {strides = array<i32>} : memref<64x32xi32, #tpu.memory_space<vmem>>, vector<16xi32>,
      %get3A_339 = arith.index_cast %mul3A_23 : i32 to index
      %get3A_340 = arith.constant 16 : index
      %get3A_341 = tpu.vector_load %arg9[%get3A_339, %get3A_340] {strides = array<i32>} : memref<64x32xf32, #tpu.memory_space<vmem>>, vector<16xf32>,
      %get3A_342 = arith.index_cast %mul3A_23 : i32 to index
      %get3A_343 = arith.constant 16 : index
      %get3A_344 = tpu.vector_load %arg10[%get3A_342, %get3A_343] {strides = array<i32>} : memref<64x32xi32, #tpu.memory_space<vmem>>, vector<16xi32>,
      %mul3A_345 = vector.broadcast %scan3A_45 : f32 to vector<16xf32>
      %mul3A_346 = arith.mulf %get3A_341, %mul3A_345 : vector<16xf32>
      %broadcast_in_dim3A_347 = arith.constant 0 : i32
      %broadcast_in_dim3A_348 = vector.broadcast %broadcast_in_dim3A_347 : i32 to vector<16xi32>
      %add3A_349 = arith.constant 128 : i32
      %add3A_350 = vector.broadcast %add3A_349 : i32 to vector<16xi32>
      %add3A_351 = arith.addi %broadcast_in_dim3A_348, %add3A_350 : vector<16xi32>
      %sub3A_352 = arith.constant 1 : i32
      %sub3A_353 = vector.broadcast %sub3A_352 : i32 to vector<16xi32>
      %sub3A_354 = arith.subi %add3A_351, %sub3A_353 : vector<16xi32>
      %gather3A_355 = tpu.vector_load_idx %arg8[%sub3A_354] : memref<256xf32, #tpu.memory_space<vmem>>[vector<16xi32>], vector<16xf32>,
      %lt3A_356 = arith.cmpf olt, %gather3A_355, %mul3A_346 : vector<16xf32>
      %select_n3A_357 = arith.select %lt3A_356, %add3A_351, %broadcast_in_dim3A_348 : vector<16xi1>, vector<16xi32>
      %add3A_358 = arith.constant 64 : i32
      %add3A_359 = vector.broadcast %add3A_358 : i32 to vector<16xi32>
      %add3A_360 = arith.addi %select_n3A_357, %add3A_359 : vector<16xi32>
      %sub3A_361 = arith.constant 1 : i32
      %sub3A_362 = vector.broadcast %sub3A_361 : i32 to vector<16xi32>
      %sub3A_363 = arith.subi %add3A_360, %sub3A_362 : vector<16xi32>
      %gather3A_364 = tpu.vector_load_idx %arg8[%sub3A_363] : memref<256xf32, #tpu.memory_space<vmem>>[vector<16xi32>], vector<16xf32>,
      %lt3A_365 = arith.cmpf olt, %gather3A_364, %mul3A_346 : vector<16xf32>
      %select_n3A_366 = arith.select %lt3A_365, %add3A_360, %select_n3A_357 : vector<16xi1>, vector<16xi32>
      %add3A_367 = arith.constant 32 : i32
      %add3A_368 = vector.broadcast %add3A_367 : i32 to vector<16xi32>
      %add3A_369 = arith.addi %select_n3A_366, %add3A_368 : vector<16xi32>
      %sub3A_370 = arith.constant 1 : i32
      %sub3A_371 = vector.broadcast %sub3A_370 : i32 to vector<16xi32>
      %sub3A_372 = arith.subi %add3A_369, %sub3A_371 : vector<16xi32>
      %gather3A_373 = tpu.vector_load_idx %arg8[%sub3A_372] : memref<256xf32, #tpu.memory_space<vmem>>[vector<16xi32>], vector<16xf32>,
      %lt3A_374 = arith.cmpf olt, %gather3A_373, %mul3A_346 : vector<16xf32>
      %select_n3A_375 = arith.select %lt3A_374, %add3A_369, %select_n3A_366 : vector<16xi1>, vector<16xi32>
      %add3A_376 = arith.constant 16 : i32
      %add3A_377 = vector.broadcast %add3A_376 : i32 to vector<16xi32>
      %add3A_378 = arith.addi %select_n3A_375, %add3A_377 : vector<16xi32>
      %sub3A_379 = arith.constant 1 : i32
      %sub3A_380 = vector.broadcast %sub3A_379 : i32 to vector<16xi32>
      %sub3A_381 = arith.subi %add3A_378, %sub3A_380 : vector<16xi32>
      %gather3A_382 = tpu.vector_load_idx %arg8[%sub3A_381] : memref<256xf32, #tpu.memory_space<vmem>>[vector<16xi32>], vector<16xf32>,
      %lt3A_383 = arith.cmpf olt, %gather3A_382, %mul3A_346 : vector<16xf32>
      %select_n3A_384 = arith.select %lt3A_383, %add3A_378, %select_n3A_375 : vector<16xi1>, vector<16xi32>
      %add3A_385 = arith.constant 8 : i32
      %add3A_386 = vector.broadcast %add3A_385 : i32 to vector<16xi32>
      %add3A_387 = arith.addi %select_n3A_384, %add3A_386 : vector<16xi32>
      %sub3A_388 = arith.constant 1 : i32
      %sub3A_389 = vector.broadcast %sub3A_388 : i32 to vector<16xi32>
      %sub3A_390 = arith.subi %add3A_387, %sub3A_389 : vector<16xi32>
      %gather3A_391 = tpu.vector_load_idx %arg8[%sub3A_390] : memref<256xf32, #tpu.memory_space<vmem>>[vector<16xi32>], vector<16xf32>,
      %lt3A_392 = arith.cmpf olt, %gather3A_391, %mul3A_346 : vector<16xf32>
      %select_n3A_393 = arith.select %lt3A_392, %add3A_387, %select_n3A_384 : vector<16xi1>, vector<16xi32>
      %add3A_394 = arith.constant 4 : i32
      %add3A_395 = vector.broadcast %add3A_394 : i32 to vector<16xi32>
      %add3A_396 = arith.addi %select_n3A_393, %add3A_395 : vector<16xi32>
      %sub3A_397 = arith.constant 1 : i32
      %sub3A_398 = vector.broadcast %sub3A_397 : i32 to vector<16xi32>
      %sub3A_399 = arith.subi %add3A_396, %sub3A_398 : vector<16xi32>
      %gather3A_400 = tpu.vector_load_idx %arg8[%sub3A_399] : memref<256xf32, #tpu.memory_space<vmem>>[vector<16xi32>], vector<16xf32>,
      %lt3A_401 = arith.cmpf olt, %gather3A_400, %mul3A_346 : vector<16xf32>
      %select_n3A_402 = arith.select %lt3A_401, %add3A_396, %select_n3A_393 : vector<16xi1>, vector<16xi32>
      %add3A_403 = arith.constant 2 : i32
      %add3A_404 = vector.broadcast %add3A_403 : i32 to vector<16xi32>
      %add3A_405 = arith.addi %select_n3A_402, %add3A_404 : vector<16xi32>
      %sub3A_406 = arith.constant 1 : i32
      %sub3A_407 = vector.broadcast %sub3A_406 : i32 to vector<16xi32>
      %sub3A_408 = arith.subi %add3A_405, %sub3A_407 : vector<16xi32>
      %gather3A_409 = tpu.vector_load_idx %arg8[%sub3A_408] : memref<256xf32, #tpu.memory_space<vmem>>[vector<16xi32>], vector<16xf32>,
      %lt3A_410 = arith.cmpf olt, %gather3A_409, %mul3A_346 : vector<16xf32>
      %select_n3A_411 = arith.select %lt3A_410, %add3A_405, %select_n3A_402 : vector<16xi1>, vector<16xi32>
      %add3A_412 = arith.constant 1 : i32
      %add3A_413 = vector.broadcast %add3A_412 : i32 to vector<16xi32>
      %add3A_414 = arith.addi %select_n3A_411, %add3A_413 : vector<16xi32>
      %sub3A_415 = arith.constant 1 : i32
      %sub3A_416 = vector.broadcast %sub3A_415 : i32 to vector<16xi32>
      %sub3A_417 = arith.subi %add3A_414, %sub3A_416 : vector<16xi32>
      %gather3A_418 = tpu.vector_load_idx %arg8[%sub3A_417] : memref<256xf32, #tpu.memory_space<vmem>>[vector<16xi32>], vector<16xf32>,
      %lt3A_419 = arith.cmpf olt, %gather3A_418, %mul3A_346 : vector<16xf32>
      %select_n3A_420 = arith.select %lt3A_419, %add3A_414, %select_n3A_411 : vector<16xi1>, vector<16xi32>
      %sub3A_421 = arith.constant 1 : i32
      %sub3A_422 = vector.broadcast %sub3A_421 : i32 to vector<16xi32>
      %sub3A_423 = arith.subi %select_n3A_420, %sub3A_422 : vector<16xi32>
      %max3A_424 = arith.constant 0 : i32
      %max3A_425 = vector.broadcast %max3A_424 : i32 to vector<16xi32>
      %max3A_426 = arith.maxsi %sub3A_423, %max3A_425 : vector<16xi32>
      %gather3A_427 = tpu.vector_load_idx %arg8[%max3A_426] : memref<256xf32, #tpu.memory_space<vmem>>[vector<16xi32>], vector<16xf32>,
      %gt3A_428 = arith.constant 0 : i32
      %gt3A_429 = vector.broadcast %gt3A_428 : i32 to vector<16xi32>
      %gt3A_430 = arith.cmpi sgt, %select_n3A_420, %gt3A_429 : vector<16xi32>
      %jit3A_431 = arith.constant 0.000000e+00 : f32
      %broadcast_in_dim3A_432 = vector.broadcast %jit3A_431 : f32 to vector<16xf32>
      %select_n3A_433 = arith.select %gt3A_430, %gather3A_427, %broadcast_in_dim3A_432 : vector<16xi1>, vector<16xf32>
      %mul3A_434 = arith.constant 16 : i32
      %mul3A_435 = vector.broadcast %mul3A_434 : i32 to vector<16xi32>
      %mul3A_436 = arith.muli %select_n3A_420, %mul3A_435 : vector<16xi32>
      %add3A_437 = arith.constant 0 : i32
      %add3A_438 = vector.broadcast %add3A_437 : i32 to vector<16xi32>
      %add3A_439 = arith.addi %mul3A_436, %add3A_438 : vector<16xi32>
      %gather3A_440 = tpu.vector_load_idx %arg6[%add3A_439] : memref<4096xf32, #tpu.memory_space<vmem>>[vector<16xi32>], vector<16xf32>,
      %add3A_441 = arith.addf %select_n3A_433, %gather3A_440 : vector<16xf32>
      %lt3A_442 = arith.cmpf olt, %add3A_441, %mul3A_346 : vector<16xf32>
      %jit3A_443 = arith.constant 1 : i32
      %jit3A_444 = arith.constant 0 : i32
      %broadcast_in_dim3A_445 = vector.broadcast %jit3A_443 : i32 to vector<16xi32>
      %broadcast_in_dim3A_446 = vector.broadcast %jit3A_444 : i32 to vector<16xi32>
      %select_n3A_447 = arith.select %lt3A_442, %broadcast_in_dim3A_445, %broadcast_in_dim3A_446 : vector<16xi1>, vector<16xi32>
      %add3A_448 = arith.addi %mul3A_436, %select_n3A_447 : vector<16xi32>
      %add3A_449 = arith.constant 1 : i32
      %add3A_450 = vector.broadcast %add3A_449 : i32 to vector<16xi32>
      %add3A_451 = arith.addi %mul3A_436, %add3A_450 : vector<16xi32>
      %gather3A_452 = tpu.vector_load_idx %arg6[%add3A_451] : memref<4096xf32, #tpu.memory_space<vmem>>[vector<16xi32>], vector<16xf32>,
      %add3A_453 = arith.addf %add3A_441, %gather3A_452 : vector<16xf32>
      %lt3A_454 = arith.cmpf olt, %add3A_453, %mul3A_346 : vector<16xf32>
      %jit3A_455 = arith.constant 1 : i32
      %jit3A_456 = arith.constant 0 : i32
      %broadcast_in_dim3A_457 = vector.broadcast %jit3A_455 : i32 to vector<16xi32>
      %broadcast_in_dim3A_458 = vector.broadcast %jit3A_456 : i32 to vector<16xi32>
      %select_n3A_459 = arith.select %lt3A_454, %broadcast_in_dim3A_457, %broadcast_in_dim3A_458 : vector<16xi1>, vector<16xi32>
      %add3A_460 = arith.addi %add3A_448, %select_n3A_459 : vector<16xi32>
      %add3A_461 = arith.constant 2 : i32
      %add3A_462 = vector.broadcast %add3A_461 : i32 to vector<16xi32>
      %add3A_463 = arith.addi %mul3A_436, %add3A_462 : vector<16xi32>
      %gather3A_464 = tpu.vector_load_idx %arg6[%add3A_463] : memref<4096xf32, #tpu.memory_space<vmem>>[vector<16xi32>], vector<16xf32>,
      %add3A_465 = arith.addf %add3A_453, %gather3A_464 : vector<16xf32>
      %lt3A_466 = arith.cmpf olt, %add3A_465, %mul3A_346 : vector<16xf32>
      %jit3A_467 = arith.constant 1 : i32
      %jit3A_468 = arith.constant 0 : i32
      %broadcast_in_dim3A_469 = vector.broadcast %jit3A_467 : i32 to vector<16xi32>
      %broadcast_in_dim3A_470 = vector.broadcast %jit3A_468 : i32 to vector<16xi32>
      %select_n3A_471 = arith.select %lt3A_466, %broadcast_in_dim3A_469, %broadcast_in_dim3A_470 : vector<16xi1>, vector<16xi32>
      %add3A_472 = arith.addi %add3A_460, %select_n3A_471 : vector<16xi32>
      %add3A_473 = arith.constant 3 : i32
      %add3A_474 = vector.broadcast %add3A_473 : i32 to vector<16xi32>
      %add3A_475 = arith.addi %mul3A_436, %add3A_474 : vector<16xi32>
      %gather3A_476 = tpu.vector_load_idx %arg6[%add3A_475] : memref<4096xf32, #tpu.memory_space<vmem>>[vector<16xi32>], vector<16xf32>,
      %add3A_477 = arith.addf %add3A_465, %gather3A_476 : vector<16xf32>
      %lt3A_478 = arith.cmpf olt, %add3A_477, %mul3A_346 : vector<16xf32>
      %jit3A_479 = arith.constant 1 : i32
      %jit3A_480 = arith.constant 0 : i32
      %broadcast_in_dim3A_481 = vector.broadcast %jit3A_479 : i32 to vector<16xi32>
      %broadcast_in_dim3A_482 = vector.broadcast %jit3A_480 : i32 to vector<16xi32>
      %select_n3A_483 = arith.select %lt3A_478, %broadcast_in_dim3A_481, %broadcast_in_dim3A_482 : vector<16xi1>, vector<16xi32>
      %add3A_484 = arith.addi %add3A_472, %select_n3A_483 : vector<16xi32>
      %add3A_485 = arith.constant 4 : i32
      %add3A_486 = vector.broadcast %add3A_485 : i32 to vector<16xi32>
      %add3A_487 = arith.addi %mul3A_436, %add3A_486 : vector<16xi32>
      %gather3A_488 = tpu.vector_load_idx %arg6[%add3A_487] : memref<4096xf32, #tpu.memory_space<vmem>>[vector<16xi32>], vector<16xf32>,
      %add3A_489 = arith.addf %add3A_477, %gather3A_488 : vector<16xf32>
      %lt3A_490 = arith.cmpf olt, %add3A_489, %mul3A_346 : vector<16xf32>
      %jit3A_491 = arith.constant 1 : i32
      %jit3A_492 = arith.constant 0 : i32
      %broadcast_in_dim3A_493 = vector.broadcast %jit3A_491 : i32 to vector<16xi32>
      %broadcast_in_dim3A_494 = vector.broadcast %jit3A_492 : i32 to vector<16xi32>
      %select_n3A_495 = arith.select %lt3A_490, %broadcast_in_dim3A_493, %broadcast_in_dim3A_494 : vector<16xi1>, vector<16xi32>
      %add3A_496 = arith.addi %add3A_484, %select_n3A_495 : vector<16xi32>
      %add3A_497 = arith.constant 5 : i32
      %add3A_498 = vector.broadcast %add3A_497 : i32 to vector<16xi32>
      %add3A_499 = arith.addi %mul3A_436, %add3A_498 : vector<16xi32>
      %gather3A_500 = tpu.vector_load_idx %arg6[%add3A_499] : memref<4096xf32, #tpu.memory_space<vmem>>[vector<16xi32>], vector<16xf32>,
      %add3A_501 = arith.addf %add3A_489, %gather3A_500 : vector<16xf32>
      %lt3A_502 = arith.cmpf olt, %add3A_501, %mul3A_346 : vector<16xf32>
      %jit3A_503 = arith.constant 1 : i32
      %jit3A_504 = arith.constant 0 : i32
      %broadcast_in_dim3A_505 = vector.broadcast %jit3A_503 : i32 to vector<16xi32>
      %broadcast_in_dim3A_506 = vector.broadcast %jit3A_504 : i32 to vector<16xi32>
      %select_n3A_507 = arith.select %lt3A_502, %broadcast_in_dim3A_505, %broadcast_in_dim3A_506 : vector<16xi1>, vector<16xi32>
      %add3A_508 = arith.addi %add3A_496, %select_n3A_507 : vector<16xi32>
      %add3A_509 = arith.constant 6 : i32
      %add3A_510 = vector.broadcast %add3A_509 : i32 to vector<16xi32>
      %add3A_511 = arith.addi %mul3A_436, %add3A_510 : vector<16xi32>
      %gather3A_512 = tpu.vector_load_idx %arg6[%add3A_511] : memref<4096xf32, #tpu.memory_space<vmem>>[vector<16xi32>], vector<16xf32>,
      %add3A_513 = arith.addf %add3A_501, %gather3A_512 : vector<16xf32>
      %lt3A_514 = arith.cmpf olt, %add3A_513, %mul3A_346 : vector<16xf32>
      %jit3A_515 = arith.constant 1 : i32
      %jit3A_516 = arith.constant 0 : i32
      %broadcast_in_dim3A_517 = vector.broadcast %jit3A_515 : i32 to vector<16xi32>
      %broadcast_in_dim3A_518 = vector.broadcast %jit3A_516 : i32 to vector<16xi32>
      %select_n3A_519 = arith.select %lt3A_514, %broadcast_in_dim3A_517, %broadcast_in_dim3A_518 : vector<16xi1>, vector<16xi32>
      %add3A_520 = arith.addi %add3A_508, %select_n3A_519 : vector<16xi32>
      %add3A_521 = arith.constant 7 : i32
      %add3A_522 = vector.broadcast %add3A_521 : i32 to vector<16xi32>
      %add3A_523 = arith.addi %mul3A_436, %add3A_522 : vector<16xi32>
      %gather3A_524 = tpu.vector_load_idx %arg6[%add3A_523] : memref<4096xf32, #tpu.memory_space<vmem>>[vector<16xi32>], vector<16xf32>,
      %add3A_525 = arith.addf %add3A_513, %gather3A_524 : vector<16xf32>
      %lt3A_526 = arith.cmpf olt, %add3A_525, %mul3A_346 : vector<16xf32>
      %jit3A_527 = arith.constant 1 : i32
      %jit3A_528 = arith.constant 0 : i32
      %broadcast_in_dim3A_529 = vector.broadcast %jit3A_527 : i32 to vector<16xi32>
      %broadcast_in_dim3A_530 = vector.broadcast %jit3A_528 : i32 to vector<16xi32>
      %select_n3A_531 = arith.select %lt3A_526, %broadcast_in_dim3A_529, %broadcast_in_dim3A_530 : vector<16xi1>, vector<16xi32>
      %add3A_532 = arith.addi %add3A_520, %select_n3A_531 : vector<16xi32>
      %add3A_533 = arith.constant 8 : i32
      %add3A_534 = vector.broadcast %add3A_533 : i32 to vector<16xi32>
      %add3A_535 = arith.addi %mul3A_436, %add3A_534 : vector<16xi32>
      %gather3A_536 = tpu.vector_load_idx %arg6[%add3A_535] : memref<4096xf32, #tpu.memory_space<vmem>>[vector<16xi32>], vector<16xf32>,
      %add3A_537 = arith.addf %add3A_525, %gather3A_536 : vector<16xf32>
      %lt3A_538 = arith.cmpf olt, %add3A_537, %mul3A_346 : vector<16xf32>
      %jit3A_539 = arith.constant 1 : i32
      %jit3A_540 = arith.constant 0 : i32
      %broadcast_in_dim3A_541 = vector.broadcast %jit3A_539 : i32 to vector<16xi32>
      %broadcast_in_dim3A_542 = vector.broadcast %jit3A_540 : i32 to vector<16xi32>
      %select_n3A_543 = arith.select %lt3A_538, %broadcast_in_dim3A_541, %broadcast_in_dim3A_542 : vector<16xi1>, vector<16xi32>
      %add3A_544 = arith.addi %add3A_532, %select_n3A_543 : vector<16xi32>
      %add3A_545 = arith.constant 9 : i32
      %add3A_546 = vector.broadcast %add3A_545 : i32 to vector<16xi32>
      %add3A_547 = arith.addi %mul3A_436, %add3A_546 : vector<16xi32>
      %gather3A_548 = tpu.vector_load_idx %arg6[%add3A_547] : memref<4096xf32, #tpu.memory_space<vmem>>[vector<16xi32>], vector<16xf32>,
      %add3A_549 = arith.addf %add3A_537, %gather3A_548 : vector<16xf32>
      %lt3A_550 = arith.cmpf olt, %add3A_549, %mul3A_346 : vector<16xf32>
      %jit3A_551 = arith.constant 1 : i32
      %jit3A_552 = arith.constant 0 : i32
      %broadcast_in_dim3A_553 = vector.broadcast %jit3A_551 : i32 to vector<16xi32>
      %broadcast_in_dim3A_554 = vector.broadcast %jit3A_552 : i32 to vector<16xi32>
      %select_n3A_555 = arith.select %lt3A_550, %broadcast_in_dim3A_553, %broadcast_in_dim3A_554 : vector<16xi1>, vector<16xi32>
      %add3A_556 = arith.addi %add3A_544, %select_n3A_555 : vector<16xi32>
      %add3A_557 = arith.constant 10 : i32
      %add3A_558 = vector.broadcast %add3A_557 : i32 to vector<16xi32>
      %add3A_559 = arith.addi %mul3A_436, %add3A_558 : vector<16xi32>
      %gather3A_560 = tpu.vector_load_idx %arg6[%add3A_559] : memref<4096xf32, #tpu.memory_space<vmem>>[vector<16xi32>], vector<16xf32>,
      %add3A_561 = arith.addf %add3A_549, %gather3A_560 : vector<16xf32>
      %lt3A_562 = arith.cmpf olt, %add3A_561, %mul3A_346 : vector<16xf32>
      %jit3A_563 = arith.constant 1 : i32
      %jit3A_564 = arith.constant 0 : i32
      %broadcast_in_dim3A_565 = vector.broadcast %jit3A_563 : i32 to vector<16xi32>
      %broadcast_in_dim3A_566 = vector.broadcast %jit3A_564 : i32 to vector<16xi32>
      %select_n3A_567 = arith.select %lt3A_562, %broadcast_in_dim3A_565, %broadcast_in_dim3A_566 : vector<16xi1>, vector<16xi32>
      %add3A_568 = arith.addi %add3A_556, %select_n3A_567 : vector<16xi32>
      %add3A_569 = arith.constant 11 : i32
      %add3A_570 = vector.broadcast %add3A_569 : i32 to vector<16xi32>
      %add3A_571 = arith.addi %mul3A_436, %add3A_570 : vector<16xi32>
      %gather3A_572 = tpu.vector_load_idx %arg6[%add3A_571] : memref<4096xf32, #tpu.memory_space<vmem>>[vector<16xi32>], vector<16xf32>,
      %add3A_573 = arith.addf %add3A_561, %gather3A_572 : vector<16xf32>
      %lt3A_574 = arith.cmpf olt, %add3A_573, %mul3A_346 : vector<16xf32>
      %jit3A_575 = arith.constant 1 : i32
      %jit3A_576 = arith.constant 0 : i32
      %broadcast_in_dim3A_577 = vector.broadcast %jit3A_575 : i32 to vector<16xi32>
      %broadcast_in_dim3A_578 = vector.broadcast %jit3A_576 : i32 to vector<16xi32>
      %select_n3A_579 = arith.select %lt3A_574, %broadcast_in_dim3A_577, %broadcast_in_dim3A_578 : vector<16xi1>, vector<16xi32>
      %add3A_580 = arith.addi %add3A_568, %select_n3A_579 : vector<16xi32>
      %add3A_581 = arith.constant 12 : i32
      %add3A_582 = vector.broadcast %add3A_581 : i32 to vector<16xi32>
      %add3A_583 = arith.addi %mul3A_436, %add3A_582 : vector<16xi32>
      %gather3A_584 = tpu.vector_load_idx %arg6[%add3A_583] : memref<4096xf32, #tpu.memory_space<vmem>>[vector<16xi32>], vector<16xf32>,
      %add3A_585 = arith.addf %add3A_573, %gather3A_584 : vector<16xf32>
      %lt3A_586 = arith.cmpf olt, %add3A_585, %mul3A_346 : vector<16xf32>
      %jit3A_587 = arith.constant 1 : i32
      %jit3A_588 = arith.constant 0 : i32
      %broadcast_in_dim3A_589 = vector.broadcast %jit3A_587 : i32 to vector<16xi32>
      %broadcast_in_dim3A_590 = vector.broadcast %jit3A_588 : i32 to vector<16xi32>
      %select_n3A_591 = arith.select %lt3A_586, %broadcast_in_dim3A_589, %broadcast_in_dim3A_590 : vector<16xi1>, vector<16xi32>
      %add3A_592 = arith.addi %add3A_580, %select_n3A_591 : vector<16xi32>
      %add3A_593 = arith.constant 13 : i32
      %add3A_594 = vector.broadcast %add3A_593 : i32 to vector<16xi32>
      %add3A_595 = arith.addi %mul3A_436, %add3A_594 : vector<16xi32>
      %gather3A_596 = tpu.vector_load_idx %arg6[%add3A_595] : memref<4096xf32, #tpu.memory_space<vmem>>[vector<16xi32>], vector<16xf32>,
      %add3A_597 = arith.addf %add3A_585, %gather3A_596 : vector<16xf32>
      %lt3A_598 = arith.cmpf olt, %add3A_597, %mul3A_346 : vector<16xf32>
      %jit3A_599 = arith.constant 1 : i32
      %jit3A_600 = arith.constant 0 : i32
      %broadcast_in_dim3A_601 = vector.broadcast %jit3A_599 : i32 to vector<16xi32>
      %broadcast_in_dim3A_602 = vector.broadcast %jit3A_600 : i32 to vector<16xi32>
      %select_n3A_603 = arith.select %lt3A_598, %broadcast_in_dim3A_601, %broadcast_in_dim3A_602 : vector<16xi1>, vector<16xi32>
      %add3A_604 = arith.addi %add3A_592, %select_n3A_603 : vector<16xi32>
      %add3A_605 = arith.constant 14 : i32
      %add3A_606 = vector.broadcast %add3A_605 : i32 to vector<16xi32>
      %add3A_607 = arith.addi %mul3A_436, %add3A_606 : vector<16xi32>
      %gather3A_608 = tpu.vector_load_idx %arg6[%add3A_607] : memref<4096xf32, #tpu.memory_space<vmem>>[vector<16xi32>], vector<16xf32>,
      %add3A_609 = arith.addf %add3A_597, %gather3A_608 : vector<16xf32>
      %lt3A_610 = arith.cmpf olt, %add3A_609, %mul3A_346 : vector<16xf32>
      %jit3A_611 = arith.constant 1 : i32
      %jit3A_612 = arith.constant 0 : i32
      %broadcast_in_dim3A_613 = vector.broadcast %jit3A_611 : i32 to vector<16xi32>
      %broadcast_in_dim3A_614 = vector.broadcast %jit3A_612 : i32 to vector<16xi32>
      %select_n3A_615 = arith.select %lt3A_610, %broadcast_in_dim3A_613, %broadcast_in_dim3A_614 : vector<16xi1>, vector<16xi32>
      %add3A_616 = arith.addi %add3A_604, %select_n3A_615 : vector<16xi32>
      %add3A_617 = arith.constant 15 : i32
      %add3A_618 = vector.broadcast %add3A_617 : i32 to vector<16xi32>
      %add3A_619 = arith.addi %mul3A_436, %add3A_618 : vector<16xi32>
      %gather3A_620 = tpu.vector_load_idx %arg6[%add3A_619] : memref<4096xf32, #tpu.memory_space<vmem>>[vector<16xi32>], vector<16xf32>,
      %add3A_621 = arith.addf %add3A_609, %gather3A_620 : vector<16xf32>
      %lt3A_622 = arith.cmpf olt, %add3A_621, %mul3A_346 : vector<16xf32>
      %jit3A_623 = arith.constant 1 : i32
      %jit3A_624 = arith.constant 0 : i32
      %broadcast_in_dim3A_625 = vector.broadcast %jit3A_623 : i32 to vector<16xi32>
      %broadcast_in_dim3A_626 = vector.broadcast %jit3A_624 : i32 to vector<16xi32>
      %select_n3A_627 = arith.select %lt3A_622, %broadcast_in_dim3A_625, %broadcast_in_dim3A_626 : vector<16xi1>, vector<16xi32>
      %add3A_628 = arith.addi %add3A_616, %select_n3A_627 : vector<16xi32>
      %min3A_629 = arith.constant 4095 : i32
      %min3A_630 = vector.broadcast %min3A_629 : i32 to vector<16xi32>
      %min3A_631 = arith.minsi %add3A_628, %min3A_630 : vector<16xi32>
      %gt3A_632 = arith.constant 0 : i32
      %gt3A_633 = vector.broadcast %gt3A_632 : i32 to vector<16xi32>
      %gt3A_634 = arith.cmpi sgt, %get3A_344, %gt3A_633 : vector<16xi32>
      %jit3A_635 = arith.constant -1 : i32
      %broadcast_in_dim3A_636 = vector.broadcast %jit3A_635 : i32 to vector<16xi32>
      %select_n3A_637 = arith.select %gt3A_634, %min3A_631, %broadcast_in_dim3A_636 : vector<16xi1>, vector<16xi32>
      %swap3A_638 = arith.index_cast %mul3A_23 : i32 to index
      %swap3A_639 = arith.constant 16 : index
      %swap3A_640 = tpu.vector_load %arg11[%swap3A_638, %swap3A_639] {strides = array<i32>} : memref<64x32xi32, #tpu.memory_space<vmem>>, vector<16xi32>,
      tpu.vector_store %arg11[%swap3A_638, %swap3A_639], %select_n3A_637 {strides = array<i32>} : memref<64x32xi32, #tpu.memory_space<vmem>>, vector<16xi32>,
      %add3A_641 = arith.constant 2 : i32
      %add3A_642 = arith.addi %mul3A_23, %add3A_641 : i32
      %min3A_643 = arith.constant 63 : i32
      %min3A_644 = arith.minsi %add3A_642, %min3A_643 : i32
      %add3A_645 = arith.addi %mul3A_2, %min3A_644 : i32
      %dma_start3A_646 = arith.constant 0 : i32
      %dma_start3A_647 = tpu.memref_slice %arg2[%add3A_645, %dma_start3A_646] : memref<2048x4096xf32, #tpu.memory_space<hbm>> -> memref<1x4096xf32, #tpu.memory_space<hbm>>
      %dma_start3A_648 = tpu.memref_squeeze %dma_start3A_647 : memref<1x4096xf32, #tpu.memory_space<hbm>> -> memref<4096xf32, #tpu.memory_space<hbm>>
      %dma_start3A_649 = arith.constant 0 : i32
      %dma_start3A_650 = tpu.memref_slice %arg2[%add3A_645, %dma_start3A_649] : memref<2048x4096xf32, #tpu.memory_space<hbm>> -> memref<1x4096xf32, #tpu.memory_space<hbm>>
      %dma_start3A_651 = tpu.memref_squeeze %dma_start3A_650 : memref<1x4096xf32, #tpu.memory_space<hbm>> -> memref<4096xf32, #tpu.memory_space<hbm>>
      tpu.enqueue_dma source(%dma_start3A_651 : memref<4096xf32, #tpu.memory_space<hbm>>) target(%arg6 : memref<4096xf32, #tpu.memory_space<vmem>>) target_semaphore(%arg12 : memref<!tpu.dma_semaphore, #tpu.memory_space<semaphore_mem>>)
      %dma_wait3A_652 = arith.constant 0 : i32
      %dma_wait3A_653 = tpu.memref_slice %arg2[%mul3A_2, %dma_wait3A_652] : memref<2048x4096xf32, #tpu.memory_space<hbm>> -> memref<1x4096xf32, #tpu.memory_space<hbm>>
      %dma_wait3A_654 = tpu.memref_squeeze %dma_wait3A_653 : memref<1x4096xf32, #tpu.memory_space<hbm>> -> memref<4096xf32, #tpu.memory_space<hbm>>
      %dma_wait3A_655 = arith.constant 0 : i32
      %dma_wait3A_656 = tpu.memref_slice %arg2[%mul3A_2, %dma_wait3A_655] : memref<2048x4096xf32, #tpu.memory_space<hbm>> -> memref<1x4096xf32, #tpu.memory_space<hbm>>
      %dma_wait3A_657 = tpu.memref_squeeze %dma_wait3A_656 : memref<1x4096xf32, #tpu.memory_space<hbm>> -> memref<4096xf32, #tpu.memory_space<hbm>>
      tpu.wait_dma2 semaphore(%arg13 : memref<!tpu.dma_semaphore, #tpu.memory_space<semaphore_mem>>) src(%dma_wait3A_657 : memref<4096xf32, #tpu.memory_space<hbm>>) dst(%arg7 : memref<4096xf32, #tpu.memory_space<vmem>>)
      %scan3A_658 = arith.constant 0.000000e+00 : f32
      %scan3A_659 = arith.constant 0 : i32
      %scan3A_660 = arith.constant 8 : i32
      %scan3A_661 = arith.addi %scan3A_659, %scan3A_660 : i32
      %scan3A_662 = arith.constant 1 : i32
      %scan3A_663 = scf.for %scan3A_1269 = %scan3A_659 to %scan3A_661 step %scan3A_662 iter_args(%scan3A_1270 = %scan3A_658) -> (f32)  : i32 {
        %mul3A_1271 = arith.constant 2 : i32
        %mul3A_1272 = arith.muli %mul3A_1271, %scan3A_1269 : i32
        %mul3A_1273 = arith.constant 256 : i32
        %mul3A_1274 = arith.muli %mul3A_1272, %mul3A_1273 : i32
        %add3A_1275 = vector.broadcast %mul3A_1274 : i32 to vector<16xi32>
        %add3A_1276 = arith.addi %mul3A_5, %add3A_1275 : vector<16xi32>
        %add3A_1277 = arith.constant 1 : i32
        %add3A_1278 = vector.broadcast %add3A_1277 : i32 to vector<16xi32>
        %add3A_1279 = arith.addi %add3A_1276, %add3A_1278 : vector<16xi32>
        %gather3A_1280 = tpu.vector_load_idx %arg7[%add3A_1276] : memref<4096xf32, #tpu.memory_space<vmem>>[vector<16xi32>], vector<16xf32>,
        %gather3A_1281 = tpu.vector_load_idx %arg7[%add3A_1279] : memref<4096xf32, #tpu.memory_space<vmem>>[vector<16xi32>], vector<16xf32>,
        %add3A_1282 = arith.constant 2 : i32
        %add3A_1283 = vector.broadcast %add3A_1282 : i32 to vector<16xi32>
        %add3A_1284 = arith.addi %add3A_1276, %add3A_1283 : vector<16xi32>
        %add3A_1285 = arith.constant 2 : i32
        %add3A_1286 = vector.broadcast %add3A_1285 : i32 to vector<16xi32>
        %add3A_1287 = arith.addi %add3A_1279, %add3A_1286 : vector<16xi32>
        %gather3A_1288 = tpu.vector_load_idx %arg7[%add3A_1284] : memref<4096xf32, #tpu.memory_space<vmem>>[vector<16xi32>], vector<16xf32>,
        %add3A_1289 = arith.addf %gather3A_1280, %gather3A_1288 : vector<16xf32>
        %gather3A_1290 = tpu.vector_load_idx %arg7[%add3A_1287] : memref<4096xf32, #tpu.memory_space<vmem>>[vector<16xi32>], vector<16xf32>,
        %add3A_1291 = arith.addf %gather3A_1281, %gather3A_1290 : vector<16xf32>
        %add3A_1292 = arith.constant 2 : i32
        %add3A_1293 = vector.broadcast %add3A_1292 : i32 to vector<16xi32>
        %add3A_1294 = arith.addi %add3A_1284, %add3A_1293 : vector<16xi32>
        %add3A_1295 = arith.constant 2 : i32
        %add3A_1296 = vector.broadcast %add3A_1295 : i32 to vector<16xi32>
        %add3A_1297 = arith.addi %add3A_1287, %add3A_1296 : vector<16xi32>
        %gather3A_1298 = tpu.vector_load_idx %arg7[%add3A_1294] : memref<4096xf32, #tpu.memory_space<vmem>>[vector<16xi32>], vector<16xf32>,
        %add3A_1299 = arith.addf %add3A_1289, %gather3A_1298 : vector<16xf32>
        %gather3A_1300 = tpu.vector_load_idx %arg7[%add3A_1297] : memref<4096xf32, #tpu.memory_space<vmem>>[vector<16xi32>], vector<16xf32>,
        %add3A_1301 = arith.addf %add3A_1291, %gather3A_1300 : vector<16xf32>
        %add3A_1302 = arith.constant 2 : i32
        %add3A_1303 = vector.broadcast %add3A_1302 : i32 to vector<16xi32>
        %add3A_1304 = arith.addi %add3A_1294, %add3A_1303 : vector<16xi32>
        %add3A_1305 = arith.constant 2 : i32
        %add3A_1306 = vector.broadcast %add3A_1305 : i32 to vector<16xi32>
        %add3A_1307 = arith.addi %add3A_1297, %add3A_1306 : vector<16xi32>
        %gather3A_1308 = tpu.vector_load_idx %arg7[%add3A_1304] : memref<4096xf32, #tpu.memory_space<vmem>>[vector<16xi32>], vector<16xf32>,
        %add3A_1309 = arith.addf %add3A_1299, %gather3A_1308 : vector<16xf32>
        %gather3A_1310 = tpu.vector_load_idx %arg7[%add3A_1307] : memref<4096xf32, #tpu.memory_space<vmem>>[vector<16xi32>], vector<16xf32>,
        %add3A_1311 = arith.addf %add3A_1301, %gather3A_1310 : vector<16xf32>
        %add3A_1312 = arith.constant 2 : i32
        %add3A_1313 = vector.broadcast %add3A_1312 : i32 to vector<16xi32>
        %add3A_1314 = arith.addi %add3A_1304, %add3A_1313 : vector<16xi32>
        %add3A_1315 = arith.constant 2 : i32
        %add3A_1316 = vector.broadcast %add3A_1315 : i32 to vector<16xi32>
        %add3A_1317 = arith.addi %add3A_1307, %add3A_1316 : vector<16xi32>
        %gather3A_1318 = tpu.vector_load_idx %arg7[%add3A_1314] : memref<4096xf32, #tpu.memory_space<vmem>>[vector<16xi32>], vector<16xf32>,
        %add3A_1319 = arith.addf %add3A_1309, %gather3A_1318 : vector<16xf32>
        %gather3A_1320 = tpu.vector_load_idx %arg7[%add3A_1317] : memref<4096xf32, #tpu.memory_space<vmem>>[vector<16xi32>], vector<16xf32>,
        %add3A_1321 = arith.addf %add3A_1311, %gather3A_1320 : vector<16xf32>
        %add3A_1322 = arith.constant 2 : i32
        %add3A_1323 = vector.broadcast %add3A_1322 : i32 to vector<16xi32>
        %add3A_1324 = arith.addi %add3A_1314, %add3A_1323 : vector<16xi32>
        %add3A_1325 = arith.constant 2 : i32
        %add3A_1326 = vector.broadcast %add3A_1325 : i32 to vector<16xi32>
        %add3A_1327 = arith.addi %add3A_1317, %add3A_1326 : vector<16xi32>
        %gather3A_1328 = tpu.vector_load_idx %arg7[%add3A_1324] : memref<4096xf32, #tpu.memory_space<vmem>>[vector<16xi32>], vector<16xf32>,
        %add3A_1329 = arith.addf %add3A_1319, %gather3A_1328 : vector<16xf32>
        %gather3A_1330 = tpu.vector_load_idx %arg7[%add3A_1327] : memref<4096xf32, #tpu.memory_space<vmem>>[vector<16xi32>], vector<16xf32>,
        %add3A_1331 = arith.addf %add3A_1321, %gather3A_1330 : vector<16xf32>
        %add3A_1332 = arith.constant 2 : i32
        %add3A_1333 = vector.broadcast %add3A_1332 : i32 to vector<16xi32>
        %add3A_1334 = arith.addi %add3A_1324, %add3A_1333 : vector<16xi32>
        %add3A_1335 = arith.constant 2 : i32
        %add3A_1336 = vector.broadcast %add3A_1335 : i32 to vector<16xi32>
        %add3A_1337 = arith.addi %add3A_1327, %add3A_1336 : vector<16xi32>
        %gather3A_1338 = tpu.vector_load_idx %arg7[%add3A_1334] : memref<4096xf32, #tpu.memory_space<vmem>>[vector<16xi32>], vector<16xf32>,
        %add3A_1339 = arith.addf %add3A_1329, %gather3A_1338 : vector<16xf32>
        %gather3A_1340 = tpu.vector_load_idx %arg7[%add3A_1337] : memref<4096xf32, #tpu.memory_space<vmem>>[vector<16xi32>], vector<16xf32>,
        %add3A_1341 = arith.addf %add3A_1331, %gather3A_1340 : vector<16xf32>
        %add3A_1342 = arith.constant 2 : i32
        %add3A_1343 = vector.broadcast %add3A_1342 : i32 to vector<16xi32>
        %add3A_1344 = arith.addi %add3A_1334, %add3A_1343 : vector<16xi32>
        %add3A_1345 = arith.constant 2 : i32
        %add3A_1346 = vector.broadcast %add3A_1345 : i32 to vector<16xi32>
        %add3A_1347 = arith.addi %add3A_1337, %add3A_1346 : vector<16xi32>
        %gather3A_1348 = tpu.vector_load_idx %arg7[%add3A_1344] : memref<4096xf32, #tpu.memory_space<vmem>>[vector<16xi32>], vector<16xf32>,
        %add3A_1349 = arith.addf %add3A_1339, %gather3A_1348 : vector<16xf32>
        %gather3A_1350 = tpu.vector_load_idx %arg7[%add3A_1347] : memref<4096xf32, #tpu.memory_space<vmem>>[vector<16xi32>], vector<16xf32>,
        %add3A_1351 = arith.addf %add3A_1341, %gather3A_1350 : vector<16xf32>
        %add3A_1352 = arith.addf %add3A_1349, %add3A_1351 : vector<16xf32>
        %add3A_1353 = arith.constant 1 : i32
        %add3A_1354 = arith.addi %mul3A_1272, %add3A_1353 : i32
        %mul3A_1355 = arith.constant 256 : i32
        %mul3A_1356 = arith.muli %add3A_1354, %mul3A_1355 : i32
        %add3A_1357 = vector.broadcast %mul3A_1356 : i32 to vector<16xi32>
        %add3A_1358 = arith.addi %mul3A_5, %add3A_1357 : vector<16xi32>
        %add3A_1359 = arith.constant 1 : i32
        %add3A_1360 = vector.broadcast %add3A_1359 : i32 to vector<16xi32>
        %add3A_1361 = arith.addi %add3A_1358, %add3A_1360 : vector<16xi32>
        %gather3A_1362 = tpu.vector_load_idx %arg7[%add3A_1358] : memref<4096xf32, #tpu.memory_space<vmem>>[vector<16xi32>], vector<16xf32>,
        %gather3A_1363 = tpu.vector_load_idx %arg7[%add3A_1361] : memref<4096xf32, #tpu.memory_space<vmem>>[vector<16xi32>], vector<16xf32>,
        %add3A_1364 = arith.constant 2 : i32
        %add3A_1365 = vector.broadcast %add3A_1364 : i32 to vector<16xi32>
        %add3A_1366 = arith.addi %add3A_1358, %add3A_1365 : vector<16xi32>
        %add3A_1367 = arith.constant 2 : i32
        %add3A_1368 = vector.broadcast %add3A_1367 : i32 to vector<16xi32>
        %add3A_1369 = arith.addi %add3A_1361, %add3A_1368 : vector<16xi32>
        %gather3A_1370 = tpu.vector_load_idx %arg7[%add3A_1366] : memref<4096xf32, #tpu.memory_space<vmem>>[vector<16xi32>], vector<16xf32>,
        %add3A_1371 = arith.addf %gather3A_1362, %gather3A_1370 : vector<16xf32>
        %gather3A_1372 = tpu.vector_load_idx %arg7[%add3A_1369] : memref<4096xf32, #tpu.memory_space<vmem>>[vector<16xi32>], vector<16xf32>,
        %add3A_1373 = arith.addf %gather3A_1363, %gather3A_1372 : vector<16xf32>
        %add3A_1374 = arith.constant 2 : i32
        %add3A_1375 = vector.broadcast %add3A_1374 : i32 to vector<16xi32>
        %add3A_1376 = arith.addi %add3A_1366, %add3A_1375 : vector<16xi32>
        %add3A_1377 = arith.constant 2 : i32
        %add3A_1378 = vector.broadcast %add3A_1377 : i32 to vector<16xi32>
        %add3A_1379 = arith.addi %add3A_1369, %add3A_1378 : vector<16xi32>
        %gather3A_1380 = tpu.vector_load_idx %arg7[%add3A_1376] : memref<4096xf32, #tpu.memory_space<vmem>>[vector<16xi32>], vector<16xf32>,
        %add3A_1381 = arith.addf %add3A_1371, %gather3A_1380 : vector<16xf32>
        %gather3A_1382 = tpu.vector_load_idx %arg7[%add3A_1379] : memref<4096xf32, #tpu.memory_space<vmem>>[vector<16xi32>], vector<16xf32>,
        %add3A_1383 = arith.addf %add3A_1373, %gather3A_1382 : vector<16xf32>
        %add3A_1384 = arith.constant 2 : i32
        %add3A_1385 = vector.broadcast %add3A_1384 : i32 to vector<16xi32>
        %add3A_1386 = arith.addi %add3A_1376, %add3A_1385 : vector<16xi32>
        %add3A_1387 = arith.constant 2 : i32
        %add3A_1388 = vector.broadcast %add3A_1387 : i32 to vector<16xi32>
        %add3A_1389 = arith.addi %add3A_1379, %add3A_1388 : vector<16xi32>
        %gather3A_1390 = tpu.vector_load_idx %arg7[%add3A_1386] : memref<4096xf32, #tpu.memory_space<vmem>>[vector<16xi32>], vector<16xf32>,
        %add3A_1391 = arith.addf %add3A_1381, %gather3A_1390 : vector<16xf32>
        %gather3A_1392 = tpu.vector_load_idx %arg7[%add3A_1389] : memref<4096xf32, #tpu.memory_space<vmem>>[vector<16xi32>], vector<16xf32>,
        %add3A_1393 = arith.addf %add3A_1383, %gather3A_1392 : vector<16xf32>
        %add3A_1394 = arith.constant 2 : i32
        %add3A_1395 = vector.broadcast %add3A_1394 : i32 to vector<16xi32>
        %add3A_1396 = arith.addi %add3A_1386, %add3A_1395 : vector<16xi32>
        %add3A_1397 = arith.constant 2 : i32
        %add3A_1398 = vector.broadcast %add3A_1397 : i32 to vector<16xi32>
        %add3A_1399 = arith.addi %add3A_1389, %add3A_1398 : vector<16xi32>
        %gather3A_1400 = tpu.vector_load_idx %arg7[%add3A_1396] : memref<4096xf32, #tpu.memory_space<vmem>>[vector<16xi32>], vector<16xf32>,
        %add3A_1401 = arith.addf %add3A_1391, %gather3A_1400 : vector<16xf32>
        %gather3A_1402 = tpu.vector_load_idx %arg7[%add3A_1399] : memref<4096xf32, #tpu.memory_space<vmem>>[vector<16xi32>], vector<16xf32>,
        %add3A_1403 = arith.addf %add3A_1393, %gather3A_1402 : vector<16xf32>
        %add3A_1404 = arith.constant 2 : i32
        %add3A_1405 = vector.broadcast %add3A_1404 : i32 to vector<16xi32>
        %add3A_1406 = arith.addi %add3A_1396, %add3A_1405 : vector<16xi32>
        %add3A_1407 = arith.constant 2 : i32
        %add3A_1408 = vector.broadcast %add3A_1407 : i32 to vector<16xi32>
        %add3A_1409 = arith.addi %add3A_1399, %add3A_1408 : vector<16xi32>
        %gather3A_1410 = tpu.vector_load_idx %arg7[%add3A_1406] : memref<4096xf32, #tpu.memory_space<vmem>>[vector<16xi32>], vector<16xf32>,
        %add3A_1411 = arith.addf %add3A_1401, %gather3A_1410 : vector<16xf32>
        %gather3A_1412 = tpu.vector_load_idx %arg7[%add3A_1409] : memref<4096xf32, #tpu.memory_space<vmem>>[vector<16xi32>], vector<16xf32>,
        %add3A_1413 = arith.addf %add3A_1403, %gather3A_1412 : vector<16xf32>
        %add3A_1414 = arith.constant 2 : i32
        %add3A_1415 = vector.broadcast %add3A_1414 : i32 to vector<16xi32>
        %add3A_1416 = arith.addi %add3A_1406, %add3A_1415 : vector<16xi32>
        %add3A_1417 = arith.constant 2 : i32
        %add3A_1418 = vector.broadcast %add3A_1417 : i32 to vector<16xi32>
        %add3A_1419 = arith.addi %add3A_1409, %add3A_1418 : vector<16xi32>
        %gather3A_1420 = tpu.vector_load_idx %arg7[%add3A_1416] : memref<4096xf32, #tpu.memory_space<vmem>>[vector<16xi32>], vector<16xf32>,
        %add3A_1421 = arith.addf %add3A_1411, %gather3A_1420 : vector<16xf32>
        %gather3A_1422 = tpu.vector_load_idx %arg7[%add3A_1419] : memref<4096xf32, #tpu.memory_space<vmem>>[vector<16xi32>], vector<16xf32>,
        %add3A_1423 = arith.addf %add3A_1413, %gather3A_1422 : vector<16xf32>
        %add3A_1424 = arith.constant 2 : i32
        %add3A_1425 = vector.broadcast %add3A_1424 : i32 to vector<16xi32>
        %add3A_1426 = arith.addi %add3A_1416, %add3A_1425 : vector<16xi32>
        %add3A_1427 = arith.constant 2 : i32
        %add3A_1428 = vector.broadcast %add3A_1427 : i32 to vector<16xi32>
        %add3A_1429 = arith.addi %add3A_1419, %add3A_1428 : vector<16xi32>
        %gather3A_1430 = tpu.vector_load_idx %arg7[%add3A_1426] : memref<4096xf32, #tpu.memory_space<vmem>>[vector<16xi32>], vector<16xf32>,
        %add3A_1431 = arith.addf %add3A_1421, %gather3A_1430 : vector<16xf32>
        %gather3A_1432 = tpu.vector_load_idx %arg7[%add3A_1429] : memref<4096xf32, #tpu.memory_space<vmem>>[vector<16xi32>], vector<16xf32>,
        %add3A_1433 = arith.addf %add3A_1423, %gather3A_1432 : vector<16xf32>
        %add3A_1434 = arith.addf %add3A_1431, %add3A_1433 : vector<16xf32>
        %broadcast_in_dim3A_1435 = arith.constant true
        %broadcast_in_dim3A_1436 = vector.broadcast %broadcast_in_dim3A_1435 : i1 to vector<16xi1>
        %masked_cumsum3A = tpu.scan <sum>, %add3A_1352 masked %broadcast_in_dim3A_1436 : vector<16xf32>, vector<16xi1> -> vector<16xf32>
        %add3A_1437 = vector.broadcast %scan3A_1270 : f32 to vector<16xf32>
        %add3A_1438 = arith.addf %masked_cumsum3A, %add3A_1437 : vector<16xf32>
        %mul3A_1439 = arith.constant 16 : i32
        %mul3A_1440 = arith.muli %mul3A_1272, %mul3A_1439 : i32
        %swap3A_1441 = arith.index_cast %mul3A_1440 : i32 to index
        %swap3A_1442 = tpu.vector_load %arg8[%swap3A_1441] {strides = array<i32>} : memref<256xf32, #tpu.memory_space<vmem>>, vector<16xf32>,
        tpu.vector_store %arg8[%swap3A_1441], %add3A_1438 {strides = array<i32>} : memref<256xf32, #tpu.memory_space<vmem>>, vector<16xf32>,
        %broadcast_in_dim3A_1443 = arith.constant true
        %broadcast_in_dim3A_1444 = vector.broadcast %broadcast_in_dim3A_1443 : i1 to vector<16xi1>
        %masked_cumsum3A_1445 = tpu.scan <sum>, %add3A_1434 masked %broadcast_in_dim3A_1444 : vector<16xf32>, vector<16xi1> -> vector<16xf32>
        %slice3A = vector.extract_strided_slice %add3A_1438 {offsets = [15], sizes = [1], strides = [1]} : vector<16xf32> to vector<1xf32>
        %squeeze3A = vector.extract %slice3A[0] : f32 from vector<1xf32>
        %add3A_1446 = vector.broadcast %squeeze3A : f32 to vector<16xf32>
        %add3A_1447 = arith.addf %masked_cumsum3A_1445, %add3A_1446 : vector<16xf32>
        %add3A_1448 = arith.constant 1 : i32
        %add3A_1449 = arith.addi %mul3A_1272, %add3A_1448 : i32
        %mul3A_1450 = arith.constant 16 : i32
        %mul3A_1451 = arith.muli %add3A_1449, %mul3A_1450 : i32
        %swap3A_1452 = arith.index_cast %mul3A_1451 : i32 to index
        %swap3A_1453 = tpu.vector_load %arg8[%swap3A_1452] {strides = array<i32>} : memref<256xf32, #tpu.memory_space<vmem>>, vector<16xf32>,
        tpu.vector_store %arg8[%swap3A_1452], %add3A_1447 {strides = array<i32>} : memref<256xf32, #tpu.memory_space<vmem>>, vector<16xf32>,
        %slice3A_1454 = vector.extract_strided_slice %add3A_1447 {offsets = [15], sizes = [1], strides = [1]} : vector<16xf32> to vector<1xf32>
        %squeeze3A_1455 = vector.extract %slice3A_1454[0] : f32 from vector<1xf32>
        scf.yield %squeeze3A_1455 : f32
      }
      %scan3A_664 = arith.constant 8 : i32
      %get3A_665 = arith.index_cast %min3A_26 : i32 to index
      %get3A_666 = arith.constant 0 : index
      %get3A_667 = tpu.vector_load %arg9[%get3A_665, %get3A_666] {strides = array<i32>} : memref<64x32xf32, #tpu.memory_space<vmem>>, vector<16xf32>,
      %get3A_668 = arith.index_cast %min3A_26 : i32 to index
      %get3A_669 = arith.constant 0 : index
      %get3A_670 = tpu.vector_load %arg10[%get3A_668, %get3A_669] {strides = array<i32>} : memref<64x32xi32, #tpu.memory_space<vmem>>, vector<16xi32>,
      %mul3A_671 = vector.broadcast %scan3A_663 : f32 to vector<16xf32>
      %mul3A_672 = arith.mulf %get3A_667, %mul3A_671 : vector<16xf32>
      %broadcast_in_dim3A_673 = arith.constant 0 : i32
      %broadcast_in_dim3A_674 = vector.broadcast %broadcast_in_dim3A_673 : i32 to vector<16xi32>
      %add3A_675 = arith.constant 128 : i32
      %add3A_676 = vector.broadcast %add3A_675 : i32 to vector<16xi32>
      %add3A_677 = arith.addi %broadcast_in_dim3A_674, %add3A_676 : vector<16xi32>
      %sub3A_678 = arith.constant 1 : i32
      %sub3A_679 = vector.broadcast %sub3A_678 : i32 to vector<16xi32>
      %sub3A_680 = arith.subi %add3A_677, %sub3A_679 : vector<16xi32>
      %gather3A_681 = tpu.vector_load_idx %arg8[%sub3A_680] : memref<256xf32, #tpu.memory_space<vmem>>[vector<16xi32>], vector<16xf32>,
      %lt3A_682 = arith.cmpf olt, %gather3A_681, %mul3A_672 : vector<16xf32>
      %select_n3A_683 = arith.select %lt3A_682, %add3A_677, %broadcast_in_dim3A_674 : vector<16xi1>, vector<16xi32>
      %add3A_684 = arith.constant 64 : i32
      %add3A_685 = vector.broadcast %add3A_684 : i32 to vector<16xi32>
      %add3A_686 = arith.addi %select_n3A_683, %add3A_685 : vector<16xi32>
      %sub3A_687 = arith.constant 1 : i32
      %sub3A_688 = vector.broadcast %sub3A_687 : i32 to vector<16xi32>
      %sub3A_689 = arith.subi %add3A_686, %sub3A_688 : vector<16xi32>
      %gather3A_690 = tpu.vector_load_idx %arg8[%sub3A_689] : memref<256xf32, #tpu.memory_space<vmem>>[vector<16xi32>], vector<16xf32>,
      %lt3A_691 = arith.cmpf olt, %gather3A_690, %mul3A_672 : vector<16xf32>
      %select_n3A_692 = arith.select %lt3A_691, %add3A_686, %select_n3A_683 : vector<16xi1>, vector<16xi32>
      %add3A_693 = arith.constant 32 : i32
      %add3A_694 = vector.broadcast %add3A_693 : i32 to vector<16xi32>
      %add3A_695 = arith.addi %select_n3A_692, %add3A_694 : vector<16xi32>
      %sub3A_696 = arith.constant 1 : i32
      %sub3A_697 = vector.broadcast %sub3A_696 : i32 to vector<16xi32>
      %sub3A_698 = arith.subi %add3A_695, %sub3A_697 : vector<16xi32>
      %gather3A_699 = tpu.vector_load_idx %arg8[%sub3A_698] : memref<256xf32, #tpu.memory_space<vmem>>[vector<16xi32>], vector<16xf32>,
      %lt3A_700 = arith.cmpf olt, %gather3A_699, %mul3A_672 : vector<16xf32>
      %select_n3A_701 = arith.select %lt3A_700, %add3A_695, %select_n3A_692 : vector<16xi1>, vector<16xi32>
      %add3A_702 = arith.constant 16 : i32
      %add3A_703 = vector.broadcast %add3A_702 : i32 to vector<16xi32>
      %add3A_704 = arith.addi %select_n3A_701, %add3A_703 : vector<16xi32>
      %sub3A_705 = arith.constant 1 : i32
      %sub3A_706 = vector.broadcast %sub3A_705 : i32 to vector<16xi32>
      %sub3A_707 = arith.subi %add3A_704, %sub3A_706 : vector<16xi32>
      %gather3A_708 = tpu.vector_load_idx %arg8[%sub3A_707] : memref<256xf32, #tpu.memory_space<vmem>>[vector<16xi32>], vector<16xf32>,
      %lt3A_709 = arith.cmpf olt, %gather3A_708, %mul3A_672 : vector<16xf32>
      %select_n3A_710 = arith.select %lt3A_709, %add3A_704, %select_n3A_701 : vector<16xi1>, vector<16xi32>
      %add3A_711 = arith.constant 8 : i32
      %add3A_712 = vector.broadcast %add3A_711 : i32 to vector<16xi32>
      %add3A_713 = arith.addi %select_n3A_710, %add3A_712 : vector<16xi32>
      %sub3A_714 = arith.constant 1 : i32
      %sub3A_715 = vector.broadcast %sub3A_714 : i32 to vector<16xi32>
      %sub3A_716 = arith.subi %add3A_713, %sub3A_715 : vector<16xi32>
      %gather3A_717 = tpu.vector_load_idx %arg8[%sub3A_716] : memref<256xf32, #tpu.memory_space<vmem>>[vector<16xi32>], vector<16xf32>,
      %lt3A_718 = arith.cmpf olt, %gather3A_717, %mul3A_672 : vector<16xf32>
      %select_n3A_719 = arith.select %lt3A_718, %add3A_713, %select_n3A_710 : vector<16xi1>, vector<16xi32>
      %add3A_720 = arith.constant 4 : i32
      %add3A_721 = vector.broadcast %add3A_720 : i32 to vector<16xi32>
      %add3A_722 = arith.addi %select_n3A_719, %add3A_721 : vector<16xi32>
      %sub3A_723 = arith.constant 1 : i32
      %sub3A_724 = vector.broadcast %sub3A_723 : i32 to vector<16xi32>
      %sub3A_725 = arith.subi %add3A_722, %sub3A_724 : vector<16xi32>
      %gather3A_726 = tpu.vector_load_idx %arg8[%sub3A_725] : memref<256xf32, #tpu.memory_space<vmem>>[vector<16xi32>], vector<16xf32>,
      %lt3A_727 = arith.cmpf olt, %gather3A_726, %mul3A_672 : vector<16xf32>
      %select_n3A_728 = arith.select %lt3A_727, %add3A_722, %select_n3A_719 : vector<16xi1>, vector<16xi32>
      %add3A_729 = arith.constant 2 : i32
      %add3A_730 = vector.broadcast %add3A_729 : i32 to vector<16xi32>
      %add3A_731 = arith.addi %select_n3A_728, %add3A_730 : vector<16xi32>
      %sub3A_732 = arith.constant 1 : i32
      %sub3A_733 = vector.broadcast %sub3A_732 : i32 to vector<16xi32>
      %sub3A_734 = arith.subi %add3A_731, %sub3A_733 : vector<16xi32>
      %gather3A_735 = tpu.vector_load_idx %arg8[%sub3A_734] : memref<256xf32, #tpu.memory_space<vmem>>[vector<16xi32>], vector<16xf32>,
      %lt3A_736 = arith.cmpf olt, %gather3A_735, %mul3A_672 : vector<16xf32>
      %select_n3A_737 = arith.select %lt3A_736, %add3A_731, %select_n3A_728 : vector<16xi1>, vector<16xi32>
      %add3A_738 = arith.constant 1 : i32
      %add3A_739 = vector.broadcast %add3A_738 : i32 to vector<16xi32>
      %add3A_740 = arith.addi %select_n3A_737, %add3A_739 : vector<16xi32>
      %sub3A_741 = arith.constant 1 : i32
      %sub3A_742 = vector.broadcast %sub3A_741 : i32 to vector<16xi32>
      %sub3A_743 = arith.subi %add3A_740, %sub3A_742 : vector<16xi32>
      %gather3A_744 = tpu.vector_load_idx %arg8[%sub3A_743] : memref<256xf32, #tpu.memory_space<vmem>>[vector<16xi32>], vector<16xf32>,
      %lt3A_745 = arith.cmpf olt, %gather3A_744, %mul3A_672 : vector<16xf32>
      %select_n3A_746 = arith.select %lt3A_745, %add3A_740, %select_n3A_737 : vector<16xi1>, vector<16xi32>
      %sub3A_747 = arith.constant 1 : i32
      %sub3A_748 = vector.broadcast %sub3A_747 : i32 to vector<16xi32>
      %sub3A_749 = arith.subi %select_n3A_746, %sub3A_748 : vector<16xi32>
      %max3A_750 = arith.constant 0 : i32
      %max3A_751 = vector.broadcast %max3A_750 : i32 to vector<16xi32>
      %max3A_752 = arith.maxsi %sub3A_749, %max3A_751 : vector<16xi32>
      %gather3A_753 = tpu.vector_load_idx %arg8[%max3A_752] : memref<256xf32, #tpu.memory_space<vmem>>[vector<16xi32>], vector<16xf32>,
      %gt3A_754 = arith.constant 0 : i32
      %gt3A_755 = vector.broadcast %gt3A_754 : i32 to vector<16xi32>
      %gt3A_756 = arith.cmpi sgt, %select_n3A_746, %gt3A_755 : vector<16xi32>
      %jit3A_757 = arith.constant 0.000000e+00 : f32
      %broadcast_in_dim3A_758 = vector.broadcast %jit3A_757 : f32 to vector<16xf32>
      %select_n3A_759 = arith.select %gt3A_756, %gather3A_753, %broadcast_in_dim3A_758 : vector<16xi1>, vector<16xf32>
      %mul3A_760 = arith.constant 16 : i32
      %mul3A_761 = vector.broadcast %mul3A_760 : i32 to vector<16xi32>
      %mul3A_762 = arith.muli %select_n3A_746, %mul3A_761 : vector<16xi32>
      %add3A_763 = arith.constant 0 : i32
      %add3A_764 = vector.broadcast %add3A_763 : i32 to vector<16xi32>
      %add3A_765 = arith.addi %mul3A_762, %add3A_764 : vector<16xi32>
      %gather3A_766 = tpu.vector_load_idx %arg7[%add3A_765] : memref<4096xf32, #tpu.memory_space<vmem>>[vector<16xi32>], vector<16xf32>,
      %add3A_767 = arith.addf %select_n3A_759, %gather3A_766 : vector<16xf32>
      %lt3A_768 = arith.cmpf olt, %add3A_767, %mul3A_672 : vector<16xf32>
      %jit3A_769 = arith.constant 1 : i32
      %jit3A_770 = arith.constant 0 : i32
      %broadcast_in_dim3A_771 = vector.broadcast %jit3A_769 : i32 to vector<16xi32>
      %broadcast_in_dim3A_772 = vector.broadcast %jit3A_770 : i32 to vector<16xi32>
      %select_n3A_773 = arith.select %lt3A_768, %broadcast_in_dim3A_771, %broadcast_in_dim3A_772 : vector<16xi1>, vector<16xi32>
      %add3A_774 = arith.addi %mul3A_762, %select_n3A_773 : vector<16xi32>
      %add3A_775 = arith.constant 1 : i32
      %add3A_776 = vector.broadcast %add3A_775 : i32 to vector<16xi32>
      %add3A_777 = arith.addi %mul3A_762, %add3A_776 : vector<16xi32>
      %gather3A_778 = tpu.vector_load_idx %arg7[%add3A_777] : memref<4096xf32, #tpu.memory_space<vmem>>[vector<16xi32>], vector<16xf32>,
      %add3A_779 = arith.addf %add3A_767, %gather3A_778 : vector<16xf32>
      %lt3A_780 = arith.cmpf olt, %add3A_779, %mul3A_672 : vector<16xf32>
      %jit3A_781 = arith.constant 1 : i32
      %jit3A_782 = arith.constant 0 : i32
      %broadcast_in_dim3A_783 = vector.broadcast %jit3A_781 : i32 to vector<16xi32>
      %broadcast_in_dim3A_784 = vector.broadcast %jit3A_782 : i32 to vector<16xi32>
      %select_n3A_785 = arith.select %lt3A_780, %broadcast_in_dim3A_783, %broadcast_in_dim3A_784 : vector<16xi1>, vector<16xi32>
      %add3A_786 = arith.addi %add3A_774, %select_n3A_785 : vector<16xi32>
      %add3A_787 = arith.constant 2 : i32
      %add3A_788 = vector.broadcast %add3A_787 : i32 to vector<16xi32>
      %add3A_789 = arith.addi %mul3A_762, %add3A_788 : vector<16xi32>
      %gather3A_790 = tpu.vector_load_idx %arg7[%add3A_789] : memref<4096xf32, #tpu.memory_space<vmem>>[vector<16xi32>], vector<16xf32>,
      %add3A_791 = arith.addf %add3A_779, %gather3A_790 : vector<16xf32>
      %lt3A_792 = arith.cmpf olt, %add3A_791, %mul3A_672 : vector<16xf32>
      %jit3A_793 = arith.constant 1 : i32
      %jit3A_794 = arith.constant 0 : i32
      %broadcast_in_dim3A_795 = vector.broadcast %jit3A_793 : i32 to vector<16xi32>
      %broadcast_in_dim3A_796 = vector.broadcast %jit3A_794 : i32 to vector<16xi32>
      %select_n3A_797 = arith.select %lt3A_792, %broadcast_in_dim3A_795, %broadcast_in_dim3A_796 : vector<16xi1>, vector<16xi32>
      %add3A_798 = arith.addi %add3A_786, %select_n3A_797 : vector<16xi32>
      %add3A_799 = arith.constant 3 : i32
      %add3A_800 = vector.broadcast %add3A_799 : i32 to vector<16xi32>
      %add3A_801 = arith.addi %mul3A_762, %add3A_800 : vector<16xi32>
      %gather3A_802 = tpu.vector_load_idx %arg7[%add3A_801] : memref<4096xf32, #tpu.memory_space<vmem>>[vector<16xi32>], vector<16xf32>,
      %add3A_803 = arith.addf %add3A_791, %gather3A_802 : vector<16xf32>
      %lt3A_804 = arith.cmpf olt, %add3A_803, %mul3A_672 : vector<16xf32>
      %jit3A_805 = arith.constant 1 : i32
      %jit3A_806 = arith.constant 0 : i32
      %broadcast_in_dim3A_807 = vector.broadcast %jit3A_805 : i32 to vector<16xi32>
      %broadcast_in_dim3A_808 = vector.broadcast %jit3A_806 : i32 to vector<16xi32>
      %select_n3A_809 = arith.select %lt3A_804, %broadcast_in_dim3A_807, %broadcast_in_dim3A_808 : vector<16xi1>, vector<16xi32>
      %add3A_810 = arith.addi %add3A_798, %select_n3A_809 : vector<16xi32>
      %add3A_811 = arith.constant 4 : i32
      %add3A_812 = vector.broadcast %add3A_811 : i32 to vector<16xi32>
      %add3A_813 = arith.addi %mul3A_762, %add3A_812 : vector<16xi32>
      %gather3A_814 = tpu.vector_load_idx %arg7[%add3A_813] : memref<4096xf32, #tpu.memory_space<vmem>>[vector<16xi32>], vector<16xf32>,
      %add3A_815 = arith.addf %add3A_803, %gather3A_814 : vector<16xf32>
      %lt3A_816 = arith.cmpf olt, %add3A_815, %mul3A_672 : vector<16xf32>
      %jit3A_817 = arith.constant 1 : i32
      %jit3A_818 = arith.constant 0 : i32
      %broadcast_in_dim3A_819 = vector.broadcast %jit3A_817 : i32 to vector<16xi32>
      %broadcast_in_dim3A_820 = vector.broadcast %jit3A_818 : i32 to vector<16xi32>
      %select_n3A_821 = arith.select %lt3A_816, %broadcast_in_dim3A_819, %broadcast_in_dim3A_820 : vector<16xi1>, vector<16xi32>
      %add3A_822 = arith.addi %add3A_810, %select_n3A_821 : vector<16xi32>
      %add3A_823 = arith.constant 5 : i32
      %add3A_824 = vector.broadcast %add3A_823 : i32 to vector<16xi32>
      %add3A_825 = arith.addi %mul3A_762, %add3A_824 : vector<16xi32>
      %gather3A_826 = tpu.vector_load_idx %arg7[%add3A_825] : memref<4096xf32, #tpu.memory_space<vmem>>[vector<16xi32>], vector<16xf32>,
      %add3A_827 = arith.addf %add3A_815, %gather3A_826 : vector<16xf32>
      %lt3A_828 = arith.cmpf olt, %add3A_827, %mul3A_672 : vector<16xf32>
      %jit3A_829 = arith.constant 1 : i32
      %jit3A_830 = arith.constant 0 : i32
      %broadcast_in_dim3A_831 = vector.broadcast %jit3A_829 : i32 to vector<16xi32>
      %broadcast_in_dim3A_832 = vector.broadcast %jit3A_830 : i32 to vector<16xi32>
      %select_n3A_833 = arith.select %lt3A_828, %broadcast_in_dim3A_831, %broadcast_in_dim3A_832 : vector<16xi1>, vector<16xi32>
      %add3A_834 = arith.addi %add3A_822, %select_n3A_833 : vector<16xi32>
      %add3A_835 = arith.constant 6 : i32
      %add3A_836 = vector.broadcast %add3A_835 : i32 to vector<16xi32>
      %add3A_837 = arith.addi %mul3A_762, %add3A_836 : vector<16xi32>
      %gather3A_838 = tpu.vector_load_idx %arg7[%add3A_837] : memref<4096xf32, #tpu.memory_space<vmem>>[vector<16xi32>], vector<16xf32>,
      %add3A_839 = arith.addf %add3A_827, %gather3A_838 : vector<16xf32>
      %lt3A_840 = arith.cmpf olt, %add3A_839, %mul3A_672 : vector<16xf32>
      %jit3A_841 = arith.constant 1 : i32
      %jit3A_842 = arith.constant 0 : i32
      %broadcast_in_dim3A_843 = vector.broadcast %jit3A_841 : i32 to vector<16xi32>
      %broadcast_in_dim3A_844 = vector.broadcast %jit3A_842 : i32 to vector<16xi32>
      %select_n3A_845 = arith.select %lt3A_840, %broadcast_in_dim3A_843, %broadcast_in_dim3A_844 : vector<16xi1>, vector<16xi32>
      %add3A_846 = arith.addi %add3A_834, %select_n3A_845 : vector<16xi32>
      %add3A_847 = arith.constant 7 : i32
      %add3A_848 = vector.broadcast %add3A_847 : i32 to vector<16xi32>
      %add3A_849 = arith.addi %mul3A_762, %add3A_848 : vector<16xi32>
      %gather3A_850 = tpu.vector_load_idx %arg7[%add3A_849] : memref<4096xf32, #tpu.memory_space<vmem>>[vector<16xi32>], vector<16xf32>,
      %add3A_851 = arith.addf %add3A_839, %gather3A_850 : vector<16xf32>
      %lt3A_852 = arith.cmpf olt, %add3A_851, %mul3A_672 : vector<16xf32>
      %jit3A_853 = arith.constant 1 : i32
      %jit3A_854 = arith.constant 0 : i32
      %broadcast_in_dim3A_855 = vector.broadcast %jit3A_853 : i32 to vector<16xi32>
      %broadcast_in_dim3A_856 = vector.broadcast %jit3A_854 : i32 to vector<16xi32>
      %select_n3A_857 = arith.select %lt3A_852, %broadcast_in_dim3A_855, %broadcast_in_dim3A_856 : vector<16xi1>, vector<16xi32>
      %add3A_858 = arith.addi %add3A_846, %select_n3A_857 : vector<16xi32>
      %add3A_859 = arith.constant 8 : i32
      %add3A_860 = vector.broadcast %add3A_859 : i32 to vector<16xi32>
      %add3A_861 = arith.addi %mul3A_762, %add3A_860 : vector<16xi32>
      %gather3A_862 = tpu.vector_load_idx %arg7[%add3A_861] : memref<4096xf32, #tpu.memory_space<vmem>>[vector<16xi32>], vector<16xf32>,
      %add3A_863 = arith.addf %add3A_851, %gather3A_862 : vector<16xf32>
      %lt3A_864 = arith.cmpf olt, %add3A_863, %mul3A_672 : vector<16xf32>
      %jit3A_865 = arith.constant 1 : i32
      %jit3A_866 = arith.constant 0 : i32
      %broadcast_in_dim3A_867 = vector.broadcast %jit3A_865 : i32 to vector<16xi32>
      %broadcast_in_dim3A_868 = vector.broadcast %jit3A_866 : i32 to vector<16xi32>
      %select_n3A_869 = arith.select %lt3A_864, %broadcast_in_dim3A_867, %broadcast_in_dim3A_868 : vector<16xi1>, vector<16xi32>
      %add3A_870 = arith.addi %add3A_858, %select_n3A_869 : vector<16xi32>
      %add3A_871 = arith.constant 9 : i32
      %add3A_872 = vector.broadcast %add3A_871 : i32 to vector<16xi32>
      %add3A_873 = arith.addi %mul3A_762, %add3A_872 : vector<16xi32>
      %gather3A_874 = tpu.vector_load_idx %arg7[%add3A_873] : memref<4096xf32, #tpu.memory_space<vmem>>[vector<16xi32>], vector<16xf32>,
      %add3A_875 = arith.addf %add3A_863, %gather3A_874 : vector<16xf32>
      %lt3A_876 = arith.cmpf olt, %add3A_875, %mul3A_672 : vector<16xf32>
      %jit3A_877 = arith.constant 1 : i32
      %jit3A_878 = arith.constant 0 : i32
      %broadcast_in_dim3A_879 = vector.broadcast %jit3A_877 : i32 to vector<16xi32>
      %broadcast_in_dim3A_880 = vector.broadcast %jit3A_878 : i32 to vector<16xi32>
      %select_n3A_881 = arith.select %lt3A_876, %broadcast_in_dim3A_879, %broadcast_in_dim3A_880 : vector<16xi1>, vector<16xi32>
      %add3A_882 = arith.addi %add3A_870, %select_n3A_881 : vector<16xi32>
      %add3A_883 = arith.constant 10 : i32
      %add3A_884 = vector.broadcast %add3A_883 : i32 to vector<16xi32>
      %add3A_885 = arith.addi %mul3A_762, %add3A_884 : vector<16xi32>
      %gather3A_886 = tpu.vector_load_idx %arg7[%add3A_885] : memref<4096xf32, #tpu.memory_space<vmem>>[vector<16xi32>], vector<16xf32>,
      %add3A_887 = arith.addf %add3A_875, %gather3A_886 : vector<16xf32>
      %lt3A_888 = arith.cmpf olt, %add3A_887, %mul3A_672 : vector<16xf32>
      %jit3A_889 = arith.constant 1 : i32
      %jit3A_890 = arith.constant 0 : i32
      %broadcast_in_dim3A_891 = vector.broadcast %jit3A_889 : i32 to vector<16xi32>
      %broadcast_in_dim3A_892 = vector.broadcast %jit3A_890 : i32 to vector<16xi32>
      %select_n3A_893 = arith.select %lt3A_888, %broadcast_in_dim3A_891, %broadcast_in_dim3A_892 : vector<16xi1>, vector<16xi32>
      %add3A_894 = arith.addi %add3A_882, %select_n3A_893 : vector<16xi32>
      %add3A_895 = arith.constant 11 : i32
      %add3A_896 = vector.broadcast %add3A_895 : i32 to vector<16xi32>
      %add3A_897 = arith.addi %mul3A_762, %add3A_896 : vector<16xi32>
      %gather3A_898 = tpu.vector_load_idx %arg7[%add3A_897] : memref<4096xf32, #tpu.memory_space<vmem>>[vector<16xi32>], vector<16xf32>,
      %add3A_899 = arith.addf %add3A_887, %gather3A_898 : vector<16xf32>
      %lt3A_900 = arith.cmpf olt, %add3A_899, %mul3A_672 : vector<16xf32>
      %jit3A_901 = arith.constant 1 : i32
      %jit3A_902 = arith.constant 0 : i32
      %broadcast_in_dim3A_903 = vector.broadcast %jit3A_901 : i32 to vector<16xi32>
      %broadcast_in_dim3A_904 = vector.broadcast %jit3A_902 : i32 to vector<16xi32>
      %select_n3A_905 = arith.select %lt3A_900, %broadcast_in_dim3A_903, %broadcast_in_dim3A_904 : vector<16xi1>, vector<16xi32>
      %add3A_906 = arith.addi %add3A_894, %select_n3A_905 : vector<16xi32>
      %add3A_907 = arith.constant 12 : i32
      %add3A_908 = vector.broadcast %add3A_907 : i32 to vector<16xi32>
      %add3A_909 = arith.addi %mul3A_762, %add3A_908 : vector<16xi32>
      %gather3A_910 = tpu.vector_load_idx %arg7[%add3A_909] : memref<4096xf32, #tpu.memory_space<vmem>>[vector<16xi32>], vector<16xf32>,
      %add3A_911 = arith.addf %add3A_899, %gather3A_910 : vector<16xf32>
      %lt3A_912 = arith.cmpf olt, %add3A_911, %mul3A_672 : vector<16xf32>
      %jit3A_913 = arith.constant 1 : i32
      %jit3A_914 = arith.constant 0 : i32
      %broadcast_in_dim3A_915 = vector.broadcast %jit3A_913 : i32 to vector<16xi32>
      %broadcast_in_dim3A_916 = vector.broadcast %jit3A_914 : i32 to vector<16xi32>
      %select_n3A_917 = arith.select %lt3A_912, %broadcast_in_dim3A_915, %broadcast_in_dim3A_916 : vector<16xi1>, vector<16xi32>
      %add3A_918 = arith.addi %add3A_906, %select_n3A_917 : vector<16xi32>
      %add3A_919 = arith.constant 13 : i32
      %add3A_920 = vector.broadcast %add3A_919 : i32 to vector<16xi32>
      %add3A_921 = arith.addi %mul3A_762, %add3A_920 : vector<16xi32>
      %gather3A_922 = tpu.vector_load_idx %arg7[%add3A_921] : memref<4096xf32, #tpu.memory_space<vmem>>[vector<16xi32>], vector<16xf32>,
      %add3A_923 = arith.addf %add3A_911, %gather3A_922 : vector<16xf32>
      %lt3A_924 = arith.cmpf olt, %add3A_923, %mul3A_672 : vector<16xf32>
      %jit3A_925 = arith.constant 1 : i32
      %jit3A_926 = arith.constant 0 : i32
      %broadcast_in_dim3A_927 = vector.broadcast %jit3A_925 : i32 to vector<16xi32>
      %broadcast_in_dim3A_928 = vector.broadcast %jit3A_926 : i32 to vector<16xi32>
      %select_n3A_929 = arith.select %lt3A_924, %broadcast_in_dim3A_927, %broadcast_in_dim3A_928 : vector<16xi1>, vector<16xi32>
      %add3A_930 = arith.addi %add3A_918, %select_n3A_929 : vector<16xi32>
      %add3A_931 = arith.constant 14 : i32
      %add3A_932 = vector.broadcast %add3A_931 : i32 to vector<16xi32>
      %add3A_933 = arith.addi %mul3A_762, %add3A_932 : vector<16xi32>
      %gather3A_934 = tpu.vector_load_idx %arg7[%add3A_933] : memref<4096xf32, #tpu.memory_space<vmem>>[vector<16xi32>], vector<16xf32>,
      %add3A_935 = arith.addf %add3A_923, %gather3A_934 : vector<16xf32>
      %lt3A_936 = arith.cmpf olt, %add3A_935, %mul3A_672 : vector<16xf32>
      %jit3A_937 = arith.constant 1 : i32
      %jit3A_938 = arith.constant 0 : i32
      %broadcast_in_dim3A_939 = vector.broadcast %jit3A_937 : i32 to vector<16xi32>
      %broadcast_in_dim3A_940 = vector.broadcast %jit3A_938 : i32 to vector<16xi32>
      %select_n3A_941 = arith.select %lt3A_936, %broadcast_in_dim3A_939, %broadcast_in_dim3A_940 : vector<16xi1>, vector<16xi32>
      %add3A_942 = arith.addi %add3A_930, %select_n3A_941 : vector<16xi32>
      %add3A_943 = arith.constant 15 : i32
      %add3A_944 = vector.broadcast %add3A_943 : i32 to vector<16xi32>
      %add3A_945 = arith.addi %mul3A_762, %add3A_944 : vector<16xi32>
      %gather3A_946 = tpu.vector_load_idx %arg7[%add3A_945] : memref<4096xf32, #tpu.memory_space<vmem>>[vector<16xi32>], vector<16xf32>,
      %add3A_947 = arith.addf %add3A_935, %gather3A_946 : vector<16xf32>
      %lt3A_948 = arith.cmpf olt, %add3A_947, %mul3A_672 : vector<16xf32>
      %jit3A_949 = arith.constant 1 : i32
      %jit3A_950 = arith.constant 0 : i32
      %broadcast_in_dim3A_951 = vector.broadcast %jit3A_949 : i32 to vector<16xi32>
      %broadcast_in_dim3A_952 = vector.broadcast %jit3A_950 : i32 to vector<16xi32>
      %select_n3A_953 = arith.select %lt3A_948, %broadcast_in_dim3A_951, %broadcast_in_dim3A_952 : vector<16xi1>, vector<16xi32>
      %add3A_954 = arith.addi %add3A_942, %select_n3A_953 : vector<16xi32>
      %min3A_955 = arith.constant 4095 : i32
      %min3A_956 = vector.broadcast %min3A_955 : i32 to vector<16xi32>
      %min3A_957 = arith.minsi %add3A_954, %min3A_956 : vector<16xi32>
      %gt3A_958 = arith.constant 0 : i32
      %gt3A_959 = vector.broadcast %gt3A_958 : i32 to vector<16xi32>
      %gt3A_960 = arith.cmpi sgt, %get3A_670, %gt3A_959 : vector<16xi32>
      %jit3A_961 = arith.constant -1 : i32
      %broadcast_in_dim3A_962 = vector.broadcast %jit3A_961 : i32 to vector<16xi32>
      %select_n3A_963 = arith.select %gt3A_960, %min3A_957, %broadcast_in_dim3A_962 : vector<16xi1>, vector<16xi32>
      %swap3A_964 = arith.index_cast %min3A_26 : i32 to index
      %swap3A_965 = arith.constant 0 : index
      %swap3A_966 = tpu.vector_load %arg11[%swap3A_964, %swap3A_965] {strides = array<i32>} : memref<64x32xi32, #tpu.memory_space<vmem>>, vector<16xi32>,
      tpu.vector_store %arg11[%swap3A_964, %swap3A_965], %select_n3A_963 {strides = array<i32>} : memref<64x32xi32, #tpu.memory_space<vmem>>, vector<16xi32>,
      %get3A_967 = arith.index_cast %min3A_26 : i32 to index
      %get3A_968 = arith.constant 16 : index
      %get3A_969 = tpu.vector_load %arg9[%get3A_967, %get3A_968] {strides = array<i32>} : memref<64x32xf32, #tpu.memory_space<vmem>>, vector<16xf32>,
      %get3A_970 = arith.index_cast %min3A_26 : i32 to index
      %get3A_971 = arith.constant 16 : index
      %get3A_972 = tpu.vector_load %arg10[%get3A_970, %get3A_971] {strides = array<i32>} : memref<64x32xi32, #tpu.memory_space<vmem>>, vector<16xi32>,
      %mul3A_973 = vector.broadcast %scan3A_663 : f32 to vector<16xf32>
      %mul3A_974 = arith.mulf %get3A_969, %mul3A_973 : vector<16xf32>
      %broadcast_in_dim3A_975 = arith.constant 0 : i32
      %broadcast_in_dim3A_976 = vector.broadcast %broadcast_in_dim3A_975 : i32 to vector<16xi32>
      %add3A_977 = arith.constant 128 : i32
      %add3A_978 = vector.broadcast %add3A_977 : i32 to vector<16xi32>
      %add3A_979 = arith.addi %broadcast_in_dim3A_976, %add3A_978 : vector<16xi32>
      %sub3A_980 = arith.constant 1 : i32
      %sub3A_981 = vector.broadcast %sub3A_980 : i32 to vector<16xi32>
      %sub3A_982 = arith.subi %add3A_979, %sub3A_981 : vector<16xi32>
      %gather3A_983 = tpu.vector_load_idx %arg8[%sub3A_982] : memref<256xf32, #tpu.memory_space<vmem>>[vector<16xi32>], vector<16xf32>,
      %lt3A_984 = arith.cmpf olt, %gather3A_983, %mul3A_974 : vector<16xf32>
      %select_n3A_985 = arith.select %lt3A_984, %add3A_979, %broadcast_in_dim3A_976 : vector<16xi1>, vector<16xi32>
      %add3A_986 = arith.constant 64 : i32
      %add3A_987 = vector.broadcast %add3A_986 : i32 to vector<16xi32>
      %add3A_988 = arith.addi %select_n3A_985, %add3A_987 : vector<16xi32>
      %sub3A_989 = arith.constant 1 : i32
      %sub3A_990 = vector.broadcast %sub3A_989 : i32 to vector<16xi32>
      %sub3A_991 = arith.subi %add3A_988, %sub3A_990 : vector<16xi32>
      %gather3A_992 = tpu.vector_load_idx %arg8[%sub3A_991] : memref<256xf32, #tpu.memory_space<vmem>>[vector<16xi32>], vector<16xf32>,
      %lt3A_993 = arith.cmpf olt, %gather3A_992, %mul3A_974 : vector<16xf32>
      %select_n3A_994 = arith.select %lt3A_993, %add3A_988, %select_n3A_985 : vector<16xi1>, vector<16xi32>
      %add3A_995 = arith.constant 32 : i32
      %add3A_996 = vector.broadcast %add3A_995 : i32 to vector<16xi32>
      %add3A_997 = arith.addi %select_n3A_994, %add3A_996 : vector<16xi32>
      %sub3A_998 = arith.constant 1 : i32
      %sub3A_999 = vector.broadcast %sub3A_998 : i32 to vector<16xi32>
      %sub3A_1000 = arith.subi %add3A_997, %sub3A_999 : vector<16xi32>
      %gather3A_1001 = tpu.vector_load_idx %arg8[%sub3A_1000] : memref<256xf32, #tpu.memory_space<vmem>>[vector<16xi32>], vector<16xf32>,
      %lt3A_1002 = arith.cmpf olt, %gather3A_1001, %mul3A_974 : vector<16xf32>
      %select_n3A_1003 = arith.select %lt3A_1002, %add3A_997, %select_n3A_994 : vector<16xi1>, vector<16xi32>
      %add3A_1004 = arith.constant 16 : i32
      %add3A_1005 = vector.broadcast %add3A_1004 : i32 to vector<16xi32>
      %add3A_1006 = arith.addi %select_n3A_1003, %add3A_1005 : vector<16xi32>
      %sub3A_1007 = arith.constant 1 : i32
      %sub3A_1008 = vector.broadcast %sub3A_1007 : i32 to vector<16xi32>
      %sub3A_1009 = arith.subi %add3A_1006, %sub3A_1008 : vector<16xi32>
      %gather3A_1010 = tpu.vector_load_idx %arg8[%sub3A_1009] : memref<256xf32, #tpu.memory_space<vmem>>[vector<16xi32>], vector<16xf32>,
      %lt3A_1011 = arith.cmpf olt, %gather3A_1010, %mul3A_974 : vector<16xf32>
      %select_n3A_1012 = arith.select %lt3A_1011, %add3A_1006, %select_n3A_1003 : vector<16xi1>, vector<16xi32>
      %add3A_1013 = arith.constant 8 : i32
      %add3A_1014 = vector.broadcast %add3A_1013 : i32 to vector<16xi32>
      %add3A_1015 = arith.addi %select_n3A_1012, %add3A_1014 : vector<16xi32>
      %sub3A_1016 = arith.constant 1 : i32
      %sub3A_1017 = vector.broadcast %sub3A_1016 : i32 to vector<16xi32>
      %sub3A_1018 = arith.subi %add3A_1015, %sub3A_1017 : vector<16xi32>
      %gather3A_1019 = tpu.vector_load_idx %arg8[%sub3A_1018] : memref<256xf32, #tpu.memory_space<vmem>>[vector<16xi32>], vector<16xf32>,
      %lt3A_1020 = arith.cmpf olt, %gather3A_1019, %mul3A_974 : vector<16xf32>
      %select_n3A_1021 = arith.select %lt3A_1020, %add3A_1015, %select_n3A_1012 : vector<16xi1>, vector<16xi32>
      %add3A_1022 = arith.constant 4 : i32
      %add3A_1023 = vector.broadcast %add3A_1022 : i32 to vector<16xi32>
      %add3A_1024 = arith.addi %select_n3A_1021, %add3A_1023 : vector<16xi32>
      %sub3A_1025 = arith.constant 1 : i32
      %sub3A_1026 = vector.broadcast %sub3A_1025 : i32 to vector<16xi32>
      %sub3A_1027 = arith.subi %add3A_1024, %sub3A_1026 : vector<16xi32>
      %gather3A_1028 = tpu.vector_load_idx %arg8[%sub3A_1027] : memref<256xf32, #tpu.memory_space<vmem>>[vector<16xi32>], vector<16xf32>,
      %lt3A_1029 = arith.cmpf olt, %gather3A_1028, %mul3A_974 : vector<16xf32>
      %select_n3A_1030 = arith.select %lt3A_1029, %add3A_1024, %select_n3A_1021 : vector<16xi1>, vector<16xi32>
      %add3A_1031 = arith.constant 2 : i32
      %add3A_1032 = vector.broadcast %add3A_1031 : i32 to vector<16xi32>
      %add3A_1033 = arith.addi %select_n3A_1030, %add3A_1032 : vector<16xi32>
      %sub3A_1034 = arith.constant 1 : i32
      %sub3A_1035 = vector.broadcast %sub3A_1034 : i32 to vector<16xi32>
      %sub3A_1036 = arith.subi %add3A_1033, %sub3A_1035 : vector<16xi32>
      %gather3A_1037 = tpu.vector_load_idx %arg8[%sub3A_1036] : memref<256xf32, #tpu.memory_space<vmem>>[vector<16xi32>], vector<16xf32>,
      %lt3A_1038 = arith.cmpf olt, %gather3A_1037, %mul3A_974 : vector<16xf32>
      %select_n3A_1039 = arith.select %lt3A_1038, %add3A_1033, %select_n3A_1030 : vector<16xi1>, vector<16xi32>
      %add3A_1040 = arith.constant 1 : i32
      %add3A_1041 = vector.broadcast %add3A_1040 : i32 to vector<16xi32>
      %add3A_1042 = arith.addi %select_n3A_1039, %add3A_1041 : vector<16xi32>
      %sub3A_1043 = arith.constant 1 : i32
      %sub3A_1044 = vector.broadcast %sub3A_1043 : i32 to vector<16xi32>
      %sub3A_1045 = arith.subi %add3A_1042, %sub3A_1044 : vector<16xi32>
      %gather3A_1046 = tpu.vector_load_idx %arg8[%sub3A_1045] : memref<256xf32, #tpu.memory_space<vmem>>[vector<16xi32>], vector<16xf32>,
      %lt3A_1047 = arith.cmpf olt, %gather3A_1046, %mul3A_974 : vector<16xf32>
      %select_n3A_1048 = arith.select %lt3A_1047, %add3A_1042, %select_n3A_1039 : vector<16xi1>, vector<16xi32>
      %sub3A_1049 = arith.constant 1 : i32
      %sub3A_1050 = vector.broadcast %sub3A_1049 : i32 to vector<16xi32>
      %sub3A_1051 = arith.subi %select_n3A_1048, %sub3A_1050 : vector<16xi32>
      %max3A_1052 = arith.constant 0 : i32
      %max3A_1053 = vector.broadcast %max3A_1052 : i32 to vector<16xi32>
      %max3A_1054 = arith.maxsi %sub3A_1051, %max3A_1053 : vector<16xi32>
      %gather3A_1055 = tpu.vector_load_idx %arg8[%max3A_1054] : memref<256xf32, #tpu.memory_space<vmem>>[vector<16xi32>], vector<16xf32>,
      %gt3A_1056 = arith.constant 0 : i32
      %gt3A_1057 = vector.broadcast %gt3A_1056 : i32 to vector<16xi32>
      %gt3A_1058 = arith.cmpi sgt, %select_n3A_1048, %gt3A_1057 : vector<16xi32>
      %jit3A_1059 = arith.constant 0.000000e+00 : f32
      %broadcast_in_dim3A_1060 = vector.broadcast %jit3A_1059 : f32 to vector<16xf32>
      %select_n3A_1061 = arith.select %gt3A_1058, %gather3A_1055, %broadcast_in_dim3A_1060 : vector<16xi1>, vector<16xf32>
      %mul3A_1062 = arith.constant 16 : i32
      %mul3A_1063 = vector.broadcast %mul3A_1062 : i32 to vector<16xi32>
      %mul3A_1064 = arith.muli %select_n3A_1048, %mul3A_1063 : vector<16xi32>
      %add3A_1065 = arith.constant 0 : i32
      %add3A_1066 = vector.broadcast %add3A_1065 : i32 to vector<16xi32>
      %add3A_1067 = arith.addi %mul3A_1064, %add3A_1066 : vector<16xi32>
      %gather3A_1068 = tpu.vector_load_idx %arg7[%add3A_1067] : memref<4096xf32, #tpu.memory_space<vmem>>[vector<16xi32>], vector<16xf32>,
      %add3A_1069 = arith.addf %select_n3A_1061, %gather3A_1068 : vector<16xf32>
      %lt3A_1070 = arith.cmpf olt, %add3A_1069, %mul3A_974 : vector<16xf32>
      %jit3A_1071 = arith.constant 1 : i32
      %jit3A_1072 = arith.constant 0 : i32
      %broadcast_in_dim3A_1073 = vector.broadcast %jit3A_1071 : i32 to vector<16xi32>
      %broadcast_in_dim3A_1074 = vector.broadcast %jit3A_1072 : i32 to vector<16xi32>
      %select_n3A_1075 = arith.select %lt3A_1070, %broadcast_in_dim3A_1073, %broadcast_in_dim3A_1074 : vector<16xi1>, vector<16xi32>
      %add3A_1076 = arith.addi %mul3A_1064, %select_n3A_1075 : vector<16xi32>
      %add3A_1077 = arith.constant 1 : i32
      %add3A_1078 = vector.broadcast %add3A_1077 : i32 to vector<16xi32>
      %add3A_1079 = arith.addi %mul3A_1064, %add3A_1078 : vector<16xi32>
      %gather3A_1080 = tpu.vector_load_idx %arg7[%add3A_1079] : memref<4096xf32, #tpu.memory_space<vmem>>[vector<16xi32>], vector<16xf32>,
      %add3A_1081 = arith.addf %add3A_1069, %gather3A_1080 : vector<16xf32>
      %lt3A_1082 = arith.cmpf olt, %add3A_1081, %mul3A_974 : vector<16xf32>
      %jit3A_1083 = arith.constant 1 : i32
      %jit3A_1084 = arith.constant 0 : i32
      %broadcast_in_dim3A_1085 = vector.broadcast %jit3A_1083 : i32 to vector<16xi32>
      %broadcast_in_dim3A_1086 = vector.broadcast %jit3A_1084 : i32 to vector<16xi32>
      %select_n3A_1087 = arith.select %lt3A_1082, %broadcast_in_dim3A_1085, %broadcast_in_dim3A_1086 : vector<16xi1>, vector<16xi32>
      %add3A_1088 = arith.addi %add3A_1076, %select_n3A_1087 : vector<16xi32>
      %add3A_1089 = arith.constant 2 : i32
      %add3A_1090 = vector.broadcast %add3A_1089 : i32 to vector<16xi32>
      %add3A_1091 = arith.addi %mul3A_1064, %add3A_1090 : vector<16xi32>
      %gather3A_1092 = tpu.vector_load_idx %arg7[%add3A_1091] : memref<4096xf32, #tpu.memory_space<vmem>>[vector<16xi32>], vector<16xf32>,
      %add3A_1093 = arith.addf %add3A_1081, %gather3A_1092 : vector<16xf32>
      %lt3A_1094 = arith.cmpf olt, %add3A_1093, %mul3A_974 : vector<16xf32>
      %jit3A_1095 = arith.constant 1 : i32
      %jit3A_1096 = arith.constant 0 : i32
      %broadcast_in_dim3A_1097 = vector.broadcast %jit3A_1095 : i32 to vector<16xi32>
      %broadcast_in_dim3A_1098 = vector.broadcast %jit3A_1096 : i32 to vector<16xi32>
      %select_n3A_1099 = arith.select %lt3A_1094, %broadcast_in_dim3A_1097, %broadcast_in_dim3A_1098 : vector<16xi1>, vector<16xi32>
      %add3A_1100 = arith.addi %add3A_1088, %select_n3A_1099 : vector<16xi32>
      %add3A_1101 = arith.constant 3 : i32
      %add3A_1102 = vector.broadcast %add3A_1101 : i32 to vector<16xi32>
      %add3A_1103 = arith.addi %mul3A_1064, %add3A_1102 : vector<16xi32>
      %gather3A_1104 = tpu.vector_load_idx %arg7[%add3A_1103] : memref<4096xf32, #tpu.memory_space<vmem>>[vector<16xi32>], vector<16xf32>,
      %add3A_1105 = arith.addf %add3A_1093, %gather3A_1104 : vector<16xf32>
      %lt3A_1106 = arith.cmpf olt, %add3A_1105, %mul3A_974 : vector<16xf32>
      %jit3A_1107 = arith.constant 1 : i32
      %jit3A_1108 = arith.constant 0 : i32
      %broadcast_in_dim3A_1109 = vector.broadcast %jit3A_1107 : i32 to vector<16xi32>
      %broadcast_in_dim3A_1110 = vector.broadcast %jit3A_1108 : i32 to vector<16xi32>
      %select_n3A_1111 = arith.select %lt3A_1106, %broadcast_in_dim3A_1109, %broadcast_in_dim3A_1110 : vector<16xi1>, vector<16xi32>
      %add3A_1112 = arith.addi %add3A_1100, %select_n3A_1111 : vector<16xi32>
      %add3A_1113 = arith.constant 4 : i32
      %add3A_1114 = vector.broadcast %add3A_1113 : i32 to vector<16xi32>
      %add3A_1115 = arith.addi %mul3A_1064, %add3A_1114 : vector<16xi32>
      %gather3A_1116 = tpu.vector_load_idx %arg7[%add3A_1115] : memref<4096xf32, #tpu.memory_space<vmem>>[vector<16xi32>], vector<16xf32>,
      %add3A_1117 = arith.addf %add3A_1105, %gather3A_1116 : vector<16xf32>
      %lt3A_1118 = arith.cmpf olt, %add3A_1117, %mul3A_974 : vector<16xf32>
      %jit3A_1119 = arith.constant 1 : i32
      %jit3A_1120 = arith.constant 0 : i32
      %broadcast_in_dim3A_1121 = vector.broadcast %jit3A_1119 : i32 to vector<16xi32>
      %broadcast_in_dim3A_1122 = vector.broadcast %jit3A_1120 : i32 to vector<16xi32>
      %select_n3A_1123 = arith.select %lt3A_1118, %broadcast_in_dim3A_1121, %broadcast_in_dim3A_1122 : vector<16xi1>, vector<16xi32>
      %add3A_1124 = arith.addi %add3A_1112, %select_n3A_1123 : vector<16xi32>
      %add3A_1125 = arith.constant 5 : i32
      %add3A_1126 = vector.broadcast %add3A_1125 : i32 to vector<16xi32>
      %add3A_1127 = arith.addi %mul3A_1064, %add3A_1126 : vector<16xi32>
      %gather3A_1128 = tpu.vector_load_idx %arg7[%add3A_1127] : memref<4096xf32, #tpu.memory_space<vmem>>[vector<16xi32>], vector<16xf32>,
      %add3A_1129 = arith.addf %add3A_1117, %gather3A_1128 : vector<16xf32>
      %lt3A_1130 = arith.cmpf olt, %add3A_1129, %mul3A_974 : vector<16xf32>
      %jit3A_1131 = arith.constant 1 : i32
      %jit3A_1132 = arith.constant 0 : i32
      %broadcast_in_dim3A_1133 = vector.broadcast %jit3A_1131 : i32 to vector<16xi32>
      %broadcast_in_dim3A_1134 = vector.broadcast %jit3A_1132 : i32 to vector<16xi32>
      %select_n3A_1135 = arith.select %lt3A_1130, %broadcast_in_dim3A_1133, %broadcast_in_dim3A_1134 : vector<16xi1>, vector<16xi32>
      %add3A_1136 = arith.addi %add3A_1124, %select_n3A_1135 : vector<16xi32>
      %add3A_1137 = arith.constant 6 : i32
      %add3A_1138 = vector.broadcast %add3A_1137 : i32 to vector<16xi32>
      %add3A_1139 = arith.addi %mul3A_1064, %add3A_1138 : vector<16xi32>
      %gather3A_1140 = tpu.vector_load_idx %arg7[%add3A_1139] : memref<4096xf32, #tpu.memory_space<vmem>>[vector<16xi32>], vector<16xf32>,
      %add3A_1141 = arith.addf %add3A_1129, %gather3A_1140 : vector<16xf32>
      %lt3A_1142 = arith.cmpf olt, %add3A_1141, %mul3A_974 : vector<16xf32>
      %jit3A_1143 = arith.constant 1 : i32
      %jit3A_1144 = arith.constant 0 : i32
      %broadcast_in_dim3A_1145 = vector.broadcast %jit3A_1143 : i32 to vector<16xi32>
      %broadcast_in_dim3A_1146 = vector.broadcast %jit3A_1144 : i32 to vector<16xi32>
      %select_n3A_1147 = arith.select %lt3A_1142, %broadcast_in_dim3A_1145, %broadcast_in_dim3A_1146 : vector<16xi1>, vector<16xi32>
      %add3A_1148 = arith.addi %add3A_1136, %select_n3A_1147 : vector<16xi32>
      %add3A_1149 = arith.constant 7 : i32
      %add3A_1150 = vector.broadcast %add3A_1149 : i32 to vector<16xi32>
      %add3A_1151 = arith.addi %mul3A_1064, %add3A_1150 : vector<16xi32>
      %gather3A_1152 = tpu.vector_load_idx %arg7[%add3A_1151] : memref<4096xf32, #tpu.memory_space<vmem>>[vector<16xi32>], vector<16xf32>,
      %add3A_1153 = arith.addf %add3A_1141, %gather3A_1152 : vector<16xf32>
      %lt3A_1154 = arith.cmpf olt, %add3A_1153, %mul3A_974 : vector<16xf32>
      %jit3A_1155 = arith.constant 1 : i32
      %jit3A_1156 = arith.constant 0 : i32
      %broadcast_in_dim3A_1157 = vector.broadcast %jit3A_1155 : i32 to vector<16xi32>
      %broadcast_in_dim3A_1158 = vector.broadcast %jit3A_1156 : i32 to vector<16xi32>
      %select_n3A_1159 = arith.select %lt3A_1154, %broadcast_in_dim3A_1157, %broadcast_in_dim3A_1158 : vector<16xi1>, vector<16xi32>
      %add3A_1160 = arith.addi %add3A_1148, %select_n3A_1159 : vector<16xi32>
      %add3A_1161 = arith.constant 8 : i32
      %add3A_1162 = vector.broadcast %add3A_1161 : i32 to vector<16xi32>
      %add3A_1163 = arith.addi %mul3A_1064, %add3A_1162 : vector<16xi32>
      %gather3A_1164 = tpu.vector_load_idx %arg7[%add3A_1163] : memref<4096xf32, #tpu.memory_space<vmem>>[vector<16xi32>], vector<16xf32>,
      %add3A_1165 = arith.addf %add3A_1153, %gather3A_1164 : vector<16xf32>
      %lt3A_1166 = arith.cmpf olt, %add3A_1165, %mul3A_974 : vector<16xf32>
      %jit3A_1167 = arith.constant 1 : i32
      %jit3A_1168 = arith.constant 0 : i32
      %broadcast_in_dim3A_1169 = vector.broadcast %jit3A_1167 : i32 to vector<16xi32>
      %broadcast_in_dim3A_1170 = vector.broadcast %jit3A_1168 : i32 to vector<16xi32>
      %select_n3A_1171 = arith.select %lt3A_1166, %broadcast_in_dim3A_1169, %broadcast_in_dim3A_1170 : vector<16xi1>, vector<16xi32>
      %add3A_1172 = arith.addi %add3A_1160, %select_n3A_1171 : vector<16xi32>
      %add3A_1173 = arith.constant 9 : i32
      %add3A_1174 = vector.broadcast %add3A_1173 : i32 to vector<16xi32>
      %add3A_1175 = arith.addi %mul3A_1064, %add3A_1174 : vector<16xi32>
      %gather3A_1176 = tpu.vector_load_idx %arg7[%add3A_1175] : memref<4096xf32, #tpu.memory_space<vmem>>[vector<16xi32>], vector<16xf32>,
      %add3A_1177 = arith.addf %add3A_1165, %gather3A_1176 : vector<16xf32>
      %lt3A_1178 = arith.cmpf olt, %add3A_1177, %mul3A_974 : vector<16xf32>
      %jit3A_1179 = arith.constant 1 : i32
      %jit3A_1180 = arith.constant 0 : i32
      %broadcast_in_dim3A_1181 = vector.broadcast %jit3A_1179 : i32 to vector<16xi32>
      %broadcast_in_dim3A_1182 = vector.broadcast %jit3A_1180 : i32 to vector<16xi32>
      %select_n3A_1183 = arith.select %lt3A_1178, %broadcast_in_dim3A_1181, %broadcast_in_dim3A_1182 : vector<16xi1>, vector<16xi32>
      %add3A_1184 = arith.addi %add3A_1172, %select_n3A_1183 : vector<16xi32>
      %add3A_1185 = arith.constant 10 : i32
      %add3A_1186 = vector.broadcast %add3A_1185 : i32 to vector<16xi32>
      %add3A_1187 = arith.addi %mul3A_1064, %add3A_1186 : vector<16xi32>
      %gather3A_1188 = tpu.vector_load_idx %arg7[%add3A_1187] : memref<4096xf32, #tpu.memory_space<vmem>>[vector<16xi32>], vector<16xf32>,
      %add3A_1189 = arith.addf %add3A_1177, %gather3A_1188 : vector<16xf32>
      %lt3A_1190 = arith.cmpf olt, %add3A_1189, %mul3A_974 : vector<16xf32>
      %jit3A_1191 = arith.constant 1 : i32
      %jit3A_1192 = arith.constant 0 : i32
      %broadcast_in_dim3A_1193 = vector.broadcast %jit3A_1191 : i32 to vector<16xi32>
      %broadcast_in_dim3A_1194 = vector.broadcast %jit3A_1192 : i32 to vector<16xi32>
      %select_n3A_1195 = arith.select %lt3A_1190, %broadcast_in_dim3A_1193, %broadcast_in_dim3A_1194 : vector<16xi1>, vector<16xi32>
      %add3A_1196 = arith.addi %add3A_1184, %select_n3A_1195 : vector<16xi32>
      %add3A_1197 = arith.constant 11 : i32
      %add3A_1198 = vector.broadcast %add3A_1197 : i32 to vector<16xi32>
      %add3A_1199 = arith.addi %mul3A_1064, %add3A_1198 : vector<16xi32>
      %gather3A_1200 = tpu.vector_load_idx %arg7[%add3A_1199] : memref<4096xf32, #tpu.memory_space<vmem>>[vector<16xi32>], vector<16xf32>,
      %add3A_1201 = arith.addf %add3A_1189, %gather3A_1200 : vector<16xf32>
      %lt3A_1202 = arith.cmpf olt, %add3A_1201, %mul3A_974 : vector<16xf32>
      %jit3A_1203 = arith.constant 1 : i32
      %jit3A_1204 = arith.constant 0 : i32
      %broadcast_in_dim3A_1205 = vector.broadcast %jit3A_1203 : i32 to vector<16xi32>
      %broadcast_in_dim3A_1206 = vector.broadcast %jit3A_1204 : i32 to vector<16xi32>
      %select_n3A_1207 = arith.select %lt3A_1202, %broadcast_in_dim3A_1205, %broadcast_in_dim3A_1206 : vector<16xi1>, vector<16xi32>
      %add3A_1208 = arith.addi %add3A_1196, %select_n3A_1207 : vector<16xi32>
      %add3A_1209 = arith.constant 12 : i32
      %add3A_1210 = vector.broadcast %add3A_1209 : i32 to vector<16xi32>
      %add3A_1211 = arith.addi %mul3A_1064, %add3A_1210 : vector<16xi32>
      %gather3A_1212 = tpu.vector_load_idx %arg7[%add3A_1211] : memref<4096xf32, #tpu.memory_space<vmem>>[vector<16xi32>], vector<16xf32>,
      %add3A_1213 = arith.addf %add3A_1201, %gather3A_1212 : vector<16xf32>
      %lt3A_1214 = arith.cmpf olt, %add3A_1213, %mul3A_974 : vector<16xf32>
      %jit3A_1215 = arith.constant 1 : i32
      %jit3A_1216 = arith.constant 0 : i32
      %broadcast_in_dim3A_1217 = vector.broadcast %jit3A_1215 : i32 to vector<16xi32>
      %broadcast_in_dim3A_1218 = vector.broadcast %jit3A_1216 : i32 to vector<16xi32>
      %select_n3A_1219 = arith.select %lt3A_1214, %broadcast_in_dim3A_1217, %broadcast_in_dim3A_1218 : vector<16xi1>, vector<16xi32>
      %add3A_1220 = arith.addi %add3A_1208, %select_n3A_1219 : vector<16xi32>
      %add3A_1221 = arith.constant 13 : i32
      %add3A_1222 = vector.broadcast %add3A_1221 : i32 to vector<16xi32>
      %add3A_1223 = arith.addi %mul3A_1064, %add3A_1222 : vector<16xi32>
      %gather3A_1224 = tpu.vector_load_idx %arg7[%add3A_1223] : memref<4096xf32, #tpu.memory_space<vmem>>[vector<16xi32>], vector<16xf32>,
      %add3A_1225 = arith.addf %add3A_1213, %gather3A_1224 : vector<16xf32>
      %lt3A_1226 = arith.cmpf olt, %add3A_1225, %mul3A_974 : vector<16xf32>
      %jit3A_1227 = arith.constant 1 : i32
      %jit3A_1228 = arith.constant 0 : i32
      %broadcast_in_dim3A_1229 = vector.broadcast %jit3A_1227 : i32 to vector<16xi32>
      %broadcast_in_dim3A_1230 = vector.broadcast %jit3A_1228 : i32 to vector<16xi32>
      %select_n3A_1231 = arith.select %lt3A_1226, %broadcast_in_dim3A_1229, %broadcast_in_dim3A_1230 : vector<16xi1>, vector<16xi32>
      %add3A_1232 = arith.addi %add3A_1220, %select_n3A_1231 : vector<16xi32>
      %add3A_1233 = arith.constant 14 : i32
      %add3A_1234 = vector.broadcast %add3A_1233 : i32 to vector<16xi32>
      %add3A_1235 = arith.addi %mul3A_1064, %add3A_1234 : vector<16xi32>
      %gather3A_1236 = tpu.vector_load_idx %arg7[%add3A_1235] : memref<4096xf32, #tpu.memory_space<vmem>>[vector<16xi32>], vector<16xf32>,
      %add3A_1237 = arith.addf %add3A_1225, %gather3A_1236 : vector<16xf32>
      %lt3A_1238 = arith.cmpf olt, %add3A_1237, %mul3A_974 : vector<16xf32>
      %jit3A_1239 = arith.constant 1 : i32
      %jit3A_1240 = arith.constant 0 : i32
      %broadcast_in_dim3A_1241 = vector.broadcast %jit3A_1239 : i32 to vector<16xi32>
      %broadcast_in_dim3A_1242 = vector.broadcast %jit3A_1240 : i32 to vector<16xi32>
      %select_n3A_1243 = arith.select %lt3A_1238, %broadcast_in_dim3A_1241, %broadcast_in_dim3A_1242 : vector<16xi1>, vector<16xi32>
      %add3A_1244 = arith.addi %add3A_1232, %select_n3A_1243 : vector<16xi32>
      %add3A_1245 = arith.constant 15 : i32
      %add3A_1246 = vector.broadcast %add3A_1245 : i32 to vector<16xi32>
      %add3A_1247 = arith.addi %mul3A_1064, %add3A_1246 : vector<16xi32>
      %gather3A_1248 = tpu.vector_load_idx %arg7[%add3A_1247] : memref<4096xf32, #tpu.memory_space<vmem>>[vector<16xi32>], vector<16xf32>,
      %add3A_1249 = arith.addf %add3A_1237, %gather3A_1248 : vector<16xf32>
      %lt3A_1250 = arith.cmpf olt, %add3A_1249, %mul3A_974 : vector<16xf32>
      %jit3A_1251 = arith.constant 1 : i32
      %jit3A_1252 = arith.constant 0 : i32
      %broadcast_in_dim3A_1253 = vector.broadcast %jit3A_1251 : i32 to vector<16xi32>
      %broadcast_in_dim3A_1254 = vector.broadcast %jit3A_1252 : i32 to vector<16xi32>
      %select_n3A_1255 = arith.select %lt3A_1250, %broadcast_in_dim3A_1253, %broadcast_in_dim3A_1254 : vector<16xi1>, vector<16xi32>
      %add3A_1256 = arith.addi %add3A_1244, %select_n3A_1255 : vector<16xi32>
      %min3A_1257 = arith.constant 4095 : i32
      %min3A_1258 = vector.broadcast %min3A_1257 : i32 to vector<16xi32>
      %min3A_1259 = arith.minsi %add3A_1256, %min3A_1258 : vector<16xi32>
      %gt3A_1260 = arith.constant 0 : i32
      %gt3A_1261 = vector.broadcast %gt3A_1260 : i32 to vector<16xi32>
      %gt3A_1262 = arith.cmpi sgt, %get3A_972, %gt3A_1261 : vector<16xi32>
      %jit3A_1263 = arith.constant -1 : i32
      %broadcast_in_dim3A_1264 = vector.broadcast %jit3A_1263 : i32 to vector<16xi32>
      %select_n3A_1265 = arith.select %gt3A_1262, %min3A_1259, %broadcast_in_dim3A_1264 : vector<16xi1>, vector<16xi32>
      %swap3A_1266 = arith.index_cast %min3A_26 : i32 to index
      %swap3A_1267 = arith.constant 16 : index
      %swap3A_1268 = tpu.vector_load %arg11[%swap3A_1266, %swap3A_1267] {strides = array<i32>} : memref<64x32xi32, #tpu.memory_space<vmem>>, vector<16xi32>,
      tpu.vector_store %arg11[%swap3A_1266, %swap3A_1267], %select_n3A_1265 {strides = array<i32>} : memref<64x32xi32, #tpu.memory_space<vmem>>, vector<16xi32>,
    }
    %scan3A_15 = arith.constant 32 : i32
    %dma_wait3A = arith.constant 0 : i32
    %dma_wait3A_16 = tpu.memref_slice %arg2[%mul3A_2, %dma_wait3A] : memref<2048x4096xf32, #tpu.memory_space<hbm>> -> memref<1x4096xf32, #tpu.memory_space<hbm>>
    %dma_wait3A_17 = tpu.memref_squeeze %dma_wait3A_16 : memref<1x4096xf32, #tpu.memory_space<hbm>> -> memref<4096xf32, #tpu.memory_space<hbm>>
    %dma_wait3A_18 = arith.constant 0 : i32
    %dma_wait3A_19 = tpu.memref_slice %arg2[%mul3A_2, %dma_wait3A_18] : memref<2048x4096xf32, #tpu.memory_space<hbm>> -> memref<1x4096xf32, #tpu.memory_space<hbm>>
    %dma_wait3A_20 = tpu.memref_squeeze %dma_wait3A_19 : memref<1x4096xf32, #tpu.memory_space<hbm>> -> memref<4096xf32, #tpu.memory_space<hbm>>
    tpu.wait_dma2 semaphore(%arg12 : memref<!tpu.dma_semaphore, #tpu.memory_space<semaphore_mem>>) src(%dma_wait3A_20 : memref<4096xf32, #tpu.memory_space<hbm>>) dst(%arg6 : memref<4096xf32, #tpu.memory_space<vmem>>)
    "tpu.region"() ({
      %run_scoped3A = tpu.sem_alloc : memref<!tpu.dma_semaphore, #tpu.memory_space<semaphore_mem>>
      %dma_start3A_21 = arith.constant 0 : i32
      %dma_start3A_22 = tpu.memref_slice %arg5[%mul3A_2, %dma_start3A_21] : memref<2048x32xi32, #tpu.memory_space<hbm>> -> memref<64x32xi32, #tpu.memory_space<hbm>>
      %dma_start3A_23 = arith.constant 0 : i32
      %dma_start3A_24 = tpu.memref_slice %arg5[%mul3A_2, %dma_start3A_23] : memref<2048x32xi32, #tpu.memory_space<hbm>> -> memref<64x32xi32, #tpu.memory_space<hbm>>
      tpu.enqueue_dma source(%arg11 : memref<64x32xi32, #tpu.memory_space<vmem>>) target(%dma_start3A_24 : memref<64x32xi32, #tpu.memory_space<hbm>>) target_semaphore(%run_scoped3A : memref<!tpu.dma_semaphore, #tpu.memory_space<semaphore_mem>>)
      %dma_wait3A_25 = arith.constant 0 : i32
      %dma_wait3A_26 = tpu.memref_slice %arg5[%mul3A_2, %dma_wait3A_25] : memref<2048x32xi32, #tpu.memory_space<hbm>> -> memref<64x32xi32, #tpu.memory_space<hbm>>
      %dma_wait3A_27 = arith.constant 0 : i32
      %dma_wait3A_28 = tpu.memref_slice %arg5[%mul3A_2, %dma_wait3A_27] : memref<2048x32xi32, #tpu.memory_space<hbm>> -> memref<64x32xi32, #tpu.memory_space<hbm>>
      tpu.wait_dma2 semaphore(%run_scoped3A : memref<!tpu.dma_semaphore, #tpu.memory_space<semaphore_mem>>) src(%arg11 : memref<64x32xi32, #tpu.memory_space<vmem>>) dst(%dma_wait3A_28 : memref<64x32xi32, #tpu.memory_space<hbm>>)
      tpu.yield
    }) : () -> ()
    return
  }
}

</mosaic_0001>

<sc_bundles>
// kernel: run.3.cloned.1.call-start
scs
__scs_entry_jumppad:
0x0: {  	(pc) =	sbr.rel $0x88, $3  }
0x1: {  	(tag) =	ssettag $0x0;
	lr =	simm.s32 $0x1  }
0x2: {  	[smem:$0x3F9E] =	sst lr;
	_ =	strace $0xD0000000  }
0x3: {  	_ = 	snop  }
0x4: {  	_ = 	snop  }
0x5: {  	_ = 	snop  }
0x6: {  	_ = 	snop  }
0x7: {  	_ = 	snop  }
__scs_overlays_trampoline_lowered:
0x8: {  	[smem:$0x3FAD] =	sst s0  }
0x9: {  	[smem:$0x3FAE] =	sst s1  }
0xa: {  	[smem:$0x3FAF] =	sst s2  }
0xb: {  	[smem:$0x3FB0] =	sst s3  }
0xc: {  	[smem:$0x3FB1] =	sst s4  }
0xd: {  	[smem:$0x3FB2] =	sst s5  }
0xe: {  	[smem:$0x3FB3] =	sst s6  }
0xf: {  	[smem:$0x3FB4] =	sst s7  }
0x10: {  	[smem:$0x3FB5] =	sst s8  }
0x11: {  	[smem:$0x3FB6] =	sst s9;
	s0 =	simm.s32 @!p0 $0x0  }
0x12: {  	s1 =	sld [smem:$0x3F9C];
	s0 =	simm.s32 @p0 $0x1  }
0x13: {  	[smem:$0x3FB7] =	sst s0;
	s0 =	simm.s32 @!p1 $0x0  }
0x14: {  	s2 =	sld [smem:$0x3F9B];
	s0 =	simm.s32 @p1 $0x1  }
0x15: {  	[smem:$0x3FB8] =	sst s0;
	s0 =	simm.s32 @!p2 $0x0  }
0x16: {  	s3 =	sld [smem:$0x3FDB];
	s0 =	simm.s32 @p2 $0x1  }
0x17: {  	s4 =	simm.s32 $0x1BF5;
	[smem:$0x3FBA] =	sst s0  }
0x18: {  	s0 =	sld [smem:$0x3F9D];
	_ =	swait.ge [sflag:s4], $0x0  }
0x19: {  	s7 =	sld [smem:$0x3F9E]  }
0x1a: {  	s8 =	sadd.s32 $0xFFFFE003, lr  }
0x1b: {  	s9 =	sadd.s32 $0xFFFFFEF7, lr;
	s5 =	simm.s32 $0xFFFFFFFF;
	p2 =	slt.u32 s8, $0xFFFFF086  }
0x1c: {  	p1 =	slt.u32 s9, $0xF7A;
	s5 =	simm.s32 @!p2 $0x0  }
0x1d: {  	s5 =	simm.s32 @p1 $0x1;
	p0 =	seq.s32 s7, s2  }
0x1e: {  	s7 =	smul.u32 @!p0 $0xF7A, s2;
	p2 =	seq.s32 @!p0 s5, $0x0  }
0x1f: {  	s9 =	smul.u32 $0xF7A, s1;
	s8 =	simm.s32 @!p0 $0x1BF5;
	p2 =	por !p2, p0  }
0x20: {  	[sflag:s8] =	ssyncset.s32 @!p0 $0xFFFFF086;
	s6 =	sadd.s32 @!p0 s3, s7;
	s7 =	simm.s32 @!p0 $0x108  }
0x21: {  	s3 =	sadd.s32 s3, s9;
	s6 =	sadd.s32 @!p0 $0x88, s6;
	s7 =	simm.s32 @p2 $0x1082  }
0x22: {  	[simem:s7], [sflag:s8] =	dma.local @!p0 [hbm:s6], $0xF7A  }
0x23: {  	s9 =	sor.u32 $0xD0000000, s2;
	s6 =	simm.s32 $0x108;
	_ =	swait.ge @!p0 [sflag:s8], $0x0  }
0x24: {  	s3 =	sadd.s32 $0x88, s3;
	s6 =	simm.s32 @!p1 $0x1082;
	[sflag:s4] =	ssyncset.s32 $0xFFFFF086  }
0x25: {  	[simem:s6], [sflag:s4] =	dma.local [hbm:s3], $0xF7A  }
0x26: {  	[smem:$0x3F9E] =	sst s1;
	(tag) =	ssettag s2;
	_ =	strace s9  }
0x27: {  	s1 =	sld [smem:$0x3FAE]  }
0x28: {  	s2 =	sld [smem:$0x3FAF]  }
0x29: {  	s4 =	sld [smem:$0x3FB1]  }
0x2a: {  	p0 =	seq.s32 s5, $0x0;
	s5 =	sld [smem:$0x3FB2]  }
0x2b: {  	s6 =	sld [smem:$0x3FB3]  }
0x2c: {  	s7 =	sld [smem:$0x3FB4]  }
0x2d: {  	s3 =	simm.s32 $0x108;
	s8 =	sld [smem:$0x3FB5]  }
0x2e: {  	s3 =	simm.s32 @!p0 $0x1082;
	s9 =	sld [smem:$0x3FB6]  }
0x2f: {  	lr =	sadd.s32 s0, s3;
	s0 =	sld [smem:$0x3FAD]  }
0x30: {  	s3 =	sld [smem:$0x3FB0]  }
0x31: {  	[smem:$0x3FB9] =	sst s10  }
0x32: {  	s10 =	sld [smem:$0x3FB7];
	_ =	sdelay $0x3  }
0x33: {  	p0 =	seq.s32 s10, $0x1;
	s10 =	sld [smem:$0x3FB9];
	_ =	sdelay $0x3  }
0x34: {  	[smem:$0x3FB9] =	sst s10  }
0x35: {  	s10 =	sld [smem:$0x3FB8];
	_ =	sdelay $0x3  }
0x36: {  	p1 =	seq.s32 s10, $0x1;
	s10 =	sld [smem:$0x3FB9];
	_ =	sdelay $0x3  }
0x37: {  	[smem:$0x3FB9] =	sst s10  }
0x38: {  	s10 =	sld [smem:$0x3FBA]  }
0x39: {  	_ = 	snop;
	(pc) =	sbr.ind lr, $3  }
0x3a: {  	_ = 	snop  }
0x3b: {  	_ = 	snop  }
0x3c: {  	p2 =	seq.s32 s10, $0x1;
	s10 =	sld [smem:$0x3FB9]  }
0x3d: {  	_ =	shalt  }
0x3e: {  	_ =	shalt  }
0x3f: {  	_ =	shalt  }
0x40: {  	_ =	shalt  }
0x41: {  	_ =	shalt  }
0x42: {  	_ =	shalt  }
0x43: {  	_ =	shalt  }
0x44: {  	_ =	shalt  }
0x45: {  	_ =	shalt  }
0x46: {  	_ =	shalt  }
0x47: {  	_ =	shalt  }
0x48: {  	_ =	shalt  }
0x49: {  	_ =	shalt  }
0x4a: {  	_ =	shalt  }
0x4b: {  	_ =	shalt  }
0x4c: {  	_ =	shalt  }
0x4d: {  	_ =	shalt  }
0x4e: {  	_ =	shalt  }
0x4f: {  	_ =	shalt  }
0x50: {  	_ =	shalt  }
0x51: {  	_ =	shalt  }
0x52: {  	_ =	shalt  }
0x53: {  	_ =	shalt  }
0x54: {  	_ =	shalt  }
0x55: {  	_ =	shalt  }
0x56: {  	_ =	shalt  }
0x57: {  	_ =	shalt  }
0x58: {  	_ =	shalt  }
0x59: {  	_ =	shalt  }
0x5a: {  	_ =	shalt  }
0x5b: {  	_ =	shalt  }
0x5c: {  	_ =	shalt  }
0x5d: {  	_ =	shalt  }
0x5e: {  	_ =	shalt  }
0x5f: {  	_ =	shalt  }
0x60: {  	_ =	shalt  }
0x61: {  	_ =	shalt  }
0x62: {  	_ =	shalt  }
0x63: {  	_ =	shalt  }
0x64: {  	_ =	shalt  }
0x65: {  	_ =	shalt  }
0x66: {  	_ =	shalt  }
0x67: {  	_ =	shalt  }
0x68: {  	_ =	shalt  }
0x69: {  	_ =	shalt  }
0x6a: {  	_ =	shalt  }
0x6b: {  	_ =	shalt  }
0x6c: {  	_ =	shalt  }
0x6d: {  	_ =	shalt  }
0x6e: {  	_ =	shalt  }
0x6f: {  	_ =	shalt  }
0x70: {  	_ =	shalt  }
0x71: {  	_ =	shalt  }
0x72: {  	_ =	shalt  }
0x73: {  	_ =	shalt  }
0x74: {  	_ =	shalt  }
0x75: {  	_ =	shalt  }
0x76: {  	_ =	shalt  }
0x77: {  	_ =	shalt  }
0x78: {  	_ =	shalt  }
0x79: {  	_ =	shalt  }
0x7a: {  	_ =	shalt  }
0x7b: {  	_ =	shalt  }
0x7c: {  	_ =	shalt  }
0x7d: {  	_ =	shalt  }
0x7e: {  	_ =	shalt  }
0x7f: {  	_ =	shalt  }
0x80: {  	_ =	shalt  }
0x81: {  	_ =	shalt  }
0x82: {  	_ =	shalt  }
0x83: {  	_ =	shalt  }
0x84: {  	_ =	shalt  }
0x85: {  	_ =	shalt  }
0x86: {  	_ =	shalt  }
0x87: {  	_ =	shalt  }
.Lfunc_end0:
.L_simem_size_0:
called_computation_lowered:
.L_overlay_start_0:
0x88: {  	s2 =	sld [smem:$0x3FD9]  }
0x89: {  	s3 =	sld [smem:$0x3FFE];
	_ =	sdelay $0x1  }
0x8a: {  	s1 =	srdreg.scid  }
0x8b: {  	s0 =	sand.u32 $0x1, s1  }
0x8c: {  	s17 =	sshll.u32 s0, $0xA;
	s2 =	sadd.s32 s3, s2  }
0x8d: {  	s2 =	sadd.s32 s2, s17  }
0x8e: {  	[smem:$0x3FC5] =	sst s2  }
0x8f: {  	_ = 	snop  }
0x90: {  	s2 =	sld [smem:$0x3FC9];
	(tm) =	ssettm $0x1  }
0x91: {  	s18 =	sld [smem:$0x3FFB];
	_ =	sdelay $0x3  }
0x92: {  	_ =	strace s18  }
0x93: {  	s3 =	sld [smem:$0x3FFC];
	_ =	sdelay $0x3  }
0x94: {  	_ =	strace s3  }
0x95: {  	s3 =	sld [smem:$0x3FFD];
	_ =	sdelay $0x3  }
0x96: {  	_ =	strace s3  }
0x97: {  	_ =	strace $0x8FFFFFFF  }
0x98: {  	s19 =	sld [smem:$0x3FDB];
	_ =	sdelay $0x1  }
0x99: {  	s4 =	simm.s32 $_scs_section_size  }
0x9a: {  	s5 =	simm.s32 $_size__tile_overlayer_lowered;
	s6 =	simm.s32 $_tile_overlayer_lowered  }
0x9b: {  	s22 =	simm.s32 $0x1BFF;
	s21 =	sshll.u32 s6, $0x1;
	s3 =	sadd.s32 s4, s19  }
0x9c: {  	s7 =	simm.s32 $0x0;
	s20 =	sshll.u32 s5, $0x1;
	s5 =	sadd.s32 s21, s3  }
0x9d: {  	[timem:s7], [sflag:s22] =	dma.local [hbm:s5], s20  }
0x9e: {  	_ =	swait.ge [sflag:s22], s20  }
0x9f: {  	s4 =	ssub.s32 $0x0, s20;
	[sflag:s22] =	ssyncset.done $0x0  }
0xa0: {  	[sflag:s22] =	ssyncadd.s32 s4;
	_ =	sdelay $0x1  }
0xa1: {  	s23 =	simm.s32 $0x1B8B  }
0xa2: {  	_ =	swait.ge [sflag:s23], $0x1  }
0xa3: {  	[sflag:s23] =	ssyncset.done $0x0  }
0xa4: {  	s25 =	simm.s32 $0x1B8E;
	s24 =	sld [smem:$0x3FFE];
	[sflag:s23] =	ssyncadd.s32 $0xFFFFFFFF  }
0xa5: {  	s26 =	simm.s32 $execute0_lowered;
	[smem:$0x3FD2] =	sst s25  }
0xa6: {  	s5 =	sshll.u32 s26, $0x1;
	_ =	strace $0x80000046;
	[dreg:$0x1] =	wrdreg $0xFFFFFFFF  }
0xa7: {  	s28 =	simm.s32 $_size_execute0_lowered;
	s3 =	sadd.s32 s3, s5;
	[dreg:$0x0] =	wrdreg $0x0  }
0xa8: {  	s5 =	sshll.u32 s28, $0x1;
	[dreg:$0x2] =	wrdreg s3  }
0xa9: {  	[dreg:$0x3] =	wrdreg s5  }
0xaa: {  	[dreg:$0x4] =	wrdreg $0xC0  }
0xab: {  	_ =	task [dreg:s7], $0x5FFFF  }
0xac: {  	[dreg:$0x1] =	wrdreg $0xFFFFFFFF  }
0xad: {  	[dreg:$0x0] =	wrdreg $0x60  }
0xae: {  	[dreg:$0x2] =	wrdreg s2  }
0xaf: {  	[dreg:$0x3] =	wrdreg s24  }
0xb0: {  	[dreg:$0x4] =	wrdreg $0x9  }
0xb1: {  	_ =	task.clear_ibuf [dreg:s7], $0x5FFFF;
	_ =	strace $0x90000046  }
0xb2: {  	s29 =	simm.s32 $0x9;
	_ =	strace $0x80000048  }
0xb3: {  	_ =	swait.ge [sflag:s29], $0x1  }
0xb4: {  	[sflag:s29] =	ssyncadd.s32 $0xFFFFFFFF  }
0xb5: {  	_ =	strace $0x90000048  }
0xb6: {  	_ =	sfence  }
0xb7: {  	s30 =	sld [smem:$0x0];
	_ =	sdelay $0x2  }
0xb8: {  	s31 =	sshll.u32 s1, $0xD;
	s1 =	sshrl.u32 s1, $0x2  }
0xb9: {  	s3 =	sand.u32 $0x4000, s31;
	s1 =	sadd.s32 s1, s30  }
0xba: {  	s0 =	sor.u32 s3, s0;
	s1 =	sshll.u32 s1, $0x11  }
0xbb: {  	s0 =	sor.u32 s1, s0  }
0xbc: {  	s0 =	sadd.s32 $0x8F2B, s0  }
0xbd: {  	[sflag:s0] =	ssyncadd.remote.s32 $0x1  }
0xbe: {  	_ =	sfence.sel $0xFFFF  }
0xbf: {  	[dreg:$0x0] =	wrdreg $0xFFFFFFFF;
	(pc) =	sbr.abs _section_cstart, $3  }
0xc0: {  	[dreg:$0x1] =	wrdreg $0xFFFFFFFF  }
0xc1: {  	_ =	task.clear_ibuf [dreg:s7], $0x2FFFF;
	_ =	strace $0x9FFFFFFF  }
0xc2: {  	(tm) =	ssettm $0x7FFFFFFF  }
0xc3: {  	_ =	shalt  }
tec
execute0_lowered:
.L_overlay_start_1:
0x0: {  	(tag) =	ssettag $0x1  }
0x1: {  	v1 =	vlaneseq.u32  }
0x2: {  	v0 =	vmul.u32 $0x10, v1  }
0x3: {  	v1 =	vand.u32 $0x7, v1  }
0x4: {  	v43 =	vmul.u32 $0x10, v1;
	v1 =	vor.u32 $0x1, v0  }
0x5: {  	v4 =	vor.u32 $0x2, v0;
	v5 =	vor.u32 $0x3, v0;
	v8 =	vor.u32 $0x4, v0  }
0x6: {  	s1 =	rddreg [dreg:$0x0];
	v9 =	vor.u32 $0x5, v0;
	v12 =	vor.u32 $0x6, v0;
	v13 =	vor.u32 $0x7, v0  }
0x7: {  	s6 =	rddreg [dreg:$0x1];
	s3 =	simm.s32 $0x0;
	v17 =	vor.u32 $0x9, v0;
	v20 =	vor.u32 $0xA, v0;
	v21 =	vor.u32 $0xB, v0  }
0x8: {  	s2 =	srdreg.scid;
	[smem:$0x7FF] =	sst s3;
	v24 =	vor.u32 $0xC, v0;
	v25 =	vor.u32 $0xD, v0;
	v2 =	vor.u32 $0xFFFFFF85, v43  }
0x9: {  	s5 =	sand.u32 $0x1, s2;
	s2 =	rddreg [dreg:$0x2];
	_ =	strace $0x80000047;
	v28 =	vor.u32 $0xE, v0;
	v29 =	vor.u32 $0xF, v0;
	v3 =	vor.u32 $0xFFFFFF87, v43;
	[tilespmem:$0x1FF60] =	vst v2  }
0xa: {  	s0 =	stileid.u32;
	s10 =	simm.s32 $0x2100;
	v55 =	vor.u32 $0xFFFFFE80, v43;
	v19 =	vor.u32 $0xFFFFFE81, v43;
	v6 =	vor.u32 $0xFFFFFF88, v43;
	[tilespmem:$0x1FF80] =	vst v3  }
0xb: {  	s11 =	simm.s32 $0x3;
	s12 =	simm.s32 $0x4100;
	s13 =	simm.s32 $0x80;
	v22 =	vor.u32 $0xFFFFFE82, v43;
	v23 =	vor.u32 $0xFFFFFE83, v43;
	v7 =	vor.u32 $0xFFFFFF89, v43;
	[tilespmem:$0x1FF90] =	vst v6  }
0xc: {  	s14 =	simm.s32 $0x400;
	s15 =	simm.s32 $0x1000;
	s16 =	simm.s32 $0x1;
	v26 =	vor.u32 $0xFFFFFE84, v43;
	v27 =	vor.u32 $0xFFFFFE85, v43;
	v10 =	vor.u32 $0xFFFFFF8A, v43;
	[tilespmem:$0x1FFA0] =	vst v7  }
0xd: {  	s17 =	simm.s32 $0x2000;
	s18 =	simm.s32 $0x2;
	s19 =	simm.s32 $0x6100;
	v30 =	vor.u32 $0xFFFFFE86, v43;
	v31 =	vor.u32 $0xFFFFFE87, v43;
	v11 =	vor.u32 $0xFFFFFF8B, v43;
	[tilespmem:$0x1FFB0] =	vst v10  }
0xe: {  	s4 =	sshll.u32 s0, $0x7;
	s7 =	sshll.u32 s5, $0x6;
	s5 =	ssub.s32 $0x2, s5;
	v32 =	vor.u32 $0xFFFFFE88, v43;
	v33 =	vor.u32 $0xFFFFFE89, v43;
	v14 =	vor.u32 $0xFFFFFF8C, v43;
	[tilespmem:$0x1FFC0] =	vst v11  }
0xf: {  	s20 =	simm.s32 $0x0;
	s4 =	sor.u32 s7, s4;
	s30 =	sshrl.u32 s5, $0x1;
	v34 =	vor.u32 $0xFFFFFE8A, v43;
	v35 =	vor.u32 $0xFFFFFE8B, v43;
	v15 =	vor.u32 $0xFFFFFF8D, v43;
	[tilespmem:$0x1FFD0] =	vst v14  }
0x10: {  	s7 =	sshll.u32 s4, $0x4;
	v36 =	vor.u32 $0xFFFFFE8C, v43;
	v37 =	vor.u32 $0xFFFFFE8D, v43;
	s9 =	ssub.s32 s5, s30;
	s31 =	sshll.u32 s4, $0x9;
	v41 =	vor.u32 $0xFFFFFF84, v43;
	[tilespmem:$0x1FFE0] =	vst v15  }
0x11: {  	v38 =	vor.u32 $0xFFFFFF80, v43;
	v39 =	vor.u32 $0xFFFFFF81, v43;
	s8 =	sadd.s32 s7, s6;
	s7 =	sadd.s32 s1, s31;
	s9 =	smax.u32 s9, $0x1;
	v2 =	vor.u32 $0xFFFFFF86, v43;
	[tilespmem:$0x1FFF0] =	vst v41  }
0x12: {  	v16 =	vor.u32 $0x8, v0;
	v40 =	vor.u32 $0xFFFFFF82, v43;
	v42 =	vor.u32 $0xFFFFFF83, v43;
	s5 =	sadd.s32 $0x400, s8;
	s6 =	sadd.s32 $0x8400, s8;
	s8 =	sadd.s32 $0x10400, s8;
	[tilespmem:$0x1FF70] =	vst v2  }
.LBB2_1:
0x13: {  	[tilespmem:s10], [sflag:$0x3] =	stream.linear.gather [hbm4b:s5+s3], $0x2000, $0x38;
	[tilespmem:$0x8100] =	vst v63  }
0x14: {  	_ =	swait.ge [sflag:s11], $0x2000  }
0x15: {  	[sflag:s11] =	ssyncset.done $0x0  }
0x16: {  	[sflag:s11] =	ssyncadd.s32 $0xFFFFE000  }
0x17: {  	[tilespmem:s12], [sflag:$0x3] =	stream.linear.gather [hbm4b:s6+s3], $0x2000, $0x38;
	[tilespmem:$0x8100] =	vst v63  }
0x18: {  	_ =	swait.ge [sflag:s11], $0x2000  }
0x19: {  	[sflag:s11] =	ssyncset.done $0x0  }
0x1a: {  	s21 =	simm.s32 $0x0;
	[sflag:s11] =	ssyncadd.s32 $0xFFFFE000  }
0x1b: {  	[tilespmem:s3], [sflag:$0x1] =	stream.strided.gather [hbm4b:s7+s13], $0x1000, s14, s13, $0x38;
	[tilespmem:$0x8100] =	vst v63  }
.LBB2_2:
0x1c: {  	s23 =	sshll.u32 s21, $0x1;
	s22 =	sshllo.u32 s21, $0x1  }
0x1d: {  	s24 =	sadd.s32 s4, s23;
	s25 =	sshll.u32 s22, $0x4  }
0x1e: {  	s24 =	sshll.u32 s24, $0x9;
	s25 =	sand.u32 $0x70, s25  }
0x1f: {  	s29 =	simm.s32 $0x0;
	s24 =	sand.u32 $0xFF000, s24;
	s26 =	sadd.s32 s1, s25  }
0x20: {  	v47 =	vor.u32 s29, v25;
	v48 =	vor.u32 s29, v28;
	s24 =	sadd.s32 s24, s26  }
0x21: {  	v49 =	vor.u32 s29, v24;
	v47 =	vand.u32 v37, v47;
	[tilespmem:s15], [sflag:$0x2] =	stream.strided.gather [hbm4b:s24+s13], $0x1000, s14, s13, $0x38;
	[tilespmem:$0x8100] =	vst v63  }
0x22: {  	v50 =	vor.u32 s29, v21;
	v49 =	vand.u32 v36, v49;
	_ =	swait.ge [sflag:s16], $0x1000  }
0x23: {  	v51 =	vor.u32 s29, v20;
	v50 =	vand.u32 v35, v50;
	[sflag:s16] =	ssyncset.done $0x0  }
0x24: {  	v52 =	vor.u32 s29, v5;
	v51 =	vand.u32 v34, v51;
	v18 =	vld [tilespmem:$0x1FF60];
	[sflag:s16] =	ssyncadd.s32 $0xFFFFF000  }
0x25: {  	v53 =	vor.u32 s29, v0;
	v52 =	vand.u32 v23, v52;
	v48 =	vld.idx.msk [tilespmem:v48+s3+$0x0], $0xffff  }
0x26: {  	v54 =	vor.u32 s29, v4;
	v53 =	vand.u32 v55, v53;
	v47 =	vld.idx.msk [tilespmem:v47+s3+$0x0], $0xffff  }
0x27: {  	v44 =	vor.u32 s29, v1;
	v54 =	vand.u32 v22, v54;
	v49 =	vld.idx.msk [tilespmem:v49+s3+$0x0], $0xffff  }
0x28: {  	v43 =	vmov v55;
	v56 =	vor.u32 s29, v8;
	v55 =	vand.u32 v19, v44;
	v50 =	vld.idx.msk [tilespmem:v50+s3+$0x0], $0xffff  }
0x29: {  	v57 =	vor.u32 s29, v9;
	v56 =	vand.u32 v26, v56;
	v51 =	vld.idx.msk [tilespmem:v51+s3+$0x0], $0xffff  }
0x2a: {  	v58 =	vor.u32 s29, v12;
	v57 =	vand.u32 v27, v57;
	v52 =	vld.idx.msk [tilespmem:v52+s3+$0x0], $0xffff  }
0x2b: {  	v59 =	vor.u32 s29, v13;
	v58 =	vand.u32 v30, v58;
	v53 =	vld.idx.msk [tilespmem:v53+s3+$0x0], $0xffff  }
0x2c: {  	v60 =	vor.u32 s29, v16;
	v59 =	vand.u32 v31, v59;
	v54 =	vld.idx.msk [tilespmem:v54+s3+$0x0], $0xffff  }
0x2d: {  	s30 =	simm.s32 $0x100;
	v61 =	vor.u32 s29, v17;
	v60 =	vand.u32 v32, v60;
	v55 =	vld.idx.msk [tilespmem:v55+s3+$0x0], $0xffff  }
0x2e: {  	v62 =	vor.u32 s30, v0;
	v61 =	vand.u32 v33, v61;
	v56 =	vld.idx.msk [tilespmem:v56+s3+$0x0], $0xffff  }
0x2f: {  	v63 =	vor.u32 s30, v4;
	v62 =	vand.u32 v38, v62;
	v57 =	vld.idx.msk [tilespmem:v57+s3+$0x0], $0xffff  }
0x30: {  	v63 =	vand.u32 v40, v63;
	v44 =	vor.u32 s30, v9;
	v58 =	vld.idx.msk [tilespmem:v58+s3+$0x0], $0xffff  }
0x31: {  	v45 =	vor.u32 s30, v1;
	v59 =	vld.idx.msk [tilespmem:v59+s3+$0x0], $0xffff;
	v44 =	vand.u32 v18, v44;
	v53 =	vadd.f32 v54, v53  }
0x32: {  	v60 =	vld.idx.msk [tilespmem:v60+s3+$0x0], $0xffff;
	v54 =	vor.u32 s30, v5;
	v52 =	vadd.f32 v52, v55;
	v55 =	vand.u32 v39, v45  }
0x33: {  	v61 =	vld.idx.msk [tilespmem:v61+s3+$0x0], $0xffff;
	v54 =	vand.u32 v42, v54;
	v53 =	vadd.f32 v56, v53  }
0x34: {  	v46 =	vor.u32 s30, v8;
	v62 =	vld.idx.msk [tilespmem:v62+s3+$0x0], $0xffff;
	v56 =	vor.u32 s29, v29;
	v52 =	vadd.f32 v57, v52  }
0x35: {  	v63 =	vld.idx.msk [tilespmem:v63+s3+$0x0], $0xffff;
	v45 =	vor.u32 s30, v12;
	v57 =	vand.u32 v41, v46;
	v53 =	vadd.f32 v58, v53  }
0x36: {  	v44 =	vld.idx.msk [tilespmem:v44+s3+$0x0], $0xffff;
	v52 =	vadd.f32 v59, v52;
	v59 =	vor.u32 s30, v13;
	v58 =	vand.u32 v2, v45  }
0x37: {  	v46 =	vor.u32 s30, v16;
	v59 =	vand.u32 v3, v59;
	v55 =	vld.idx.msk [tilespmem:v55+s3+$0x0], $0xffff;
	v53 =	vadd.f32 v60, v53  }
0x38: {  	v45 =	vor.u32 s30, v17;
	v54 =	vld.idx.msk [tilespmem:v54+s3+$0x0], $0xffff;
	v60 =	vand.u32 v6, v46;
	v52 =	vadd.f32 v61, v52  }
0x39: {  	v46 =	vor.u32 s30, v20;
	v61 =	vand.u32 v7, v45;
	v56 =	vld.idx.msk [tilespmem:v56+s3+$0x0], $0xffff;
	v51 =	vadd.f32 v51, v53  }
0x3a: {  	v45 =	vor.u32 s30, v21;
	v57 =	vld.idx.msk [tilespmem:v57+s3+$0x0], $0xffff;
	v50 =	vadd.f32 v50, v52;
	v53 =	vand.u32 v10, v46  }
0x3b: {  	v52 =	vand.u32 v11, v45;
	v46 =	vor.u32 s30, v25;
	v58 =	vld.idx.msk [tilespmem:v58+s3+$0x0], $0xffff;
	v49 =	vadd.f32 v49, v51  }
0x3c: {  	v51 =	vor.u32 s30, v24;
	v47 =	vadd.f32 v47, v50;
	v59 =	vld.idx.msk [tilespmem:v59+s3+$0x0], $0xffff;
	v50 =	vand.u32 v15, v46  }
0x3d: {  	v62 =	vadd.f32 v63, v62;
	v51 =	vand.u32 v14, v51;
	v54 =	vadd.f32 v54, v55;
	v55 =	vld.idx.msk [tilespmem:v60+s3+$0x0], $0xffff  }
0x3e: {  	v60 =	vor.u32 s30, v29;
	v61 =	vld.idx.msk [tilespmem:v61+s3+$0x0], $0xffff;
	v48 =	vadd.f32 v48, v49;
	v47 =	vadd.f32 v56, v47  }
0x3f: {  	v57 =	vadd.f32 v57, v62;
	v62 =	vor.u32 s30, v28;
	v44 =	vadd.f32 v44, v54;
	v53 =	vld.idx.msk [tilespmem:v53+s3+$0x0], $0xffff  }
0x40: {  	v63 =	vld.idx.msk [tilespmem:v52+s3+$0x0], $0xffff;
	v47 =	vadd.f32 v47, v48  }
0x41: {  	v57 =	vadd.f32 v58, v57;
	v44 =	vadd.f32 v59, v44;
	v58 =	vld.idx.msk [tilespmem:v50+s3+$0x0], $0xffff  }
0x42: {  	v51 =	vld.idx.msk [tilespmem:v51+s3+$0x0], $0xffff  }
0x43: {  	(xrf2) =	vadd.scan.msk.f32 $0xffff, v47;
	v59 =	vadd.f32 v55, v57;
	v49 =	vld.idx.msk [tilespmem:v60+s3+$0x0], $0xffff;
	v44 =	vadd.f32 v61, v44  }
0x44: {  	v60 =	vld.idx.msk [tilespmem:v62+s3+$0x0], $0xffff  }
0x45: {  	v50 =	vadd.f32 v53, v59;
	v44 =	vadd.f32 v63, v44;
	_ =	sdelay $0x1  }
0x46: {  	v61 =	vadd.f32 v51, v50;
	v44 =	vadd.f32 v58, v44;
	_ =	sdelay $0x1  }
0x47: {  	v62 =	vadd.f32 v60, v61;
	v44 =	vadd.f32 v49, v44;
	_ =	sdelay $0x1  }
0x48: {  	v44 =	vadd.f32 v44, v62;
	_ =	sdelay $0x1  }
0x49: {  	s31 =	simm.f32 $0.0e+00;
	v63, _, _ =	vpop (xrf2);
	(xrf2) =	vadd.scan.msk.f32 $0xffff, v44  }
0x4a: {  	s25 =	simm.s32 $0x2010;
	s26 =	simm.s32 $0x200;
	s24 =	simm.s32 $0x2010;
	v48 =	vadd.f32 s31, v63  }
.LBB2_3:
0x4b: {  	v6 =	vld [tilespmem:$0x1FF60]  }
0x4c: {  	v11 =	vld [tilespmem:$0x1FF70]  }
0x4d: {  	s28 =	smov.u32 s26  }
0x4e: {  	s29 =	sadd.s32 $0x100, s28  }
0x4f: {  	v3 =	vor.u32 s29, v9  }
0x50: {  	v3 =	vand.u32 v6, v3;
	v6 =	vor.u32 s29, v12  }
0x51: {  	v6 =	vand.u32 v11, v6;
	v11 =	vld [tilespmem:$0x1FF80]  }
0x52: {  	v44 =	vbroadcast v48, $0xF;
	v47 =	vor.u32 s28, v25;
	v49 =	vor.u32 s28, v28  }
0x53: {  	v58 =	vor.u32 s28, v24;
	v47 =	vand.u32 v37, v47;
	v50, _, _ =	vpop (xrf2)  }
0x54: {  	[tilespmem:s24+$0xFFFFFFF0] =	vst v48;
	v51 =	vor.u32 s28, v21;
	v48 =	vand.u32 v36, v58;
	v44 =	vadd.f32 v50, v44  }
0x55: {  	v18 =	vld [tilespmem:$0x1FFA0];
	v52 =	vor.u32 s28, v17;
	v51 =	vand.u32 v35, v51;
	v7 =	vor.u32 s29, v13  }
0x56: {  	v54 =	vor.u32 s28, v13;
	v52 =	vand.u32 v33, v52;
	[tilespmem:s24+$0x0] =	vst v44;
	v7 =	vand.u32 v11, v7;
	v11 =	vld [tilespmem:$0x1FF90]  }
0x57: {  	v56 =	vor.u32 s28, v12;
	v54 =	vand.u32 v31, v54;
	v49 =	vld.idx.msk [tilespmem:v49+s3+$0x0], $0xffff  }
0x58: {  	v53 =	vor.u32 s28, v5;
	v56 =	vand.u32 v30, v56;
	v47 =	vld.idx.msk [tilespmem:v47+s3+$0x0], $0xffff  }
0x59: {  	v55 =	vor.u32 s28, v0;
	v53 =	vand.u32 v23, v53;
	v48 =	vld.idx.msk [tilespmem:v48+s3+$0x0], $0xffff  }
0x5a: {  	v58 =	vor.u32 s28, v4;
	v55 =	vand.u32 v43, v55;
	v51 =	vld.idx.msk [tilespmem:v51+s3+$0x0], $0xffff  }
0x5b: {  	v57 =	vor.u32 s28, v1;
	v58 =	vand.u32 v22, v58;
	v52 =	vld.idx.msk [tilespmem:v52+s3+$0x0], $0xffff  }
0x5c: {  	v57 =	vand.u32 v19, v57;
	v62 =	vor.u32 s29, v0;
	v54 =	vld.idx.msk [tilespmem:v54+s3+$0x0], $0xffff  }
0x5d: {  	v46 =	vor.u32 s29, v4;
	v62 =	vand.u32 v38, v62;
	v56 =	vld.idx.msk [tilespmem:v56+s3+$0x0], $0xffff  }
0x5e: {  	v59 =	vor.u32 s28, v20;
	v45 =	vor.u32 s29, v5;
	v46 =	vand.u32 v40, v46;
	v53 =	vld.idx.msk [tilespmem:v53+s3+$0x0], $0xffff  }
0x5f: {  	v45 =	vand.u32 v42, v45;
	v50 =	vand.u32 v34, v59;
	v59 =	vor.u32 s28, v8;
	v55 =	vld.idx.msk [tilespmem:v55+s3+$0x0], $0xffff  }
0x60: {  	v60 =	vor.u32 s28, v16;
	v59 =	vand.u32 v26, v59;
	v58 =	vld.idx.msk [tilespmem:v58+s3+$0x0], $0xffff  }
0x61: {  	(v2sf) =	vpush v44, $0xF;
	v44 =	vand.u32 v32, v60;
	v60 =	vor.u32 s28, v9;
	v57 =	vld.idx.msk [tilespmem:v57+s3+$0x0], $0xffff  }
0x62: {  	v60 =	vand.u32 v27, v60;
	v62 =	vld.idx.msk [tilespmem:v62+s3+$0x0], $0xffff  }
0x63: {  	v2 =	vor.u32 s29, v8;
	v46 =	vld.idx.msk [tilespmem:v46+s3+$0x0], $0xffff  }
0x64: {  	v10 =	vor.u32 s29, v16;
	v2 =	vand.u32 v41, v2;
	v45 =	vld.idx.msk [tilespmem:v45+s3+$0x0], $0xffff  }
0x65: {  	v59 =	vld.idx.msk [tilespmem:v59+s3+$0x0], $0xffff;
	v10 =	vand.u32 v11, v10;
	v11 =	vor.u32 s29, v17  }
0x66: {  	v11 =	vand.u32 v18, v11;
	v18 =	vld [tilespmem:$0x1FFB0]  }
0x67: {  	v60 =	vld.idx.msk [tilespmem:v60+s3+$0x0], $0xffff  }
0x68: {  	v63 =	vor.u32 s29, v1;
	v53 =	vadd.f32 v53, v57;
	v57 =	vld [tilespmem:$0x1FFD0]  }
0x69: {  	v63 =	vand.u32 v39, v63;
	v2 =	vld.idx.msk [tilespmem:v2+s3+$0x0], $0xffff  }
0x6a: {  	v14 =	vor.u32 s29, v20;
	v44 =	vld.idx.msk [tilespmem:v44+s3+$0x0], $0xffff;
	v55 =	vadd.f32 v58, v55  }
0x6b: {  	v14 =	vand.u32 v18, v14;
	v18 =	vld [tilespmem:$0x1FFC0]  }
0x6c: {  	v61 =	vor.u32 s28, v29;
	v50 =	vld.idx.msk [tilespmem:v50+s3+$0x0], $0xffff;
	v58 =	vor.u32 s29, v24;
	v55 =	vadd.f32 v59, v55  }
0x6d: {  	v57 =	vand.u32 v57, v58;
	v58 =	vld [tilespmem:$0x1FFE0];
	v53 =	vadd.f32 v60, v53  }
0x6e: {  	v60 =	vld.idx.msk [tilespmem:v63+s3+$0x0], $0xffff;
	v55 =	vadd.f32 v56, v55  }
0x6f: {  	v15 =	vor.u32 s29, v21;
	v6 =	vld.idx.msk [tilespmem:v6+s3+$0x0], $0xffff;
	v53 =	vadd.f32 v54, v53  }
0x70: {  	v3 =	vld.idx.msk [tilespmem:v3+s3+$0x0], $0xffff;
	v46 =	vadd.f32 v46, v62;
	v44 =	vadd.f32 v44, v55;
	v15 =	vand.u32 v18, v15  }
0x71: {  	v61 =	vld.idx.msk [tilespmem:v61+s3+$0x0], $0xffff;
	v52 =	vadd.f32 v52, v53  }
0x72: {  	v7 =	vld.idx.msk [tilespmem:v7+s3+$0x0], $0xffff;
	v2 =	vadd.f32 v2, v46;
	v44 =	vadd.f32 v50, v44;
	v18 =	vor.u32 s29, v25  }
0x73: {  	v10 =	vld.idx.msk [tilespmem:v10+s3+$0x0], $0xffff;
	v45 =	vadd.f32 v45, v60;
	v18 =	vand.u32 v58, v18;
	v62 =	vadd.f32 v51, v52  }
0x74: {  	v59 =	vor.u32 s29, v29;
	v2 =	vadd.f32 v6, v2;
	v11 =	vld.idx.msk [tilespmem:v11+s3+$0x0], $0xffff;
	v44 =	vadd.f32 v48, v44  }
0x75: {  	v58 =	vor.u32 s29, v28;
	v3 =	vadd.f32 v3, v45;
	v6 =	vld.idx.msk [tilespmem:v15+s3+$0x0], $0xffff;
	v15 =	vadd.f32 v47, v62  }
0x76: {  	v14 =	vld.idx.msk [tilespmem:v14+s3+$0x0], $0xffff;
	v44 =	vadd.f32 v49, v44  }
0x77: {  	v63 =	vld.idx.msk [tilespmem:v57+s3+$0x0], $0xffff;
	v3 =	vadd.f32 v7, v3;
	v15 =	vadd.f32 v61, v15  }
0x78: {  	v2 =	vadd.f32 v10, v2;
	v10 =	vld.idx.msk [tilespmem:v18+s3+$0x0], $0xffff  }
0x79: {  	v7 =	vld.idx.msk [tilespmem:v59+s3+$0x0], $0xffff;
	v3 =	vadd.f32 v11, v3;
	v11 =	vadd.f32 v15, v44  }
0x7a: {  	v18 =	vld.idx.msk [tilespmem:v58+s3+$0x0], $0xffff  }
0x7b: {  	v2 =	vadd.f32 v14, v2;
	v3 =	vadd.f32 v6, v3;
	(xrf2) =	vadd.scan.msk.f32 $0xffff, v11;
	_ =	sdelay $0x1  }
0x7c: {  	v2 =	vadd.f32 v63, v2;
	v3 =	vadd.f32 v10, v3;
	_ =	sdelay $0x1  }
0x7d: {  	v2 =	vadd.f32 v18, v2;
	v3 =	vadd.f32 v7, v3;
	_ =	sdelay $0x1  }
0x7e: {  	p0 =	sne.s32 s26, $0xE00;
	v2 =	vadd.f32 v3, v2  }
.Ltmp0:
0x7f: {  	_ = 	snop;
	(pc) =	sbr.rel @p0 .LBB2_3-.Ltmp0, $3  }
0x80: {  	_ =	sdelay $0x1  }
0x81: {  	s25 =	sadd.s32 $0x20, s25;
	s31 =	spop (v2sf);
	(xrf2) =	vadd.scan.msk.f32 $0xffff, v2;
	v2, _, _ =	vpop (xrf2)  }
0x82: {  	s26 =	sadd.s32 $0x200, s26;
	s24 =	smov.u32 s25;
	v48 =	vadd.f32 s31, v2  }
0x83: {  	_ =	sdelay $0x6  }
0x84: {  	v2 =	vbroadcast v48, $0xF  }
0x85: {  	v3, _, _ =	vpop (xrf2)  }
0x86: {  	v51 =	vimm.s32 $0x7F;
	v47 =	vadd.f32 v3, v2  }
0x87: {  	[tilespmem:s24+$0xFFFFFFF0] =	vst v48  }
0x88: {  	s25 =	sshll.u32 s21, $0x8;
	[tilespmem:s24+$0x0] =	vst v47  }
0x89: {  	v2 =	vld [tilespmem:s25+$0x2100];
	_ =	sdelay $0x1  }
0x8a: {  	v3 =	vld.idx.msk [tilespmem:v51+s17+$0x0], $0xffff  }
0x8b: {  	v62 =	vbroadcast v47, $0xF;
	_ =	sdelay $0x1  }
0x8c: {  	v49 =	vmul.f32 v2, v62;
	_ =	sdelay $0x1  }
0x8d: {  	v52 =	vimm.s32 $0x0;
	vm0 =	vlt.f32 v3, v49  }
0x8e: {  	v2 =	vsel vm0, $0x80, v52  }
0x8f: {  	v3 =	vor.u32 $0x3F, v2;
	_ =	sdelay $0x4  }
0x90: {  	v3 =	vld.idx.msk [tilespmem:v3+s17+$0x0], $0xffff;
	_ =	sdelay $0x4  }
0x91: {  	v6 =	vor.u32 $0x40, v2;
	vm13 =	vlt.f32 v3, v49  }
0x92: {  	v3 =	vsel vm13, v6, v2  }
0x93: {  	v6 =	vand.u32 $0x40, v3  }
0x94: {  	v2 =	vor.u32 v6, v2  }
0x95: {  	v2 =	vor.u32 $0x1F, v2;
	_ =	sdelay $0x4  }
0x96: {  	v2 =	vld.idx.msk [tilespmem:v2+s17+$0x0], $0xffff;
	_ =	sdelay $0x4  }
0x97: {  	v6 =	vor.u32 $0x20, v3;
	vm14 =	vlt.f32 v2, v49  }
0x98: {  	v2 =	vsel vm14, v6, v3  }
0x99: {  	v3 =	vor.u32 $0xF, v2;
	_ =	sdelay $0x4  }
0x9a: {  	v3 =	vld.idx.msk [tilespmem:v3+s17+$0x0], $0xffff;
	_ =	sdelay $0x4  }
0x9b: {  	v6 =	vor.u32 $0x10, v2;
	vm15 =	vlt.f32 v3, v49  }
0x9c: {  	v2 =	vsel vm15, v6, v2  }
0x9d: {  	v3 =	vadd.s32 $0x7, v2;
	_ =	sdelay $0x4  }
0x9e: {  	v3 =	vld.idx.msk [tilespmem:v3+s17+$0x0], $0xffff;
	_ =	sdelay $0x4  }
0x9f: {  	v6 =	vadd.s32 $0x8, v2;
	vm4 =	vlt.f32 v3, v49  }
0xa0: {  	v2 =	vsel vm4, v6, v2  }
0xa1: {  	v3 =	vadd.s32 $0x3, v2;
	_ =	sdelay $0x4  }
0xa2: {  	v3 =	vld.idx.msk [tilespmem:v3+s17+$0x0], $0xffff;
	_ =	sdelay $0x4  }
0xa3: {  	v6 =	vadd.s32 $0x4, v2;
	vm5 =	vlt.f32 v3, v49  }
0xa4: {  	v2 =	vsel vm5, v6, v2  }
0xa5: {  	v3 =	vadd.s32 $0x1, v2;
	_ =	sdelay $0x4  }
0xa6: {  	v3 =	vld.idx.msk [tilespmem:v3+s17+$0x0], $0xffff;
	_ =	sdelay $0x4  }
0xa7: {  	v6 =	vadd.s32 $0x2, v2;
	vm6 =	vlt.f32 v3, v49  }
0xa8: {  	v2 =	vsel vm6, v6, v2;
	_ =	sdelay $0x4  }
0xa9: {  	v3 =	vld.idx.msk [tilespmem:v2+s17+$0x0], $0xffff;
	_ =	sdelay $0x4  }
0xaa: {  	vm7 =	vlt.f32 v3, v49  }
0xab: {  	v3 =	vsel vm7, $0x1, v52  }
0xac: {  	v2 =	vadd.s32 v3, v2  }
0xad: {  	v53 =	vimm.s32 $0x1;
	v3 =	vmax.u32 v2, $0x1  }
0xae: {  	v3 =	vsub.s32 v3, v53  }
0xaf: {  	v6 =	vshll.u32 v2, $0x4;
	_ =	sdelay $0x1  }
0xb0: {  	v7 =	vor.u32 $0x1, v6;
	_ =	sdelay $0x1  }
0xb1: {  	s29 =	simm.s32 $0x0;
	v10 =	vor.u32 $0x2, v6;
	v3 =	vld.idx.msk [tilespmem:v3+s17+$0x0], $0xffff  }
0xb2: {  	v11 =	vld.idx.msk [tilespmem:v6+s29+$0x0], $0xffff  }
0xb3: {  	v14 =	vor.u32 $0x3, v6  }
0xb4: {  	v7 =	vld.idx.msk [tilespmem:v7+s29+$0x0], $0xffff  }
0xb5: {  	vm8 =	veq.s32 v2, $0x0;
	v2 =	vor.u32 $0x4, v6  }
0xb6: {  	v10 =	vld.idx.msk [tilespmem:v10+s29+$0x0], $0xffff;
	v3 =	vsel vm8, $0x0, v3  }
0xb7: {  	v3 =	vadd.f32 v3, v11;
	v11 =	vor.u32 $0x5, v6  }
0xb8: {  	v14 =	vld.idx.msk [tilespmem:v14+s29+$0x0], $0xffff  }
0xb9: {  	v15 =	vor.u32 $0x6, v6;
	v7 =	vadd.f32 v3, v7  }
0xba: {  	v2 =	vld.idx.msk [tilespmem:v2+s29+$0x0], $0xffff  }
0xbb: {  	v18 =	vor.u32 $0x7, v6;
	v10 =	vadd.f32 v7, v10  }
0xbc: {  	v11 =	vld.idx.msk [tilespmem:v11+s29+$0x0], $0xffff  }
0xbd: {  	v44 =	vor.u32 $0x8, v6;
	v14 =	vadd.f32 v10, v14  }
0xbe: {  	v15 =	vld.idx.msk [tilespmem:v15+s29+$0x0], $0xffff  }
0xbf: {  	v45 =	vor.u32 $0x9, v6;
	v2 =	vadd.f32 v14, v2  }
0xc0: {  	vm9 =	vlt.f32 v3, v49;
	v3 =	vld.idx.msk [tilespmem:v18+s29+$0x0], $0xffff  }
0xc1: {  	v46 =	vor.u32 $0xA, v6;
	v11 =	vadd.f32 v2, v11  }
0xc2: {  	vm10 =	vlt.f32 v7, v49;
	v7 =	vld.idx.msk [tilespmem:v44+s29+$0x0], $0xffff  }
0xc3: {  	v50 =	vor.u32 $0xB, v6;
	v15 =	vadd.f32 v11, v15  }
0xc4: {  	v55 =	vor.u32 $0xC, v6;
	vm11 =	vlt.f32 v10, v49;
	v10 =	vld.idx.msk [tilespmem:v45+s29+$0x0], $0xffff  }
0xc5: {  	v57 =	vor.u32 $0xD, v6;
	v18 =	vsel vm9, $0x1, v52;
	v3 =	vadd.f32 v15, v3  }
0xc6: {  	v59 =	vor.u32 $0xE, v6;
	v18 =	vor.u32 v18, v6;
	vm12 =	vlt.f32 v14, v49;
	v14 =	vld.idx.msk [tilespmem:v46+s29+$0x0], $0xffff  }
0xc7: {  	v6 =	vor.u32 $0xF, v6;
	v63 =	vsel vm10, $0x1, v52;
	v7 =	vadd.f32 v3, v7  }
0xc8: {  	v18 =	vadd.s32 v63, v18;
	v54 =	vsel vm11, $0x1, v52;
	vm13 =	vlt.f32 v2, v49;
	v2 =	vld.idx.msk [tilespmem:v50+s29+$0x0], $0xffff  }
0xc9: {  	v18 =	vadd.s32 v54, v18;
	v56 =	vsel vm12, $0x1, v52;
	v10 =	vadd.f32 v7, v10  }
0xca: {  	v18 =	vadd.s32 v56, v18;
	v58 =	vsel vm13, $0x1, v52;
	vm14 =	vlt.f32 v11, v49;
	v11 =	vld.idx.msk [tilespmem:v55+s29+$0x0], $0xffff  }
0xcb: {  	v18 =	vadd.s32 v58, v18;
	v60 =	vsel vm14, $0x1, v52;
	v14 =	vadd.f32 v10, v14  }
0xcc: {  	v18 =	vadd.s32 v60, v18;
	vm15 =	vlt.f32 v15, v49;
	v15 =	vld.idx.msk [tilespmem:v57+s29+$0x0], $0xffff  }
0xcd: {  	v61 =	vsel vm15, $0x1, v52;
	vm4 =	vlt.f32 v3, v49;
	v2 =	vadd.f32 v14, v2  }
0xce: {  	v3 =	vadd.s32 v61, v18;
	v18 =	vsel vm4, $0x1, v52;
	vm5 =	vlt.f32 v7, v49;
	v7 =	vld.idx.msk [tilespmem:v59+s29+$0x0], $0xffff  }
0xcf: {  	v3 =	vadd.s32 v18, v3;
	v18 =	vsel vm5, $0x1, v52;
	v11 =	vadd.f32 v2, v11  }
0xd0: {  	v6 =	vld.idx.msk [tilespmem:v6+s29+$0x0], $0xffff;
	v3 =	vadd.s32 v18, v3;
	vm6 =	vlt.f32 v10, v49  }
0xd1: {  	v10 =	vsel vm6, $0x1, v52;
	vm7 =	vlt.f32 v14, v49;
	v14 =	vadd.f32 v11, v15  }
0xd2: {  	v3 =	vadd.s32 v10, v3;
	v10 =	vsel vm7, $0x1, v52;
	vm8 =	vlt.f32 v2, v49  }
0xd3: {  	v2 =	vadd.s32 v10, v3;
	v3 =	vsel vm8, $0x1, v52;
	v7 =	vadd.f32 v14, v7  }
0xd4: {  	v2 =	vadd.s32 v3, v2;
	vm9 =	vlt.f32 v11, v49  }
0xd5: {  	v3 =	vld [tilespmem:s25+$0x4100];
	v10 =	vsel vm9, $0x1, v52;
	vm10 =	vlt.f32 v14, v49;
	v6 =	vadd.f32 v7, v6  }
0xd6: {  	v2 =	vadd.s32 v10, v2;
	v10 =	vsel vm10, $0x1, v52;
	vm11 =	vlt.f32 v7, v49  }
0xd7: {  	v2 =	vadd.s32 v10, v2;
	v7 =	vsel vm11, $0x1, v52;
	vm12 =	vlt.f32 v6, v49  }
0xd8: {  	v2 =	vadd.s32 v7, v2;
	v6 =	vsel vm12, $0x1, v52  }
0xd9: {  	v2 =	vadd.s32 v6, v2  }
0xda: {  	vm13 =	vgt.s32 v3, $0x0;
	v2 =	vmin.u32 v2, $0xFFF  }
0xdb: {  	v3 =	vld [tilespmem:s25+$0x2110];
	v2 =	vnsel vm13, $0xFFFFFFFF, v2  }
0xdc: {  	[tilespmem:s25+$0x6100] =	vst v2  }
0xdd: {  	v2 =	vld.idx.msk [tilespmem:v51+s17+$0x0], $0xffff;
	_ =	sdelay $0x2  }
0xde: {  	v48 =	vmul.f32 v3, v62;
	_ =	sdelay $0x1  }
0xdf: {  	vm14 =	vlt.f32 v2, v48  }
0xe0: {  	v2 =	vsel vm14, $0x80, v52  }
0xe1: {  	v3 =	vor.u32 $0x3F, v2;
	_ =	sdelay $0x4  }
0xe2: {  	v3 =	vld.idx.msk [tilespmem:v3+s17+$0x0], $0xffff;
	_ =	sdelay $0x4  }
0xe3: {  	v6 =	vor.u32 $0x40, v2;
	vm15 =	vlt.f32 v3, v48  }
0xe4: {  	v3 =	vsel vm15, v6, v2  }
0xe5: {  	v6 =	vand.u32 $0x40, v3  }
0xe6: {  	v2 =	vor.u32 v6, v2  }
0xe7: {  	v2 =	vor.u32 $0x1F, v2;
	_ =	sdelay $0x4  }
0xe8: {  	v2 =	vld.idx.msk [tilespmem:v2+s17+$0x0], $0xffff;
	_ =	sdelay $0x4  }
0xe9: {  	v6 =	vor.u32 $0x20, v3;
	vm4 =	vlt.f32 v2, v48  }
0xea: {  	v2 =	vsel vm4, v6, v3  }
0xeb: {  	v3 =	vor.u32 $0xF, v2;
	_ =	sdelay $0x4  }
0xec: {  	v3 =	vld.idx.msk [tilespmem:v3+s17+$0x0], $0xffff;
	_ =	sdelay $0x4  }
0xed: {  	v6 =	vor.u32 $0x10, v2;
	vm5 =	vlt.f32 v3, v48  }
0xee: {  	v2 =	vsel vm5, v6, v2  }
0xef: {  	v3 =	vadd.s32 $0x7, v2;
	_ =	sdelay $0x4  }
0xf0: {  	v3 =	vld.idx.msk [tilespmem:v3+s17+$0x0], $0xffff;
	_ =	sdelay $0x4  }
0xf1: {  	v6 =	vadd.s32 $0x8, v2;
	vm6 =	vlt.f32 v3, v48  }
0xf2: {  	v2 =	vsel vm6, v6, v2  }
0xf3: {  	v3 =	vadd.s32 $0x3, v2;
	_ =	sdelay $0x4  }
0xf4: {  	v3 =	vld.idx.msk [tilespmem:v3+s17+$0x0], $0xffff;
	_ =	sdelay $0x4  }
0xf5: {  	v6 =	vadd.s32 $0x4, v2;
	vm7 =	vlt.f32 v3, v48  }
0xf6: {  	v2 =	vsel vm7, v6, v2  }
0xf7: {  	v3 =	vadd.s32 $0x1, v2;
	_ =	sdelay $0x4  }
0xf8: {  	v3 =	vld.idx.msk [tilespmem:v3+s17+$0x0], $0xffff;
	_ =	sdelay $0x4  }
0xf9: {  	v6 =	vadd.s32 $0x2, v2;
	vm8 =	vlt.f32 v3, v48  }
0xfa: {  	v2 =	vsel vm8, v6, v2;
	_ =	sdelay $0x4  }
0xfb: {  	v3 =	vld.idx.msk [tilespmem:v2+s17+$0x0], $0xffff;
	_ =	sdelay $0x4  }
0xfc: {  	vm9 =	vlt.f32 v3, v48  }
0xfd: {  	v3 =	vsel vm9, $0x1, v52  }
0xfe: {  	v2 =	vadd.s32 v3, v2  }
0xff: {  	v3 =	vmax.u32 v2, $0x1  }
0x100: {  	v3 =	vsub.s32 v3, v53  }
0x101: {  	v6 =	vshll.u32 v2, $0x4;
	_ =	sdelay $0x1  }
0x102: {  	v7 =	vor.u32 $0x1, v6;
	_ =	sdelay $0x1  }
0x103: {  	v10 =	vor.u32 $0x2, v6;
	v3 =	vld.idx.msk [tilespmem:v3+s17+$0x0], $0xffff  }
0x104: {  	v11 =	vld.idx.msk [tilespmem:v6+s29+$0x0], $0xffff  }
0x105: {  	v14 =	vor.u32 $0x3, v6  }
0x106: {  	v7 =	vld.idx.msk [tilespmem:v7+s29+$0x0], $0xffff  }
0x107: {  	vm10 =	veq.s32 v2, $0x0;
	v2 =	vor.u32 $0x4, v6  }
0x108: {  	v10 =	vld.idx.msk [tilespmem:v10+s29+$0x0], $0xffff;
	v3 =	vsel vm10, $0x0, v3  }
0x109: {  	v3 =	vadd.f32 v3, v11;
	v11 =	vor.u32 $0x5, v6  }
0x10a: {  	v14 =	vld.idx.msk [tilespmem:v14+s29+$0x0], $0xffff  }
0x10b: {  	v15 =	vor.u32 $0x6, v6;
	v7 =	vadd.f32 v3, v7  }
0x10c: {  	v2 =	vld.idx.msk [tilespmem:v2+s29+$0x0], $0xffff  }
0x10d: {  	v18 =	vor.u32 $0x7, v6;
	v10 =	vadd.f32 v7, v10  }
0x10e: {  	v11 =	vld.idx.msk [tilespmem:v11+s29+$0x0], $0xffff  }
0x10f: {  	v62 =	vor.u32 $0x8, v6;
	v14 =	vadd.f32 v10, v14  }
0x110: {  	v15 =	vld.idx.msk [tilespmem:v15+s29+$0x0], $0xffff  }
0x111: {  	v63 =	vor.u32 $0x9, v6;
	v2 =	vadd.f32 v14, v2  }
0x112: {  	vm11 =	vlt.f32 v3, v48;
	v3 =	vld.idx.msk [tilespmem:v18+s29+$0x0], $0xffff  }
0x113: {  	v53 =	vor.u32 $0xA, v6;
	v11 =	vadd.f32 v2, v11  }
0x114: {  	vm12 =	vlt.f32 v7, v48;
	v7 =	vld.idx.msk [tilespmem:v62+s29+$0x0], $0xffff  }
0x115: {  	v55 =	vor.u32 $0xB, v6;
	v15 =	vadd.f32 v11, v15  }
0x116: {  	v57 =	vor.u32 $0xC, v6;
	vm13 =	vlt.f32 v10, v48;
	v10 =	vld.idx.msk [tilespmem:v63+s29+$0x0], $0xffff  }
0x117: {  	v59 =	vor.u32 $0xD, v6;
	v18 =	vsel vm11, $0x1, v52;
	v3 =	vadd.f32 v15, v3  }
0x118: {  	v61 =	vor.u32 $0xE, v6;
	v18 =	vor.u32 v18, v6;
	vm14 =	vlt.f32 v14, v48;
	v14 =	vld.idx.msk [tilespmem:v53+s29+$0x0], $0xffff  }
0x119: {  	v6 =	vor.u32 $0xF, v6;
	v54 =	vsel vm12, $0x1, v52;
	v7 =	vadd.f32 v3, v7  }
0x11a: {  	v18 =	vadd.s32 v54, v18;
	v56 =	vsel vm13, $0x1, v52;
	vm15 =	vlt.f32 v2, v48;
	v2 =	vld.idx.msk [tilespmem:v55+s29+$0x0], $0xffff  }
0x11b: {  	v18 =	vadd.s32 v56, v18;
	v58 =	vsel vm14, $0x1, v52;
	v10 =	vadd.f32 v7, v10  }
0x11c: {  	v18 =	vadd.s32 v58, v18;
	v60 =	vsel vm15, $0x1, v52;
	vm4 =	vlt.f32 v11, v48;
	v11 =	vld.idx.msk [tilespmem:v57+s29+$0x0], $0xffff  }
0x11d: {  	v18 =	vadd.s32 v60, v18;
	v62 =	vsel vm4, $0x1, v52;
	v14 =	vadd.f32 v10, v14  }
0x11e: {  	(v2sf) =	vpush v47, $0xF;
	v18 =	vadd.s32 v62, v18;
	vm5 =	vlt.f32 v15, v48;
	v15 =	vld.idx.msk [tilespmem:v59+s29+$0x0], $0xffff  }
0x11f: {  	v63 =	vsel vm5, $0x1, v52;
	vm6 =	vlt.f32 v3, v48;
	v2 =	vadd.f32 v14, v2  }
0x120: {  	v3 =	vadd.s32 v63, v18;
	v18 =	vsel vm6, $0x1, v52;
	vm7 =	vlt.f32 v7, v48;
	v7 =	vld.idx.msk [tilespmem:v61+s29+$0x0], $0xffff  }
0x121: {  	v3 =	vadd.s32 v18, v3;
	v18 =	vsel vm7, $0x1, v52;
	v11 =	vadd.f32 v2, v11  }
0x122: {  	v6 =	vld.idx.msk [tilespmem:v6+s29+$0x0], $0xffff;
	v3 =	vadd.s32 v18, v3;
	vm8 =	vlt.f32 v10, v48  }
0x123: {  	v10 =	vsel vm8, $0x1, v52;
	vm9 =	vlt.f32 v14, v48;
	v14 =	vadd.f32 v11, v15  }
0x124: {  	v3 =	vadd.s32 v10, v3;
	v10 =	vsel vm9, $0x1, v52;
	vm10 =	vlt.f32 v2, v48  }
0x125: {  	v2 =	vadd.s32 v10, v3;
	v3 =	vsel vm10, $0x1, v52;
	v7 =	vadd.f32 v14, v7  }
0x126: {  	v2 =	vadd.s32 v3, v2;
	vm11 =	vlt.f32 v11, v48  }
0x127: {  	v3 =	vld [tilespmem:s25+$0x4110];
	v10 =	vsel vm11, $0x1, v52;
	vm12 =	vlt.f32 v14, v48;
	v6 =	vadd.f32 v7, v6  }
0x128: {  	v2 =	vadd.s32 v10, v2;
	v10 =	vsel vm12, $0x1, v52;
	vm13 =	vlt.f32 v7, v48  }
0x129: {  	s23 =	smin.u32 s23, $0x3D;
	v2 =	vadd.s32 v10, v2;
	v7 =	vsel vm13, $0x1, v52;
	vm14 =	vlt.f32 v6, v48  }
0x12a: {  	s23 =	sadd.s32 $0x2, s23;
	v2 =	vadd.s32 v7, v2;
	v6 =	vsel vm14, $0x1, v52  }
0x12b: {  	s26 =	sadd.s32 s4, s23;
	s23 =	sshll.u32 s23, $0x4;
	v2 =	vadd.s32 v6, v2  }
0x12c: {  	s26 =	sshll.u32 s26, $0x9;
	s23 =	sand.u32 $0x70, s23;
	vm15 =	vgt.s32 v3, $0x0;
	v2 =	vmin.u32 v2, $0xFFF  }
0x12d: {  	s26 =	sand.u32 $0x1FF000, s26;
	s23 =	sadd.s32 s1, s23;
	v2 =	vnsel vm15, $0xFFFFFFFF, v2  }
0x12e: {  	s23 =	sadd.s32 s26, s23;
	s28 =	spop (v2sf);
	[tilespmem:s25+$0x6110] =	vst v2  }
0x12f: {  	v50 =	vor.u32 s29, v9;
	v3 =	vor.u32 s29, v28;
	v6 =	vor.u32 s29, v24;
	[tilespmem:s29], [sflag:$0x1] =	stream.strided.gather [hbm4b:s23+s13], $0x1000, s14, s13, $0x38;
	[tilespmem:$0x8100] =	vst v63  }
0x130: {  	v14 =	vor.u32 s29, v0;
	v7 =	vor.u32 s29, v21;
	v6 =	vand.u32 v36, v6;
	_ =	swait.ge [sflag:s18], $0x1000  }
0x131: {  	s30 =	simm.s32 $0x100;
	v55 =	vmovc v43;
	v14 =	vand.u32 v43, v14;
	v10 =	vor.u32 s29, v20;
	v7 =	vand.u32 v35, v7;
	v43 =	vld [tilespmem:$0x1FF60]  }
0x132: {  	v56 =	vor.u32 s30, v0;
	v11 =	vor.u32 s29, v5;
	v10 =	vand.u32 v34, v10;
	[sflag:s18] =	ssyncset.done $0x0;
	v62 =	vld [tilespmem:$0x1FF70]  }
0x133: {  	v45 =	vand.u32 v27, v50;
	v50 =	vand.u32 v38, v56;
	v11 =	vand.u32 v23, v11;
	v56 =	vld [tilespmem:$0x1FF90];
	[sflag:s18] =	ssyncadd.s32 $0xFFFFF000  }
0x134: {  	v15 =	vor.u32 s29, v4;
	v3 =	vld.idx.msk [tilespmem:v3+s15+$0x0], $0xffff  }
0x135: {  	v18 =	vor.u32 s29, v1;
	v15 =	vand.u32 v22, v15;
	v6 =	vld.idx.msk [tilespmem:v6+s15+$0x0], $0xffff  }
0x136: {  	v49 =	vor.u32 s29, v8;
	v18 =	vand.u32 v19, v18;
	v7 =	vld.idx.msk [tilespmem:v7+s15+$0x0], $0xffff  }
0x137: {  	v44 =	vand.u32 v26, v49;
	v10 =	vld.idx.msk [tilespmem:v10+s15+$0x0], $0xffff  }
0x138: {  	v51 =	vor.u32 s29, v12;
	v11 =	vld.idx.msk [tilespmem:v11+s15+$0x0], $0xffff  }
0x139: {  	v46 =	vand.u32 v30, v51;
	v52 =	vor.u32 s29, v13;
	v14 =	vld.idx.msk [tilespmem:v14+s15+$0x0], $0xffff  }
0x13a: {  	v53 =	vor.u32 s29, v16;
	v47 =	vand.u32 v31, v52;
	v15 =	vld.idx.msk [tilespmem:v15+s15+$0x0], $0xffff  }
0x13b: {  	v54 =	vor.u32 s29, v17;
	v48 =	vand.u32 v32, v53;
	v18 =	vld.idx.msk [tilespmem:v18+s15+$0x0], $0xffff  }
0x13c: {  	v49 =	vand.u32 v33, v54;
	v44 =	vld.idx.msk [tilespmem:v44+s15+$0x0], $0xffff  }
0x13d: {  	v57 =	vor.u32 s30, v4;
	v45 =	vld.idx.msk [tilespmem:v45+s15+$0x0], $0xffff  }
0x13e: {  	v51 =	vand.u32 v40, v57;
	v2 =	vor.u32 s29, v25;
	v46 =	vld.idx.msk [tilespmem:v46+s15+$0x0], $0xffff  }
0x13f: {  	v2 =	vand.u32 v37, v2;
	v47 =	vld.idx.msk [tilespmem:v47+s15+$0x0], $0xffff  }
0x140: {  	v48 =	vld.idx.msk [tilespmem:v48+s15+$0x0], $0xffff  }
0x141: {  	v49 =	vld.idx.msk [tilespmem:v49+s15+$0x0], $0xffff;
	v14 =	vadd.f32 v15, v14;
	v15 =	vor.u32 s30, v5  }
0x142: {  	v50 =	vld.idx.msk [tilespmem:v50+s15+$0x0], $0xffff;
	v11 =	vadd.f32 v11, v18;
	v18 =	vor.u32 s30, v1;
	v15 =	vand.u32 v42, v15  }
0x143: {  	v51 =	vld.idx.msk [tilespmem:v51+s15+$0x0], $0xffff;
	v18 =	vand.u32 v39, v18  }
0x144: {  	v58 =	vor.u32 s30, v9;
	v2 =	vld.idx.msk [tilespmem:v2+s15+$0x0], $0xffff  }
0x145: {  	v59 =	vor.u32 s30, v8;
	v52 =	vand.u32 v43, v58;
	v58 =	vld [tilespmem:$0x1FFA0]  }
0x146: {  	v11 =	vadd.f32 v45, v11;
	v45 =	vand.u32 v41, v59;
	v41 =	vld [tilespmem:$0x1FF80]  }
0x147: {  	v15 =	vld.idx.msk [tilespmem:v15+s15+$0x0], $0xffff  }
0x148: {  	v14 =	vadd.f32 v44, v14;
	v18 =	vld.idx.msk [tilespmem:v18+s15+$0x0], $0xffff  }
0x149: {  	v44 =	vor.u32 s29, v29;
	v59 =	vld [tilespmem:$0x1FFB0]  }
0x14a: {  	v60 =	vor.u32 s30, v12;
	v57 =	vor.u32 s30, v17;
	v52 =	vld.idx.msk [tilespmem:v52+s15+$0x0], $0xffff;
	v14 =	vadd.f32 v46, v14  }
0x14b: {  	v61 =	vor.u32 s30, v13;
	v11 =	vadd.f32 v47, v11;
	v46 =	vand.u32 v62, v60;
	v60 =	vld [tilespmem:$0x1FFC0]  }
0x14c: {  	v63 =	vor.u32 s30, v16;
	v14 =	vadd.f32 v48, v14;
	v47 =	vand.u32 v41, v61;
	v61 =	vld [tilespmem:$0x1FFD0]  }
0x14d: {  	v11 =	vadd.f32 v49, v11;
	v49 =	vand.u32 v58, v57;
	v15 =	vadd.f32 v15, v18;
	v18 =	vld [tilespmem:$0x1FFE0]  }
0x14e: {  	v48 =	vand.u32 v56, v63;
	v44 =	vld.idx.msk [tilespmem:v44+s15+$0x0], $0xffff;
	v10 =	vadd.f32 v10, v14;
	v14 =	vor.u32 s30, v20  }
0x14f: {  	v45 =	vld.idx.msk [tilespmem:v45+s15+$0x0], $0xffff;
	v7 =	vadd.f32 v7, v11;
	v11 =	vor.u32 s30, v21;
	v14 =	vand.u32 v59, v14  }
0x150: {  	v11 =	vand.u32 v60, v11;
	v46 =	vld.idx.msk [tilespmem:v46+s15+$0x0], $0xffff;
	v6 =	vadd.f32 v6, v10;
	v10 =	vor.u32 s30, v24  }
0x151: {  	v2 =	vadd.f32 v2, v7;
	v7 =	vor.u32 s30, v25;
	v10 =	vand.u32 v61, v10;
	v47 =	vld.idx.msk [tilespmem:v47+s15+$0x0], $0xffff  }
0x152: {  	v50 =	vadd.f32 v51, v50;
	v62 =	vld.idx.msk [tilespmem:v49+s15+$0x0], $0xffff;
	v7 =	vand.u32 v18, v7  }
0x153: {  	v3 =	vadd.f32 v3, v6;
	v2 =	vadd.f32 v44, v2;
	v6 =	vor.u32 s30, v29;
	v18 =	vld.idx.msk [tilespmem:v48+s15+$0x0], $0xffff  }
0x154: {  	v63 =	vor.u32 s30, v28;
	v45 =	vadd.f32 v45, v50;
	v15 =	vadd.f32 v52, v15;
	v14 =	vld.idx.msk [tilespmem:v14+s15+$0x0], $0xffff  }
0x155: {  	v2 =	vadd.f32 v2, v3;
	v3 =	vld.idx.msk [tilespmem:v11+s15+$0x0], $0xffff  }
0x156: {  	v11 =	vadd.f32 v46, v45;
	v15 =	vadd.f32 v47, v15;
	v10 =	vld.idx.msk [tilespmem:v10+s15+$0x0], $0xffff  }
0x157: {  	(xrf2) =	vadd.scan.msk.f32 $0xffff, v2;
	v2 =	vld.idx.msk [tilespmem:v7+s15+$0x0], $0xffff  }
0x158: {  	v6 =	vld.idx.msk [tilespmem:v6+s15+$0x0], $0xffff;
	v7 =	vadd.f32 v18, v11;
	v11 =	vadd.f32 v62, v15  }
0x159: {  	v15 =	vld.idx.msk [tilespmem:v63+s15+$0x0], $0xffff  }
0x15a: {  	v7 =	vadd.f32 v14, v7;
	v3 =	vadd.f32 v3, v11;
	_ =	sdelay $0x1  }
0x15b: {  	v7 =	vadd.f32 v10, v7;
	v2 =	vadd.f32 v2, v3;
	_ =	sdelay $0x1  }
0x15c: {  	v3 =	vadd.f32 v15, v7;
	v2 =	vadd.f32 v6, v2;
	_ =	sdelay $0x1  }
0x15d: {  	v2 =	vadd.f32 v2, v3;
	_ =	sdelay $0x1  }
0x15e: {  	s31 =	simm.f32 $0.0e+00;
	v3, _, _ =	vpop (xrf2);
	(xrf2) =	vadd.scan.msk.f32 $0xffff, v2  }
0x15f: {  	s24 =	simm.s32 $0x2010;
	s25 =	simm.s32 $0x200;
	s23 =	simm.s32 $0x2010;
	v48 =	vadd.f32 s31, v3  }
.LBB2_5:
0x160: {  	_ =	sdelay $0x3  }
0x161: {  	s26 =	smov.u32 s25  }
0x162: {  	v2 =	vbroadcast v48, $0xF;
	v3 =	vor.u32 s26, v25;
	v6 =	vor.u32 s26, v28  }
0x163: {  	v7 =	vor.u32 s26, v24;
	v11 =	vor.u32 s26, v21;
	v14 =	vor.u32 s26, v17  }
0x164: {  	v15 =	vor.u32 s26, v5;
	v18 =	vor.u32 s26, v13;
	v44 =	vor.u32 s26, v0  }
0x165: {  	v45 =	vor.u32 s26, v12;
	v46 =	vor.u32 s26, v1;
	v3 =	vand.u32 v37, v3;
	v10, _, _ =	vpop (xrf2)  }
0x166: {  	v47 =	vor.u32 s26, v4;
	v7 =	vand.u32 v36, v7;
	v2 =	vadd.f32 v10, v2  }
0x167: {  	v57 =	vld [tilespmem:$0x1FFF0];
	[tilespmem:s23+$0xFFFFFFF0] =	vst v48;
	v62 =	vor.u32 s26, v8;
	v49 =	vor.u32 s26, v9;
	v11 =	vand.u32 v35, v11  }
0x168: {  	v60 =	vld [tilespmem:$0x1FF70];
	v14 =	vand.u32 v33, v14;
	v18 =	vand.u32 v31, v18;
	v45 =	vand.u32 v30, v45;
	[tilespmem:s23+$0x0] =	vst v2  }
0x169: {  	v46 =	vand.u32 v19, v46;
	v47 =	vand.u32 v22, v47;
	v15 =	vand.u32 v23, v15;
	v6 =	vld.idx.msk [tilespmem:v6+s15+$0x0], $0xffff  }
0x16a: {  	s28 =	sadd.s32 $0x100, s26;
	v44 =	vand.u32 v55, v44;
	v48 =	vand.u32 v26, v62;
	v49 =	vand.u32 v27, v49;
	v3 =	vld.idx.msk [tilespmem:v3+s15+$0x0], $0xffff  }
0x16b: {  	v51 =	vor.u32 s28, v0;
	v52 =	vor.u32 s28, v1;
	v53 =	vor.u32 s28, v4;
	v7 =	vld.idx.msk [tilespmem:v7+s15+$0x0], $0xffff  }
0x16c: {  	v41 =	vmovc v40;
	v63 =	vor.u32 s28, v8;
	v51 =	vand.u32 v38, v51;
	v52 =	vand.u32 v39, v52;
	v11 =	vld.idx.msk [tilespmem:v11+s15+$0x0], $0xffff  }
0x16d: {  	v53 =	vand.u32 v40, v53;
	v40 =	vmovc v39;
	v39 =	vmovc v38;
	v38 =	vmov v37;
	v37 =	vmov v36;
	v14 =	vld.idx.msk [tilespmem:v14+s15+$0x0], $0xffff  }
0x16e: {  	v36 =	vmovc v35;
	v35 =	vmovc v34;
	v10 =	vor.u32 s26, v20;
	(v2sf) =	vpush v2, $0xF;
	v2 =	vor.u32 s26, v16;
	v18 =	vld.idx.msk [tilespmem:v18+s15+$0x0], $0xffff  }
0x16f: {  	v10 =	vand.u32 v34, v10;
	v34 =	vmovc v33;
	v33 =	vmov v32;
	v2 =	vand.u32 v32, v2;
	v45 =	vld.idx.msk [tilespmem:v45+s15+$0x0], $0xffff  }
0x170: {  	v15 =	vld.idx.msk [tilespmem:v15+s15+$0x0], $0xffff;
	v32 =	vmovc v31;
	v31 =	vmovc v30;
	v30 =	vmov v27;
	v27 =	vmov v26;
	v26 =	vmov v23  }
0x171: {  	v44 =	vld.idx.msk [tilespmem:v44+s15+$0x0], $0xffff;
	v23 =	vmovc v22;
	v22 =	vmovc v19;
	v19 =	vmov v55;
	v55 =	vand.u32 v57, v63;
	v57 =	vor.u32 s28, v12  }
0x172: {  	v57 =	vand.u32 v60, v57;
	v60 =	vld [tilespmem:$0x1FF80]  }
0x173: {  	v47 =	vld.idx.msk [tilespmem:v47+s15+$0x0], $0xffff  }
0x174: {  	v46 =	vld.idx.msk [tilespmem:v46+s15+$0x0], $0xffff  }
0x175: {  	v48 =	vld.idx.msk [tilespmem:v48+s15+$0x0], $0xffff  }
0x176: {  	v58 =	vor.u32 s28, v13;
	v49 =	vld.idx.msk [tilespmem:v49+s15+$0x0], $0xffff  }
0x177: {  	v58 =	vand.u32 v60, v58;
	v60 =	vld [tilespmem:$0x1FF90]  }
0x178: {  	v54 =	vor.u32 s28, v5;
	v63 =	vld [tilespmem:$0x1FFA0]  }
0x179: {  	v54 =	vand.u32 v42, v54;
	v51 =	vld.idx.msk [tilespmem:v51+s15+$0x0], $0xffff  }
0x17a: {  	v56 =	vor.u32 s28, v9;
	v53 =	vld.idx.msk [tilespmem:v53+s15+$0x0], $0xffff  }
0x17b: {  	v59 =	vor.u32 s28, v16;
	v56 =	vand.u32 v43, v56;
	v10 =	vld.idx.msk [tilespmem:v10+s15+$0x0], $0xffff  }
0x17c: {  	v2 =	vld.idx.msk [tilespmem:v2+s15+$0x0], $0xffff;
	v59 =	vand.u32 v60, v59;
	v60 =	vor.u32 s28, v17  }
0x17d: {  	v60 =	vand.u32 v63, v60;
	v63 =	vld [tilespmem:$0x1FFB0]  }
0x17e: {  	v15 =	vadd.f32 v15, v46;
	v46 =	vld.idx.msk [tilespmem:v54+s15+$0x0], $0xffff  }
0x17f: {  	v44 =	vadd.f32 v47, v44;
	v54 =	vld [tilespmem:$0x1FFD0]  }
0x180: {  	v47 =	vld.idx.msk [tilespmem:v56+s15+$0x0], $0xffff  }
0x181: {  	v50 =	vor.u32 s26, v29;
	v61 =	vor.u32 s28, v20;
	v44 =	vadd.f32 v48, v44;
	v48 =	vld.idx.msk [tilespmem:v55+s15+$0x0], $0xffff  }
0x182: {  	v15 =	vadd.f32 v49, v15;
	v61 =	vand.u32 v63, v61;
	v63 =	vld [tilespmem:$0x1FFC0]  }
0x183: {  	v56 =	vor.u32 s28, v24;
	v49 =	vld.idx.msk [tilespmem:v52+s15+$0x0], $0xffff  }
0x184: {  	v44 =	vadd.f32 v45, v44;
	v15 =	vadd.f32 v18, v15;
	v54 =	vand.u32 v54, v56;
	v56 =	vld [tilespmem:$0x1FFE0]  }
0x185: {  	v45 =	vld.idx.msk [tilespmem:v57+s15+$0x0], $0xffff  }
0x186: {  	v62 =	vor.u32 s28, v21;
	v2 =	vadd.f32 v2, v44;
	v14 =	vadd.f32 v14, v15;
	v15 =	vld.idx.msk [tilespmem:v50+s15+$0x0], $0xffff  }
0x187: {  	v57 =	vld.idx.msk [tilespmem:v59+s15+$0x0], $0xffff;
	v62 =	vand.u32 v63, v62  }
0x188: {  	v18 =	vadd.f32 v53, v51;
	v2 =	vadd.f32 v10, v2;
	v59 =	vld.idx.msk [tilespmem:v58+s15+$0x0], $0xffff;
	v63 =	vor.u32 s28, v25  }
0x189: {  	v11 =	vadd.f32 v11, v14;
	v14 =	vadd.f32 v46, v49;
	v56 =	vand.u32 v56, v63  }
0x18a: {  	v10 =	vadd.f32 v48, v18;
	v2 =	vadd.f32 v7, v2;
	v18 =	vld.idx.msk [tilespmem:v60+s15+$0x0], $0xffff;
	v63 =	vor.u32 s28, v29  }
0x18b: {  	v55 =	vor.u32 s28, v28;
	v3 =	vadd.f32 v3, v11;
	v11 =	vadd.f32 v47, v14;
	v61 =	vld.idx.msk [tilespmem:v61+s15+$0x0], $0xffff  }
0x18c: {  	v7 =	vadd.f32 v45, v10;
	v2 =	vadd.f32 v6, v2;
	v10 =	vld.idx.msk [tilespmem:v62+s15+$0x0], $0xffff  }
0x18d: {  	v14 =	vld.idx.msk [tilespmem:v54+s15+$0x0], $0xffff;
	v3 =	vadd.f32 v15, v3;
	v11 =	vadd.f32 v59, v11  }
0x18e: {  	v6 =	vadd.f32 v57, v7;
	v7 =	vld.idx.msk [tilespmem:v56+s15+$0x0], $0xffff  }
0x18f: {  	v2 =	vadd.f32 v3, v2;
	v11 =	vadd.f32 v18, v11;
	v15 =	vld.idx.msk [tilespmem:v63+s15+$0x0], $0xffff  }
0x190: {  	v63 =	vld.idx.msk [tilespmem:v55+s15+$0x0], $0xffff  }
0x191: {  	(xrf2) =	vadd.scan.msk.f32 $0xffff, v2;
	v6 =	vadd.f32 v61, v6;
	v3 =	vadd.f32 v10, v11;
	_ =	sdelay $0x1  }
0x192: {  	v6 =	vadd.f32 v14, v6;
	v2 =	vadd.f32 v7, v3;
	_ =	sdelay $0x1  }
0x193: {  	v3 =	vadd.f32 v63, v6;
	v2 =	vadd.f32 v15, v2;
	_ =	sdelay $0x1  }
0x194: {  	p0 =	sne.s32 s25, $0xE00;
	v2 =	vadd.f32 v2, v3  }
.Ltmp1:
0x195: {  	_ = 	snop;
	(pc) =	sbr.rel @p0 .LBB2_5-.Ltmp1, $4  }
0x196: {  	v55 =	vmovc v19;
	v19 =	vmovc v22;
	v22 =	vmov v23;
	v23 =	vmov v26;
	v26 =	vmov v27  }
0x197: {  	v27 =	vmovc v30;
	v30 =	vmovc v31;
	v31 =	vmov v32;
	v32 =	vmov v33;
	v33 =	vmov v34  }
0x198: {  	s24 =	sadd.s32 $0x20, s24;
	s31 =	spop (v2sf);
	v34 =	vmov v35;
	v35 =	vmov v36;
	v36 =	vmov v37;
	(xrf2) =	vadd.scan.msk.f32 $0xffff, v2;
	v2, _, _ =	vpop (xrf2)  }
0x199: {  	s25 =	sadd.s32 $0x200, s25;
	s23 =	smov.u32 s24;
	v37 =	vmovc v38;
	v38 =	vmovc v39;
	v39 =	vmov v40;
	v40 =	vmov v41;
	v48 =	vadd.f32 s31, v2  }
0x19a: {  	_ =	sdelay $0x6  }
0x19b: {  	v2 =	vbroadcast v48, $0xF  }
0x19c: {  	v3, _, _ =	vpop (xrf2)  }
0x19d: {  	v41 =	vimm.s32 $0x7F;
	v47 =	vadd.f32 v3, v2  }
0x19e: {  	[tilespmem:s23+$0xFFFFFFF0] =	vst v48  }
0x19f: {  	s22 =	sshll.u32 s22, $0x7;
	[tilespmem:s23+$0x0] =	vst v47  }
0x1a0: {  	v2 =	vld [tilespmem:s22+$0x2100];
	_ =	sdelay $0x1  }
0x1a1: {  	v3 =	vld.idx.msk [tilespmem:v41+s17+$0x0], $0xffff  }
0x1a2: {  	v63 =	vbroadcast v47, $0xF;
	_ =	sdelay $0x1  }
0x1a3: {  	v49 =	vmul.f32 v2, v63;
	_ =	sdelay $0x1  }
0x1a4: {  	v43 =	vimm.s32 $0x0;
	vm0 =	vlt.f32 v3, v49  }
0x1a5: {  	v2 =	vsel vm0, $0x80, v43  }
0x1a6: {  	v3 =	vor.u32 $0x3F, v2;
	_ =	sdelay $0x4  }
0x1a7: {  	v3 =	vld.idx.msk [tilespmem:v3+s17+$0x0], $0xffff;
	_ =	sdelay $0x4  }
0x1a8: {  	v6 =	vor.u32 $0x40, v2;
	vm13 =	vlt.f32 v3, v49  }
0x1a9: {  	v3 =	vsel vm13, v6, v2  }
0x1aa: {  	v6 =	vand.u32 $0x40, v3  }
0x1ab: {  	v2 =	vor.u32 v6, v2  }
0x1ac: {  	v2 =	vor.u32 $0x1F, v2;
	_ =	sdelay $0x4  }
0x1ad: {  	v2 =	vld.idx.msk [tilespmem:v2+s17+$0x0], $0xffff;
	_ =	sdelay $0x4  }
0x1ae: {  	v6 =	vor.u32 $0x20, v3;
	vm14 =	vlt.f32 v2, v49  }
0x1af: {  	v2 =	vsel vm14, v6, v3  }
0x1b0: {  	v3 =	vor.u32 $0xF, v2;
	_ =	sdelay $0x4  }
0x1b1: {  	v3 =	vld.idx.msk [tilespmem:v3+s17+$0x0], $0xffff;
	_ =	sdelay $0x4  }
0x1b2: {  	v6 =	vor.u32 $0x10, v2;
	vm15 =	vlt.f32 v3, v49  }
0x1b3: {  	v2 =	vsel vm15, v6, v2  }
0x1b4: {  	v3 =	vadd.s32 $0x7, v2;
	_ =	sdelay $0x4  }
0x1b5: {  	v3 =	vld.idx.msk [tilespmem:v3+s17+$0x0], $0xffff;
	_ =	sdelay $0x4  }
0x1b6: {  	v6 =	vadd.s32 $0x8, v2;
	vm4 =	vlt.f32 v3, v49  }
0x1b7: {  	v2 =	vsel vm4, v6, v2  }
0x1b8: {  	v3 =	vadd.s32 $0x3, v2;
	_ =	sdelay $0x4  }
0x1b9: {  	v3 =	vld.idx.msk [tilespmem:v3+s17+$0x0], $0xffff;
	_ =	sdelay $0x4  }
0x1ba: {  	v6 =	vadd.s32 $0x4, v2;
	vm5 =	vlt.f32 v3, v49  }
0x1bb: {  	v2 =	vsel vm5, v6, v2  }
0x1bc: {  	v3 =	vadd.s32 $0x1, v2;
	_ =	sdelay $0x4  }
0x1bd: {  	v3 =	vld.idx.msk [tilespmem:v3+s17+$0x0], $0xffff;
	_ =	sdelay $0x4  }
0x1be: {  	v6 =	vadd.s32 $0x2, v2;
	vm6 =	vlt.f32 v3, v49  }
0x1bf: {  	v2 =	vsel vm6, v6, v2;
	_ =	sdelay $0x4  }
0x1c0: {  	v3 =	vld.idx.msk [tilespmem:v2+s17+$0x0], $0xffff;
	_ =	sdelay $0x4  }
0x1c1: {  	vm7 =	vlt.f32 v3, v49  }
0x1c2: {  	v3 =	vsel vm7, $0x1, v43  }
0x1c3: {  	v2 =	vadd.s32 v3, v2  }
0x1c4: {  	v51 =	vimm.s32 $0x1;
	v3 =	vmax.u32 v2, $0x1  }
0x1c5: {  	v3 =	vsub.s32 v3, v51  }
0x1c6: {  	v6 =	vshll.u32 v2, $0x4;
	_ =	sdelay $0x1  }
0x1c7: {  	v7 =	vor.u32 $0x1, v6;
	_ =	sdelay $0x1  }
0x1c8: {  	v10 =	vor.u32 $0x2, v6;
	v3 =	vld.idx.msk [tilespmem:v3+s17+$0x0], $0xffff  }
0x1c9: {  	v11 =	vld.idx.msk [tilespmem:v6+s15+$0x0], $0xffff  }
0x1ca: {  	v14 =	vor.u32 $0x3, v6  }
0x1cb: {  	v7 =	vld.idx.msk [tilespmem:v7+s15+$0x0], $0xffff  }
0x1cc: {  	vm8 =	veq.s32 v2, $0x0;
	v2 =	vor.u32 $0x4, v6  }
0x1cd: {  	v10 =	vld.idx.msk [tilespmem:v10+s15+$0x0], $0xffff;
	v3 =	vsel vm8, $0x0, v3  }
0x1ce: {  	v3 =	vadd.f32 v3, v11;
	v11 =	vor.u32 $0x5, v6  }
0x1cf: {  	v14 =	vld.idx.msk [tilespmem:v14+s15+$0x0], $0xffff  }
0x1d0: {  	v15 =	vor.u32 $0x6, v6;
	v7 =	vadd.f32 v3, v7  }
0x1d1: {  	v2 =	vld.idx.msk [tilespmem:v2+s15+$0x0], $0xffff  }
0x1d2: {  	v18 =	vor.u32 $0x7, v6;
	v10 =	vadd.f32 v7, v10  }
0x1d3: {  	v11 =	vld.idx.msk [tilespmem:v11+s15+$0x0], $0xffff  }
0x1d4: {  	v44 =	vor.u32 $0x8, v6;
	v14 =	vadd.f32 v10, v14  }
0x1d5: {  	v15 =	vld.idx.msk [tilespmem:v15+s15+$0x0], $0xffff  }
0x1d6: {  	v45 =	vor.u32 $0x9, v6;
	v2 =	vadd.f32 v14, v2  }
0x1d7: {  	vm9 =	vlt.f32 v3, v49;
	v3 =	vld.idx.msk [tilespmem:v18+s15+$0x0], $0xffff  }
0x1d8: {  	v46 =	vor.u32 $0xA, v6;
	v11 =	vadd.f32 v2, v11  }
0x1d9: {  	vm10 =	vlt.f32 v7, v49;
	v7 =	vld.idx.msk [tilespmem:v44+s15+$0x0], $0xffff  }
0x1da: {  	v50 =	vor.u32 $0xB, v6;
	v15 =	vadd.f32 v11, v15  }
0x1db: {  	v56 =	vor.u32 $0xC, v6;
	vm11 =	vlt.f32 v10, v49;
	v10 =	vld.idx.msk [tilespmem:v45+s15+$0x0], $0xffff  }
0x1dc: {  	v58 =	vor.u32 $0xD, v6;
	v18 =	vsel vm9, $0x1, v43;
	v3 =	vadd.f32 v15, v3  }
0x1dd: {  	v60 =	vor.u32 $0xE, v6;
	v18 =	vor.u32 v18, v6;
	vm12 =	vlt.f32 v14, v49;
	v14 =	vld.idx.msk [tilespmem:v46+s15+$0x0], $0xffff  }
0x1de: {  	v6 =	vor.u32 $0xF, v6;
	v53 =	vsel vm10, $0x1, v43;
	v7 =	vadd.f32 v3, v7  }
0x1df: {  	v18 =	vadd.s32 v53, v18;
	v54 =	vsel vm11, $0x1, v43;
	vm13 =	vlt.f32 v2, v49;
	v2 =	vld.idx.msk [tilespmem:v50+s15+$0x0], $0xffff  }
0x1e0: {  	v18 =	vadd.s32 v54, v18;
	v57 =	vsel vm12, $0x1, v43;
	v10 =	vadd.f32 v7, v10  }
0x1e1: {  	v18 =	vadd.s32 v57, v18;
	v59 =	vsel vm13, $0x1, v43;
	vm14 =	vlt.f32 v11, v49;
	v11 =	vld.idx.msk [tilespmem:v56+s15+$0x0], $0xffff  }
0x1e2: {  	v18 =	vadd.s32 v59, v18;
	v61 =	vsel vm14, $0x1, v43;
	v14 =	vadd.f32 v10, v14  }
0x1e3: {  	v18 =	vadd.s32 v61, v18;
	vm15 =	vlt.f32 v15, v49;
	v15 =	vld.idx.msk [tilespmem:v58+s15+$0x0], $0xffff  }
0x1e4: {  	v62 =	vsel vm15, $0x1, v43;
	vm4 =	vlt.f32 v3, v49;
	v2 =	vadd.f32 v14, v2  }
0x1e5: {  	v3 =	vadd.s32 v62, v18;
	v18 =	vsel vm4, $0x1, v43;
	vm5 =	vlt.f32 v7, v49;
	v7 =	vld.idx.msk [tilespmem:v60+s15+$0x0], $0xffff  }
0x1e6: {  	v3 =	vadd.s32 v18, v3;
	v18 =	vsel vm5, $0x1, v43;
	v11 =	vadd.f32 v2, v11  }
0x1e7: {  	v6 =	vld.idx.msk [tilespmem:v6+s15+$0x0], $0xffff;
	v3 =	vadd.s32 v18, v3;
	vm6 =	vlt.f32 v10, v49  }
0x1e8: {  	v10 =	vsel vm6, $0x1, v43;
	vm7 =	vlt.f32 v14, v49;
	v14 =	vadd.f32 v11, v15  }
0x1e9: {  	v3 =	vadd.s32 v10, v3;
	v10 =	vsel vm7, $0x1, v43;
	vm8 =	vlt.f32 v2, v49  }
0x1ea: {  	v2 =	vadd.s32 v10, v3;
	v3 =	vsel vm8, $0x1, v43;
	v7 =	vadd.f32 v14, v7  }
0x1eb: {  	v2 =	vadd.s32 v3, v2;
	vm9 =	vlt.f32 v11, v49  }
0x1ec: {  	v3 =	vld [tilespmem:s22+$0x4100];
	v10 =	vsel vm9, $0x1, v43;
	vm10 =	vlt.f32 v14, v49;
	v6 =	vadd.f32 v7, v6  }
0x1ed: {  	v2 =	vadd.s32 v10, v2;
	v10 =	vsel vm10, $0x1, v43;
	vm11 =	vlt.f32 v7, v49  }
0x1ee: {  	v2 =	vadd.s32 v10, v2;
	v7 =	vsel vm11, $0x1, v43;
	vm12 =	vlt.f32 v6, v49  }
0x1ef: {  	v2 =	vadd.s32 v7, v2;
	v6 =	vsel vm12, $0x1, v43  }
0x1f0: {  	v2 =	vadd.s32 v6, v2  }
0x1f1: {  	vm13 =	vgt.s32 v3, $0x0;
	v2 =	vmin.u32 v2, $0xFFF  }
0x1f2: {  	v3 =	vld [tilespmem:s22+$0x2110];
	v2 =	vnsel vm13, $0xFFFFFFFF, v2  }
0x1f3: {  	[tilespmem:s22+$0x6100] =	vst v2  }
0x1f4: {  	v2 =	vld.idx.msk [tilespmem:v41+s17+$0x0], $0xffff;
	_ =	sdelay $0x2  }
0x1f5: {  	v48 =	vmul.f32 v3, v63;
	_ =	sdelay $0x1  }
0x1f6: {  	vm14 =	vlt.f32 v2, v48  }
0x1f7: {  	v2 =	vsel vm14, $0x80, v43  }
0x1f8: {  	v3 =	vor.u32 $0x3F, v2;
	_ =	sdelay $0x4  }
0x1f9: {  	v3 =	vld.idx.msk [tilespmem:v3+s17+$0x0], $0xffff;
	_ =	sdelay $0x4  }
0x1fa: {  	v6 =	vor.u32 $0x40, v2;
	vm15 =	vlt.f32 v3, v48  }
0x1fb: {  	v3 =	vsel vm15, v6, v2  }
0x1fc: {  	v6 =	vand.u32 $0x40, v3  }
0x1fd: {  	v2 =	vor.u32 v6, v2  }
0x1fe: {  	v2 =	vor.u32 $0x1F, v2;
	_ =	sdelay $0x4  }
0x1ff: {  	v2 =	vld.idx.msk [tilespmem:v2+s17+$0x0], $0xffff;
	_ =	sdelay $0x4  }
0x200: {  	v6 =	vor.u32 $0x20, v3;
	vm4 =	vlt.f32 v2, v48  }
0x201: {  	v2 =	vsel vm4, v6, v3  }
0x202: {  	v3 =	vor.u32 $0xF, v2;
	_ =	sdelay $0x4  }
0x203: {  	v3 =	vld.idx.msk [tilespmem:v3+s17+$0x0], $0xffff;
	_ =	sdelay $0x4  }
0x204: {  	v6 =	vor.u32 $0x10, v2;
	vm5 =	vlt.f32 v3, v48  }
0x205: {  	v2 =	vsel vm5, v6, v2  }
0x206: {  	v3 =	vadd.s32 $0x7, v2;
	_ =	sdelay $0x4  }
0x207: {  	v3 =	vld.idx.msk [tilespmem:v3+s17+$0x0], $0xffff;
	_ =	sdelay $0x4  }
0x208: {  	v6 =	vadd.s32 $0x8, v2;
	vm6 =	vlt.f32 v3, v48  }
0x209: {  	v2 =	vsel vm6, v6, v2  }
0x20a: {  	v3 =	vadd.s32 $0x3, v2;
	_ =	sdelay $0x4  }
0x20b: {  	v3 =	vld.idx.msk [tilespmem:v3+s17+$0x0], $0xffff;
	_ =	sdelay $0x4  }
0x20c: {  	v6 =	vadd.s32 $0x4, v2;
	vm7 =	vlt.f32 v3, v48  }
0x20d: {  	v2 =	vsel vm7, v6, v2  }
0x20e: {  	v3 =	vadd.s32 $0x1, v2;
	_ =	sdelay $0x4  }
0x20f: {  	v3 =	vld.idx.msk [tilespmem:v3+s17+$0x0], $0xffff;
	_ =	sdelay $0x4  }
0x210: {  	v6 =	vadd.s32 $0x2, v2;
	vm8 =	vlt.f32 v3, v48  }
0x211: {  	v2 =	vsel vm8, v6, v2;
	_ =	sdelay $0x4  }
0x212: {  	v3 =	vld.idx.msk [tilespmem:v2+s17+$0x0], $0xffff;
	_ =	sdelay $0x4  }
0x213: {  	vm9 =	vlt.f32 v3, v48  }
0x214: {  	v3 =	vsel vm9, $0x1, v43  }
0x215: {  	v2 =	vadd.s32 v3, v2  }
0x216: {  	v3 =	vmax.u32 v2, $0x1  }
0x217: {  	v3 =	vsub.s32 v3, v51  }
0x218: {  	v6 =	vshll.u32 v2, $0x4;
	_ =	sdelay $0x1  }
0x219: {  	v7 =	vor.u32 $0x1, v6;
	_ =	sdelay $0x1  }
0x21a: {  	v10 =	vor.u32 $0x2, v6;
	v3 =	vld.idx.msk [tilespmem:v3+s17+$0x0], $0xffff  }
0x21b: {  	v11 =	vld.idx.msk [tilespmem:v6+s15+$0x0], $0xffff  }
0x21c: {  	v14 =	vor.u32 $0x3, v6  }
0x21d: {  	v7 =	vld.idx.msk [tilespmem:v7+s15+$0x0], $0xffff  }
0x21e: {  	vm10 =	veq.s32 v2, $0x0;
	v2 =	vor.u32 $0x4, v6  }
0x21f: {  	v10 =	vld.idx.msk [tilespmem:v10+s15+$0x0], $0xffff;
	v3 =	vsel vm10, $0x0, v3  }
0x220: {  	v3 =	vadd.f32 v3, v11;
	v11 =	vor.u32 $0x5, v6  }
0x221: {  	v14 =	vld.idx.msk [tilespmem:v14+s15+$0x0], $0xffff  }
0x222: {  	v15 =	vor.u32 $0x6, v6;
	v7 =	vadd.f32 v3, v7  }
0x223: {  	v2 =	vld.idx.msk [tilespmem:v2+s15+$0x0], $0xffff  }
0x224: {  	v18 =	vor.u32 $0x7, v6;
	v10 =	vadd.f32 v7, v10  }
0x225: {  	v11 =	vld.idx.msk [tilespmem:v11+s15+$0x0], $0xffff  }
0x226: {  	v63 =	vor.u32 $0x8, v6;
	v14 =	vadd.f32 v10, v14  }
0x227: {  	v15 =	vld.idx.msk [tilespmem:v15+s15+$0x0], $0xffff  }
0x228: {  	v41 =	vor.u32 $0x9, v6;
	v2 =	vadd.f32 v14, v2  }
0x229: {  	vm11 =	vlt.f32 v3, v48;
	v3 =	vld.idx.msk [tilespmem:v18+s15+$0x0], $0xffff  }
0x22a: {  	v52 =	vor.u32 $0xA, v6;
	v11 =	vadd.f32 v2, v11  }
0x22b: {  	vm12 =	vlt.f32 v7, v48;
	v7 =	vld.idx.msk [tilespmem:v63+s15+$0x0], $0xffff  }
0x22c: {  	v54 =	vor.u32 $0xB, v6;
	v15 =	vadd.f32 v11, v15  }
0x22d: {  	v57 =	vor.u32 $0xC, v6;
	vm13 =	vlt.f32 v10, v48;
	v10 =	vld.idx.msk [tilespmem:v41+s15+$0x0], $0xffff  }
0x22e: {  	v59 =	vor.u32 $0xD, v6;
	v18 =	vsel vm11, $0x1, v43;
	v3 =	vadd.f32 v15, v3  }
0x22f: {  	v61 =	vor.u32 $0xE, v6;
	v18 =	vor.u32 v18, v6;
	vm14 =	vlt.f32 v14, v48;
	v14 =	vld.idx.msk [tilespmem:v52+s15+$0x0], $0xffff  }
0x230: {  	v6 =	vor.u32 $0xF, v6;
	v53 =	vsel vm12, $0x1, v43;
	v7 =	vadd.f32 v3, v7  }
0x231: {  	v18 =	vadd.s32 v53, v18;
	v56 =	vsel vm13, $0x1, v43;
	vm15 =	vlt.f32 v2, v48;
	v2 =	vld.idx.msk [tilespmem:v54+s15+$0x0], $0xffff  }
0x232: {  	v18 =	vadd.s32 v56, v18;
	v58 =	vsel vm14, $0x1, v43;
	v10 =	vadd.f32 v7, v10  }
0x233: {  	v18 =	vadd.s32 v58, v18;
	v60 =	vsel vm15, $0x1, v43;
	vm4 =	vlt.f32 v11, v48;
	v11 =	vld.idx.msk [tilespmem:v57+s15+$0x0], $0xffff  }
0x234: {  	v18 =	vadd.s32 v60, v18;
	v62 =	vsel vm4, $0x1, v43;
	v14 =	vadd.f32 v10, v14  }
0x235: {  	(v2sf) =	vpush v47, $0xF;
	v18 =	vadd.s32 v62, v18;
	vm5 =	vlt.f32 v15, v48;
	v15 =	vld.idx.msk [tilespmem:v59+s15+$0x0], $0xffff  }
0x236: {  	v63 =	vsel vm5, $0x1, v43;
	vm6 =	vlt.f32 v3, v48;
	v2 =	vadd.f32 v14, v2  }
0x237: {  	v3 =	vadd.s32 v63, v18;
	v18 =	vsel vm6, $0x1, v43;
	vm7 =	vlt.f32 v7, v48;
	v7 =	vld.idx.msk [tilespmem:v61+s15+$0x0], $0xffff  }
0x238: {  	v3 =	vadd.s32 v18, v3;
	v18 =	vsel vm7, $0x1, v43;
	v11 =	vadd.f32 v2, v11  }
0x239: {  	v6 =	vld.idx.msk [tilespmem:v6+s15+$0x0], $0xffff;
	v3 =	vadd.s32 v18, v3;
	vm8 =	vlt.f32 v10, v48  }
0x23a: {  	v10 =	vsel vm8, $0x1, v43;
	vm9 =	vlt.f32 v14, v48;
	v14 =	vadd.f32 v11, v15  }
0x23b: {  	v3 =	vadd.s32 v10, v3;
	v10 =	vsel vm9, $0x1, v43;
	vm10 =	vlt.f32 v2, v48  }
0x23c: {  	v41 =	vld [tilespmem:$0x1FFF0];
	v2 =	vadd.s32 v10, v3;
	v3 =	vsel vm10, $0x1, v43;
	v7 =	vadd.f32 v14, v7  }
0x23d: {  	v2 =	vadd.s32 v3, v2;
	vm11 =	vlt.f32 v11, v48;
	v3 =	vld [tilespmem:s22+$0x4110]  }
0x23e: {  	v11 =	vld [tilespmem:$0x1FFC0];
	v10 =	vsel vm11, $0x1, v43;
	vm12 =	vlt.f32 v14, v48;
	v6 =	vadd.f32 v7, v6  }
0x23f: {  	s21 =	sadd.s32 $0x1, s21;
	v15 =	vld [tilespmem:$0x1FFE0];
	v2 =	vadd.s32 v10, v2;
	v10 =	vsel vm12, $0x1, v43;
	vm13 =	vlt.f32 v7, v48  }
0x240: {  	p0 =	sne.s32 s21, $0x20;
	v14 =	vld [tilespmem:$0x1FFD0];
	v2 =	vadd.s32 v10, v2;
	v7 =	vsel vm13, $0x1, v43;
	vm14 =	vlt.f32 v6, v48  }
.Ltmp2:
0x241: {  	v10 =	vld [tilespmem:$0x1FFB0];
	v2 =	vadd.s32 v7, v2;
	v6 =	vsel vm14, $0x1, v43;
	(pc) =	sbr.rel @p0 .LBB2_2-.Ltmp2, $4  }
0x242: {  	vm15 =	vgt.s32 v3, $0x0;
	v3 =	vld [tilespmem:$0x1FF80];
	v2 =	vadd.s32 v6, v2  }
0x243: {  	v7 =	vld [tilespmem:$0x1FFA0];
	v2 =	vmin.u32 v2, $0xFFF  }
0x244: {  	v6 =	vld [tilespmem:$0x1FF90];
	v2 =	vnsel vm15, $0xFFFFFFFF, v2  }
0x245: {  	s31 =	spop (v2sf);
	[tilespmem:s22+$0x6110] =	vst v2;
	v2 =	vld [tilespmem:$0x1FF70]  }
0x246: {  	_ =	swait.ge [sflag:s16], $0x1000;
	s20 =	sadd.s32 $0x1, s20  }
0x247: {  	[sflag:s16] =	ssyncset.done $0x0;
	p0 =	sne.s32 s20, s9  }
.Ltmp3:
0x248: {  	[sflag:s16] =	ssyncadd.s32 $0xFFFFF000;
	(pc) =	sbr.rel @p0 .LBB2_1-.Ltmp3, $4  }
0x249: {  	[hbm4b:s8+s3] =	stream.linear.scatter [tilespmem:s19], [sflag:$0x3], $0x2000, $0x38;
	[tilespmem:$0x8100] =	vst v63  }
0x24a: {  	_ =	swait.ge [sflag:s11], $0x2000  }
0x24b: {  	[sflag:s11] =	ssyncset.done $0x0  }
0x24c: {  	[sflag:s11] =	ssyncadd.s32 $0xFFFFE000  }
0x24d: {  	_ =	sfence.sel $0x180000  }
0x24e: {  	[bflag:$0x0] =	sbarrier.arrive $0xFFFF  }
0x24f: {  	p0 =	sne.s32 s0, $0x0;
	_ =	strace $0x90000047  }
0x250: {  	s0 =	sadd.s32 @!p0 $0x100000, s2;
	[bflag:$0x2] =	sbarrier.arrive $0xFFFF  }
0x251: {  	[sflag:s0] =	ssyncadd.tile.s32 @!p0 $0x1;
	_ =	shalt  }
.Lfunc_end2:
_tile_overlayer_lowered:
.L_overlay_start_2:
0x252: {  	(tag) =	ssettag $0x2  }
0x253: {  	s0 =	rddreg [dreg:$0x0];
	s2 =	stileid.u32  }
0x254: {  	s1 =	rddreg [dreg:$0x1];
	p0 =	sne.s32 s2, $0x0  }
0x255: {  	s3 =	rddreg [dreg:$0x2];
	[bflag:$0x3] =	sbarrier.arrive $0xFFFF;
	s2 =	simm.s32 @!p0 $0x1C03  }
0x256: {  	[timem:s3], [sflag:s2] =	dma.local @!p0 [hbm:s0], s1  }
0x257: {  	s0 =	simm.s32 @!p0 $0x3  }
0x258: {  	_ =	swait.ge @!p0 [sflag:s0], s1  }
0x259: {  	s1 =	ssub.s32 @!p0 $0x0, s1;
	[sflag:s0] =	ssyncset.done @!p0 $0x0  }
0x25a: {  	[sflag:s0] =	ssyncadd.s32 @!p0 s1  }
0x25b: {  	[bflag:$0x3] =	sbarrier.arrive $0xFFFF  }
0x25c: {  	_ =	shalt  }

</sc_bundles>
